<compile_context>
chip_gen: v7x
topology: tpu7x:2x2x1
jax: 0.10.2.dev20260603
libtpu: 0.0.44.dev20260713+nightly
codegen_flags: <defaults>
</compile_context>

<pallas_src>
import functools

import jax
import jax.numpy as jnp
from jax import lax
from jax.experimental import pallas as pl
from jax.experimental.pallas import tpu as pltpu
from jax.experimental.pallas import tpu_sc as plsc

_VOCAB = 100000
_EMBED = 100
_SEQ = 200
_BATCH = 4096
_NCLS = 2

_VB = 4096
_NSB = (_VOCAB + 2 * _VB - 1) // (2 * _VB)
_SBL = (2 * _VB).bit_length() - 1
_PW = _NSB * _VB
_NW = 32
_LANES = 16

_SEQC = _SEQ
_SPW = (_SEQC + _NW - 1) // _NW


def _bf16_code(x32):
    u = lax.bitcast_convert_type(x32, jnp.uint32)
    u = u + jnp.uint32(0x7FFF) + ((u >> jnp.uint32(16)) & jnp.uint32(1))
    return u >> jnp.uint32(16)


def _mm_body(w0_ref, w1_ref, tab_ref, p_ref):
    wd = w0_ref[...] - w1_ref[...]
    dims = (((1,), (1,)), ((), ()))
    p_full = lax.dot_general(wd, tab_ref[...], dims,
                             preferred_element_type=jnp.float32)
    p_lo = p_full[:, :_VB]
    p_hi = p_full[:, _VB:]
    word = _bf16_code(p_lo) | (_bf16_code(p_hi) << jnp.uint32(16))
    p_ref[...] = lax.bitcast_convert_type(word, jnp.int32)


def _make_p(w0c, w1c, table):
    return pl.pallas_call(
        _mm_body,
        grid=(_NSB,),
        in_specs=[
            pl.BlockSpec((_SEQC, _EMBED), lambda i: (0, 0)),
            pl.BlockSpec((_SEQC, _EMBED), lambda i: (0, 0)),
            pl.BlockSpec((2 * _VB, _EMBED), lambda i: (i, 0)),
        ],
        out_specs=pl.BlockSpec((_SEQC, _VB), lambda i: (0, i)),
        out_shape=jax.ShapeDtypeStruct((_SEQC, _PW), jnp.int32),
    )(w0c, w1c, table)


def _sc_body(soff, p_hbm, idxt_hbm, out_hbm,
             row0_v, row1_v, idx0_v, idx1_v, acc_v, sem0, sem1):
    wid = lax.axis_index("s") * 2 + lax.axis_index("c")
    rows = (row0_v, row1_v)
    idxs = (idx0_v, idx1_v)
    sems = (sem0, sem1)

    def fire(j, buf):
        local = wid + _NW * j

        @pl.when(local < _SEQC)
        def _():
            pltpu.async_copy(idxt_hbm.at[soff + local], idxs[buf], sems[buf])
            pltpu.async_copy(p_hbm.at[local], rows[buf], sems[buf])

    def drain(j, buf):
        local = wid + _NW * j

        @pl.when(local < _SEQC)
        def _():
            pltpu.make_async_copy(idxt_hbm.at[soff + local], idxs[buf],
                                  sems[buf]).wait()
            pltpu.make_async_copy(p_hbm.at[local], rows[buf],
                                  sems[buf]).wait()

    def gather_acc(j, buf, accumulate):
        local = wid + _NW * j

        @pl.when(local < _SEQC)
        def _():
            row_v, idx_v = rows[buf], idxs[buf]

            @plsc.parallel_loop(0, _BATCH, _LANES, unroll=16)
            def _(i):
                iv = idx_v[pl.ds(i, _LANES)]
                hi = (iv & _VB) != 0
                w = ((iv >> _SBL) << (_SBL - 1)) | (iv & (_VB - 1))
                word = plsc.load_gather(row_v, [w])
                fbits = jnp.where(
                    hi,
                    word & jnp.int32(-65536),
                    word << jnp.int32(16))
                vals = plsc.bitcast(fbits, jnp.float32)
                if accumulate:
                    vals = acc_v[pl.ds(i, _LANES)] + vals
                acc_v[pl.ds(i, _LANES)] = vals

    fire(0, 0)
    for j in range(_SPW):
        if j + 1 < _SPW:
            fire(j + 1, (j + 1) % 2)
        drain(j, j % 2)
        gather_acc(j, j % 2, j > 0)
    pltpu.sync_copy(acc_v, out_hbm.at[wid])


def _sc_gather(p_chunk, idxt, soff):
    mesh = plsc.VectorSubcoreMesh(core_axis_name="c", subcore_axis_name="s")
    kfn = functools.partial(
        pl.kernel,
        mesh=mesh,
        compiler_params=pltpu.CompilerParams(needs_layout_passes=False),
        out_type=jax.ShapeDtypeStruct((_NW, _BATCH), jnp.float32),
        scratch_types=[
            pltpu.VMEM((_PW,), jnp.int32),
            pltpu.VMEM((_PW,), jnp.int32),
            pltpu.VMEM((_BATCH,), jnp.int32),
            pltpu.VMEM((_BATCH,), jnp.int32),
            pltpu.VMEM((_BATCH,), jnp.float32),
            pltpu.SemaphoreType.DMA,
            pltpu.SemaphoreType.DMA,
        ],
    )(functools.partial(_sc_body, soff))
    return kfn(p_chunk, idxt)


_BT = 4096


def _tr_body(x_ref, o_ref):
    o_ref[...] = x_ref[...].T


def _transpose_idx(idx):
    return pl.pallas_call(
        _tr_body,
        grid=(_BATCH // _BT,),
        in_specs=[pl.BlockSpec((_BT, _SEQ), lambda i: (i, 0))],
        out_specs=pl.BlockSpec((_SEQ, _BT), lambda i: (0, i)),
        out_shape=jax.ShapeDtypeStruct((_SEQ, _BATCH), jnp.int32),
    )(idx)


def _fin_body(pa_ref, bias_ref, out_ref):
    d = jnp.sum(pa_ref[...], axis=0, keepdims=True)
    bd = bias_ref[...][0:1, 0:1] - bias_ref[...][0:1, 1:2]
    d = d + bd
    ad = jnp.abs(d)
    t = jnp.log1p(jnp.exp(-ad))
    sp_pos = jnp.maximum(d, 0.0) + t
    sp_neg = jnp.maximum(-d, 0.0) + t
    out_ref[...] = jnp.concatenate([-sp_neg, -sp_pos], axis=0)


def _finalize(pa, b):
    return pl.pallas_call(
        _fin_body,
        out_shape=jax.ShapeDtypeStruct((_NCLS, _BATCH), jnp.float32),
    )(pa, b.reshape(1, _NCLS).astype(jnp.float32))


def kernel(input_data, emb_table, W, b):
    idx = input_data.astype(jnp.int32)
    idxt = _transpose_idx(idx)
    wr = W.reshape(_SEQ, _EMBED, _NCLS)
    p = _make_p(wr[:, :, 0], wr[:, :, 1], emb_table)
    partials = _sc_gather(p, idxt, 0)
    out2 = _finalize(partials, b)
    return out2.T

# --- scband reference (transcript-rebuilt; emitter-appended) ---
"""Pipeline reference for scband-imdb-model-9929964388955 (READ-ONLY COPY).

The authoritative reference and input builder live on the scoring server;
editing this copy changes nothing except your own understanding.
"""

import jax, jax.numpy as jnp
import numpy as np

VOCAB = 100000
EMBED = 100
SEQ = 200
BATCH = 4096
PAD = 0
NUM_CLASSES = 2


def setup_inputs(seed: int = 0) -> dict:
    key = jax.random.key(seed)
    k1, k2, k3 = jax.random.split(key, 3)
    input_data = jax.random.randint(k1, (BATCH, SEQ), 0, VOCAB)
    emb_table = jax.random.normal(k2, (VOCAB, EMBED), dtype=jnp.float32)
    emb_table = emb_table.at[PAD].set(0.0)  # padding_idx row zeroed like nn.Embedding
    W = jax.random.normal(k3, (SEQ * EMBED, NUM_CLASSES), dtype=jnp.float32) * 0.01
    b = jnp.zeros((NUM_CLASSES,), dtype=jnp.float32)
    return {"input_data": input_data, "emb_table": emb_table, "W": W, "b": b}


def reference(input_data, emb_table, W, b):
    # input_embedding = self.embedding(input_data)
    x = jnp.take(emb_table, input_data, axis=0)  # [B, SEQ, EMBED]
    # input_embedding.view(B, -1)
    x = x.reshape(x.shape[0], -1)  # [B, SEQ*EMBED]
    # self.fc(...)
    out = x @ W + b  # [B, 2]
    # F.log_softmax(out, dim=-1)
    return jax.nn.log_softmax(out, axis=-1)

if __name__ == "__main__":
    import jax
    _d = setup_inputs()
    print(jax.jit(kernel)(*tuple(_d.values())))

</pallas_src>

<mosaic_0001>
#map = affine_map<(d0, d1) -> (0, 0)>
module attributes {stable_mosaic.version = 14 : i64} {
  func.func @_sc_body(%arg0: i32, %arg1: i32, %arg2: memref<200x53248xi32, #tpu.memory_space<hbm>>, %arg3: memref<200x4096xi32, #tpu.memory_space<hbm>>, %arg4: memref<32x4096xf32, #tpu.memory_space<hbm>>, %arg5: memref<53248xi32, #tpu.memory_space<vmem>>, %arg6: memref<53248xi32, #tpu.memory_space<vmem>>, %arg7: memref<4096xi32, #tpu.memory_space<vmem>>, %arg8: memref<4096xi32, #tpu.memory_space<vmem>>, %arg9: memref<4096xf32, #tpu.memory_space<vmem>>, %arg10: memref<!tpu.dma_semaphore, #tpu.memory_space<semaphore_mem>>, %arg11: memref<!tpu.dma_semaphore, #tpu.memory_space<semaphore_mem>>) attributes {dimension_semantics = [#tpu.dimension_semantics<core_parallel>, #tpu.dimension_semantics<subcore_parallel>], iteration_bounds = array<i64: 2, 16>, scalar_prefetch = 0 : i64, scratch_operands = 7 : i64, tpu.core_type = #tpu.core_type<sc_vector_subcore>, window_params = [{transform_indices = #map}, {transform_indices = #map}, {transform_indices = #map}]} {
    %mul3A = arith.constant 2 : i32
    %mul3A_0 = arith.muli %arg1, %mul3A : i32
    %add3A = arith.addi %mul3A_0, %arg0 : i32
    %add3A_1 = arith.constant 0 : i32
    %add3A_2 = arith.addi %add3A, %add3A_1 : i32
    %lt3A = arith.constant 200 : i32
    %lt3A_3 = arith.cmpi slt, %add3A_2, %lt3A : i32
    %convert_element_type3A = arith.extui %lt3A_3 : i1 to i32
    %cond3A = arith.constant 0 : i32
    %cond3A_4 = arith.cmpi ne, %convert_element_type3A, %cond3A : i32
    scf.if %cond3A_4 {
      %add3A_145 = arith.constant 0 : i32
      %add3A_146 = arith.addi %add3A_145, %add3A_2 : i32
      %dma_start3A = arith.constant 0 : i32
      %dma_start3A_147 = tpu.memref_slice %arg3[%add3A_146, %dma_start3A] : memref<200x4096xi32, #tpu.memory_space<hbm>> -> memref<1x4096xi32, #tpu.memory_space<hbm>>
      %dma_start3A_148 = tpu.memref_squeeze %dma_start3A_147 : memref<1x4096xi32, #tpu.memory_space<hbm>> -> memref<4096xi32, #tpu.memory_space<hbm>>
      %dma_start3A_149 = arith.constant 0 : i32
      %dma_start3A_150 = tpu.memref_slice %arg3[%add3A_146, %dma_start3A_149] : memref<200x4096xi32, #tpu.memory_space<hbm>> -> memref<1x4096xi32, #tpu.memory_space<hbm>>
      %dma_start3A_151 = tpu.memref_squeeze %dma_start3A_150 : memref<1x4096xi32, #tpu.memory_space<hbm>> -> memref<4096xi32, #tpu.memory_space<hbm>>
      tpu.enqueue_dma source(%dma_start3A_151 : memref<4096xi32, #tpu.memory_space<hbm>>) target(%arg7 : memref<4096xi32, #tpu.memory_space<vmem>>) target_semaphore(%arg10 : memref<!tpu.dma_semaphore, #tpu.memory_space<semaphore_mem>>)
      %dma_start3A_152 = arith.constant 0 : i32
      %dma_start3A_153 = tpu.memref_slice %arg2[%add3A_2, %dma_start3A_152] : memref<200x53248xi32, #tpu.memory_space<hbm>> -> memref<1x53248xi32, #tpu.memory_space<hbm>>
      %dma_start3A_154 = tpu.memref_squeeze %dma_start3A_153 : memref<1x53248xi32, #tpu.memory_space<hbm>> -> memref<53248xi32, #tpu.memory_space<hbm>>
      %dma_start3A_155 = arith.constant 0 : i32
      %dma_start3A_156 = tpu.memref_slice %arg2[%add3A_2, %dma_start3A_155] : memref<200x53248xi32, #tpu.memory_space<hbm>> -> memref<1x53248xi32, #tpu.memory_space<hbm>>
      %dma_start3A_157 = tpu.memref_squeeze %dma_start3A_156 : memref<1x53248xi32, #tpu.memory_space<hbm>> -> memref<53248xi32, #tpu.memory_space<hbm>>
      tpu.enqueue_dma source(%dma_start3A_157 : memref<53248xi32, #tpu.memory_space<hbm>>) target(%arg5 : memref<53248xi32, #tpu.memory_space<vmem>>) target_semaphore(%arg10 : memref<!tpu.dma_semaphore, #tpu.memory_space<semaphore_mem>>)
    } else {
    }
    %add3A_5 = arith.constant 32 : i32
    %add3A_6 = arith.addi %add3A, %add3A_5 : i32
    %lt3A_7 = arith.constant 200 : i32
    %lt3A_8 = arith.cmpi slt, %add3A_6, %lt3A_7 : i32
    %convert_element_type3A_9 = arith.extui %lt3A_8 : i1 to i32
    %cond3A_10 = arith.constant 0 : i32
    %cond3A_11 = arith.cmpi ne, %convert_element_type3A_9, %cond3A_10 : i32
    scf.if %cond3A_11 {
      %add3A_145 = arith.constant 0 : i32
      %add3A_146 = arith.addi %add3A_145, %add3A_6 : i32
      %dma_start3A = arith.constant 0 : i32
      %dma_start3A_147 = tpu.memref_slice %arg3[%add3A_146, %dma_start3A] : memref<200x4096xi32, #tpu.memory_space<hbm>> -> memref<1x4096xi32, #tpu.memory_space<hbm>>
      %dma_start3A_148 = tpu.memref_squeeze %dma_start3A_147 : memref<1x4096xi32, #tpu.memory_space<hbm>> -> memref<4096xi32, #tpu.memory_space<hbm>>
      %dma_start3A_149 = arith.constant 0 : i32
      %dma_start3A_150 = tpu.memref_slice %arg3[%add3A_146, %dma_start3A_149] : memref<200x4096xi32, #tpu.memory_space<hbm>> -> memref<1x4096xi32, #tpu.memory_space<hbm>>
      %dma_start3A_151 = tpu.memref_squeeze %dma_start3A_150 : memref<1x4096xi32, #tpu.memory_space<hbm>> -> memref<4096xi32, #tpu.memory_space<hbm>>
      tpu.enqueue_dma source(%dma_start3A_151 : memref<4096xi32, #tpu.memory_space<hbm>>) target(%arg8 : memref<4096xi32, #tpu.memory_space<vmem>>) target_semaphore(%arg11 : memref<!tpu.dma_semaphore, #tpu.memory_space<semaphore_mem>>)
      %dma_start3A_152 = arith.constant 0 : i32
      %dma_start3A_153 = tpu.memref_slice %arg2[%add3A_6, %dma_start3A_152] : memref<200x53248xi32, #tpu.memory_space<hbm>> -> memref<1x53248xi32, #tpu.memory_space<hbm>>
      %dma_start3A_154 = tpu.memref_squeeze %dma_start3A_153 : memref<1x53248xi32, #tpu.memory_space<hbm>> -> memref<53248xi32, #tpu.memory_space<hbm>>
      %dma_start3A_155 = arith.constant 0 : i32
      %dma_start3A_156 = tpu.memref_slice %arg2[%add3A_6, %dma_start3A_155] : memref<200x53248xi32, #tpu.memory_space<hbm>> -> memref<1x53248xi32, #tpu.memory_space<hbm>>
      %dma_start3A_157 = tpu.memref_squeeze %dma_start3A_156 : memref<1x53248xi32, #tpu.memory_space<hbm>> -> memref<53248xi32, #tpu.memory_space<hbm>>
      tpu.enqueue_dma source(%dma_start3A_157 : memref<53248xi32, #tpu.memory_space<hbm>>) target(%arg6 : memref<53248xi32, #tpu.memory_space<vmem>>) target_semaphore(%arg11 : memref<!tpu.dma_semaphore, #tpu.memory_space<semaphore_mem>>)
    } else {
    }
    %add3A_12 = arith.constant 0 : i32
    %add3A_13 = arith.addi %add3A, %add3A_12 : i32
    %lt3A_14 = arith.constant 200 : i32
    %lt3A_15 = arith.cmpi slt, %add3A_13, %lt3A_14 : i32
    %convert_element_type3A_16 = arith.extui %lt3A_15 : i1 to i32
    %cond3A_17 = arith.constant 0 : i32
    %cond3A_18 = arith.cmpi ne, %convert_element_type3A_16, %cond3A_17 : i32
    scf.if %cond3A_18 {
      %add3A_145 = arith.constant 0 : i32
      %add3A_146 = arith.addi %add3A_145, %add3A_13 : i32
      %dma_wait3A = arith.constant 0 : i32
      %dma_wait3A_147 = tpu.memref_slice %arg3[%add3A_146, %dma_wait3A] : memref<200x4096xi32, #tpu.memory_space<hbm>> -> memref<1x4096xi32, #tpu.memory_space<hbm>>
      %dma_wait3A_148 = tpu.memref_squeeze %dma_wait3A_147 : memref<1x4096xi32, #tpu.memory_space<hbm>> -> memref<4096xi32, #tpu.memory_space<hbm>>
      %dma_wait3A_149 = arith.constant 0 : i32
      %dma_wait3A_150 = tpu.memref_slice %arg3[%add3A_146, %dma_wait3A_149] : memref<200x4096xi32, #tpu.memory_space<hbm>> -> memref<1x4096xi32, #tpu.memory_space<hbm>>
      %dma_wait3A_151 = tpu.memref_squeeze %dma_wait3A_150 : memref<1x4096xi32, #tpu.memory_space<hbm>> -> memref<4096xi32, #tpu.memory_space<hbm>>
      tpu.wait_dma2 semaphore(%arg10 : memref<!tpu.dma_semaphore, #tpu.memory_space<semaphore_mem>>) src(%dma_wait3A_151 : memref<4096xi32, #tpu.memory_space<hbm>>) dst(%arg7 : memref<4096xi32, #tpu.memory_space<vmem>>)
      %dma_wait3A_152 = arith.constant 0 : i32
      %dma_wait3A_153 = tpu.memref_slice %arg2[%add3A_13, %dma_wait3A_152] : memref<200x53248xi32, #tpu.memory_space<hbm>> -> memref<1x53248xi32, #tpu.memory_space<hbm>>
      %dma_wait3A_154 = tpu.memref_squeeze %dma_wait3A_153 : memref<1x53248xi32, #tpu.memory_space<hbm>> -> memref<53248xi32, #tpu.memory_space<hbm>>
      %dma_wait3A_155 = arith.constant 0 : i32
      %dma_wait3A_156 = tpu.memref_slice %arg2[%add3A_13, %dma_wait3A_155] : memref<200x53248xi32, #tpu.memory_space<hbm>> -> memref<1x53248xi32, #tpu.memory_space<hbm>>
      %dma_wait3A_157 = tpu.memref_squeeze %dma_wait3A_156 : memref<1x53248xi32, #tpu.memory_space<hbm>> -> memref<53248xi32, #tpu.memory_space<hbm>>
      tpu.wait_dma2 semaphore(%arg10 : memref<!tpu.dma_semaphore, #tpu.memory_space<semaphore_mem>>) src(%dma_wait3A_157 : memref<53248xi32, #tpu.memory_space<hbm>>) dst(%arg5 : memref<53248xi32, #tpu.memory_space<vmem>>)
    } else {
    }
    %add3A_19 = arith.constant 0 : i32
    %add3A_20 = arith.addi %add3A, %add3A_19 : i32
    %lt3A_21 = arith.constant 200 : i32
    %lt3A_22 = arith.cmpi slt, %add3A_20, %lt3A_21 : i32
    %convert_element_type3A_23 = arith.extui %lt3A_22 : i1 to i32
    %cond3A_24 = arith.constant 0 : i32
    %cond3A_25 = arith.cmpi ne, %convert_element_type3A_23, %cond3A_24 : i32
    scf.if %cond3A_25 {
      %parallel_loop3A = arith.constant 0 : i32
      %parallel_loop3A_145 = arith.constant 4096 : i32
      %parallel_loop3A_146 = arith.constant 16 : i32
      scf.for %parallel_loop3A_147 = %parallel_loop3A to %parallel_loop3A_145 step %parallel_loop3A_146  : i32 {
        %parallel_loop3A_148 = arith.index_cast %parallel_loop3A_147 : i32 to index
        %parallel_loop3A_149 = tpu.vector_load %arg7[%parallel_loop3A_148] {strides = array<i32>} : memref<4096xi32, #tpu.memory_space<vmem>>, vector<16xi32>,
        %parallel_loop3A_150 = arith.constant 4096 : i32
        %parallel_loop3A_151 = vector.broadcast %parallel_loop3A_150 : i32 to vector<16xi32>
        %parallel_loop3A_152 = arith.andi %parallel_loop3A_149, %parallel_loop3A_151 : vector<16xi32>
        %parallel_loop3A_153 = arith.constant 0 : i32
        %parallel_loop3A_154 = vector.broadcast %parallel_loop3A_153 : i32 to vector<16xi32>
        %parallel_loop3A_155 = arith.cmpi ne, %parallel_loop3A_152, %parallel_loop3A_154 : vector<16xi32>
        %parallel_loop3A_156 = arith.constant 13 : i32
        %parallel_loop3A_157 = vector.broadcast %parallel_loop3A_156 : i32 to vector<16xi32>
        %parallel_loop3A_158 = arith.shrsi %parallel_loop3A_149, %parallel_loop3A_157 : vector<16xi32>
        %parallel_loop3A_159 = arith.constant 12 : i32
        %parallel_loop3A_160 = vector.broadcast %parallel_loop3A_159 : i32 to vector<16xi32>
        %parallel_loop3A_161 = arith.shli %parallel_loop3A_158, %parallel_loop3A_160 : vector<16xi32>
        %parallel_loop3A_162 = arith.constant 4095 : i32
        %parallel_loop3A_163 = vector.broadcast %parallel_loop3A_162 : i32 to vector<16xi32>
        %parallel_loop3A_164 = arith.andi %parallel_loop3A_149, %parallel_loop3A_163 : vector<16xi32>
        %parallel_loop3A_165 = arith.ori %parallel_loop3A_161, %parallel_loop3A_164 : vector<16xi32>
        %parallel_loop3A_166 = tpu.vector_load_idx %arg5[%parallel_loop3A_165] : memref<53248xi32, #tpu.memory_space<vmem>>[vector<16xi32>], vector<16xi32>,
        %parallel_loop3A_167 = arith.constant -65536 : i32
        %parallel_loop3A_168 = vector.broadcast %parallel_loop3A_167 : i32 to vector<16xi32>
        %parallel_loop3A_169 = arith.andi %parallel_loop3A_166, %parallel_loop3A_168 : vector<16xi32>
        %parallel_loop3A_170 = arith.constant 16 : i32
        %parallel_loop3A_171 = vector.broadcast %parallel_loop3A_170 : i32 to vector<16xi32>
        %parallel_loop3A_172 = arith.shli %parallel_loop3A_166, %parallel_loop3A_171 : vector<16xi32>
        %parallel_loop3A_173 = arith.select %parallel_loop3A_155, %parallel_loop3A_169, %parallel_loop3A_172 : vector<16xi1>, vector<16xi32>
        %parallel_loop3A_174 = vector.bitcast %parallel_loop3A_173 : vector<16xi32> to vector<16xf32>
        %parallel_loop3A_175 = arith.index_cast %parallel_loop3A_147 : i32 to index
        %parallel_loop3A_176 = tpu.vector_load %arg9[%parallel_loop3A_175] {strides = array<i32>} : memref<4096xf32, #tpu.memory_space<vmem>>, vector<16xf32>,
        tpu.vector_store %arg9[%parallel_loop3A_175], %parallel_loop3A_174 {strides = array<i32>} : memref<4096xf32, #tpu.memory_space<vmem>>, vector<16xf32>,
      } {sc.loop_unroll_factor = 16 : i64, sc.parallel_access}
    } else {
    }
    %add3A_26 = arith.constant 64 : i32
    %add3A_27 = arith.addi %add3A, %add3A_26 : i32
    %lt3A_28 = arith.constant 200 : i32
    %lt3A_29 = arith.cmpi slt, %add3A_27, %lt3A_28 : i32
    %convert_element_type3A_30 = arith.extui %lt3A_29 : i1 to i32
    %cond3A_31 = arith.constant 0 : i32
    %cond3A_32 = arith.cmpi ne, %convert_element_type3A_30, %cond3A_31 : i32
    scf.if %cond3A_32 {
      %add3A_145 = arith.constant 0 : i32
      %add3A_146 = arith.addi %add3A_145, %add3A_27 : i32
      %dma_start3A = arith.constant 0 : i32
      %dma_start3A_147 = tpu.memref_slice %arg3[%add3A_146, %dma_start3A] : memref<200x4096xi32, #tpu.memory_space<hbm>> -> memref<1x4096xi32, #tpu.memory_space<hbm>>
      %dma_start3A_148 = tpu.memref_squeeze %dma_start3A_147 : memref<1x4096xi32, #tpu.memory_space<hbm>> -> memref<4096xi32, #tpu.memory_space<hbm>>
      %dma_start3A_149 = arith.constant 0 : i32
      %dma_start3A_150 = tpu.memref_slice %arg3[%add3A_146, %dma_start3A_149] : memref<200x4096xi32, #tpu.memory_space<hbm>> -> memref<1x4096xi32, #tpu.memory_space<hbm>>
      %dma_start3A_151 = tpu.memref_squeeze %dma_start3A_150 : memref<1x4096xi32, #tpu.memory_space<hbm>> -> memref<4096xi32, #tpu.memory_space<hbm>>
      tpu.enqueue_dma source(%dma_start3A_151 : memref<4096xi32, #tpu.memory_space<hbm>>) target(%arg7 : memref<4096xi32, #tpu.memory_space<vmem>>) target_semaphore(%arg10 : memref<!tpu.dma_semaphore, #tpu.memory_space<semaphore_mem>>)
      %dma_start3A_152 = arith.constant 0 : i32
      %dma_start3A_153 = tpu.memref_slice %arg2[%add3A_27, %dma_start3A_152] : memref<200x53248xi32, #tpu.memory_space<hbm>> -> memref<1x53248xi32, #tpu.memory_space<hbm>>
      %dma_start3A_154 = tpu.memref_squeeze %dma_start3A_153 : memref<1x53248xi32, #tpu.memory_space<hbm>> -> memref<53248xi32, #tpu.memory_space<hbm>>
      %dma_start3A_155 = arith.constant 0 : i32
      %dma_start3A_156 = tpu.memref_slice %arg2[%add3A_27, %dma_start3A_155] : memref<200x53248xi32, #tpu.memory_space<hbm>> -> memref<1x53248xi32, #tpu.memory_space<hbm>>
      %dma_start3A_157 = tpu.memref_squeeze %dma_start3A_156 : memref<1x53248xi32, #tpu.memory_space<hbm>> -> memref<53248xi32, #tpu.memory_space<hbm>>
      tpu.enqueue_dma source(%dma_start3A_157 : memref<53248xi32, #tpu.memory_space<hbm>>) target(%arg5 : memref<53248xi32, #tpu.memory_space<vmem>>) target_semaphore(%arg10 : memref<!tpu.dma_semaphore, #tpu.memory_space<semaphore_mem>>)
    } else {
    }
    %add3A_33 = arith.constant 32 : i32
    %add3A_34 = arith.addi %add3A, %add3A_33 : i32
    %lt3A_35 = arith.constant 200 : i32
    %lt3A_36 = arith.cmpi slt, %add3A_34, %lt3A_35 : i32
    %convert_element_type3A_37 = arith.extui %lt3A_36 : i1 to i32
    %cond3A_38 = arith.constant 0 : i32
    %cond3A_39 = arith.cmpi ne, %convert_element_type3A_37, %cond3A_38 : i32
    scf.if %cond3A_39 {
      %add3A_145 = arith.constant 0 : i32
      %add3A_146 = arith.addi %add3A_145, %add3A_34 : i32
      %dma_wait3A = arith.constant 0 : i32
      %dma_wait3A_147 = tpu.memref_slice %arg3[%add3A_146, %dma_wait3A] : memref<200x4096xi32, #tpu.memory_space<hbm>> -> memref<1x4096xi32, #tpu.memory_space<hbm>>
      %dma_wait3A_148 = tpu.memref_squeeze %dma_wait3A_147 : memref<1x4096xi32, #tpu.memory_space<hbm>> -> memref<4096xi32, #tpu.memory_space<hbm>>
      %dma_wait3A_149 = arith.constant 0 : i32
      %dma_wait3A_150 = tpu.memref_slice %arg3[%add3A_146, %dma_wait3A_149] : memref<200x4096xi32, #tpu.memory_space<hbm>> -> memref<1x4096xi32, #tpu.memory_space<hbm>>
      %dma_wait3A_151 = tpu.memref_squeeze %dma_wait3A_150 : memref<1x4096xi32, #tpu.memory_space<hbm>> -> memref<4096xi32, #tpu.memory_space<hbm>>
      tpu.wait_dma2 semaphore(%arg11 : memref<!tpu.dma_semaphore, #tpu.memory_space<semaphore_mem>>) src(%dma_wait3A_151 : memref<4096xi32, #tpu.memory_space<hbm>>) dst(%arg8 : memref<4096xi32, #tpu.memory_space<vmem>>)
      %dma_wait3A_152 = arith.constant 0 : i32
      %dma_wait3A_153 = tpu.memref_slice %arg2[%add3A_34, %dma_wait3A_152] : memref<200x53248xi32, #tpu.memory_space<hbm>> -> memref<1x53248xi32, #tpu.memory_space<hbm>>
      %dma_wait3A_154 = tpu.memref_squeeze %dma_wait3A_153 : memref<1x53248xi32, #tpu.memory_space<hbm>> -> memref<53248xi32, #tpu.memory_space<hbm>>
      %dma_wait3A_155 = arith.constant 0 : i32
      %dma_wait3A_156 = tpu.memref_slice %arg2[%add3A_34, %dma_wait3A_155] : memref<200x53248xi32, #tpu.memory_space<hbm>> -> memref<1x53248xi32, #tpu.memory_space<hbm>>
      %dma_wait3A_157 = tpu.memref_squeeze %dma_wait3A_156 : memref<1x53248xi32, #tpu.memory_space<hbm>> -> memref<53248xi32, #tpu.memory_space<hbm>>
      tpu.wait_dma2 semaphore(%arg11 : memref<!tpu.dma_semaphore, #tpu.memory_space<semaphore_mem>>) src(%dma_wait3A_157 : memref<53248xi32, #tpu.memory_space<hbm>>) dst(%arg6 : memref<53248xi32, #tpu.memory_space<vmem>>)
    } else {
    }
    %add3A_40 = arith.constant 32 : i32
    %add3A_41 = arith.addi %add3A, %add3A_40 : i32
    %lt3A_42 = arith.constant 200 : i32
    %lt3A_43 = arith.cmpi slt, %add3A_41, %lt3A_42 : i32
    %convert_element_type3A_44 = arith.extui %lt3A_43 : i1 to i32
    %cond3A_45 = arith.constant 0 : i32
    %cond3A_46 = arith.cmpi ne, %convert_element_type3A_44, %cond3A_45 : i32
    scf.if %cond3A_46 {
      %parallel_loop3A = arith.constant 0 : i32
      %parallel_loop3A_145 = arith.constant 4096 : i32
      %parallel_loop3A_146 = arith.constant 16 : i32
      scf.for %parallel_loop3A_147 = %parallel_loop3A to %parallel_loop3A_145 step %parallel_loop3A_146  : i32 {
        %parallel_loop3A_148 = arith.index_cast %parallel_loop3A_147 : i32 to index
        %parallel_loop3A_149 = tpu.vector_load %arg8[%parallel_loop3A_148] {strides = array<i32>} : memref<4096xi32, #tpu.memory_space<vmem>>, vector<16xi32>,
        %parallel_loop3A_150 = arith.constant 4096 : i32
        %parallel_loop3A_151 = vector.broadcast %parallel_loop3A_150 : i32 to vector<16xi32>
        %parallel_loop3A_152 = arith.andi %parallel_loop3A_149, %parallel_loop3A_151 : vector<16xi32>
        %parallel_loop3A_153 = arith.constant 0 : i32
        %parallel_loop3A_154 = vector.broadcast %parallel_loop3A_153 : i32 to vector<16xi32>
        %parallel_loop3A_155 = arith.cmpi ne, %parallel_loop3A_152, %parallel_loop3A_154 : vector<16xi32>
        %parallel_loop3A_156 = arith.constant 13 : i32
        %parallel_loop3A_157 = vector.broadcast %parallel_loop3A_156 : i32 to vector<16xi32>
        %parallel_loop3A_158 = arith.shrsi %parallel_loop3A_149, %parallel_loop3A_157 : vector<16xi32>
        %parallel_loop3A_159 = arith.constant 12 : i32
        %parallel_loop3A_160 = vector.broadcast %parallel_loop3A_159 : i32 to vector<16xi32>
        %parallel_loop3A_161 = arith.shli %parallel_loop3A_158, %parallel_loop3A_160 : vector<16xi32>
        %parallel_loop3A_162 = arith.constant 4095 : i32
        %parallel_loop3A_163 = vector.broadcast %parallel_loop3A_162 : i32 to vector<16xi32>
        %parallel_loop3A_164 = arith.andi %parallel_loop3A_149, %parallel_loop3A_163 : vector<16xi32>
        %parallel_loop3A_165 = arith.ori %parallel_loop3A_161, %parallel_loop3A_164 : vector<16xi32>
        %parallel_loop3A_166 = tpu.vector_load_idx %arg6[%parallel_loop3A_165] : memref<53248xi32, #tpu.memory_space<vmem>>[vector<16xi32>], vector<16xi32>,
        %parallel_loop3A_167 = arith.constant -65536 : i32
        %parallel_loop3A_168 = vector.broadcast %parallel_loop3A_167 : i32 to vector<16xi32>
        %parallel_loop3A_169 = arith.andi %parallel_loop3A_166, %parallel_loop3A_168 : vector<16xi32>
        %parallel_loop3A_170 = arith.constant 16 : i32
        %parallel_loop3A_171 = vector.broadcast %parallel_loop3A_170 : i32 to vector<16xi32>
        %parallel_loop3A_172 = arith.shli %parallel_loop3A_166, %parallel_loop3A_171 : vector<16xi32>
        %parallel_loop3A_173 = arith.select %parallel_loop3A_155, %parallel_loop3A_169, %parallel_loop3A_172 : vector<16xi1>, vector<16xi32>
        %parallel_loop3A_174 = vector.bitcast %parallel_loop3A_173 : vector<16xi32> to vector<16xf32>
        %parallel_loop3A_175 = arith.index_cast %parallel_loop3A_147 : i32 to index
        %parallel_loop3A_176 = tpu.vector_load %arg9[%parallel_loop3A_175] {strides = array<i32>} : memref<4096xf32, #tpu.memory_space<vmem>>, vector<16xf32>,
        %parallel_loop3A_177 = arith.addf %parallel_loop3A_176, %parallel_loop3A_174 : vector<16xf32>
        %parallel_loop3A_178 = arith.index_cast %parallel_loop3A_147 : i32 to index
        %parallel_loop3A_179 = tpu.vector_load %arg9[%parallel_loop3A_178] {strides = array<i32>} : memref<4096xf32, #tpu.memory_space<vmem>>, vector<16xf32>,
        tpu.vector_store %arg9[%parallel_loop3A_178], %parallel_loop3A_177 {strides = array<i32>} : memref<4096xf32, #tpu.memory_space<vmem>>, vector<16xf32>,
      } {sc.loop_unroll_factor = 16 : i64, sc.parallel_access}
    } else {
    }
    %add3A_47 = arith.constant 96 : i32
    %add3A_48 = arith.addi %add3A, %add3A_47 : i32
    %lt3A_49 = arith.constant 200 : i32
    %lt3A_50 = arith.cmpi slt, %add3A_48, %lt3A_49 : i32
    %convert_element_type3A_51 = arith.extui %lt3A_50 : i1 to i32
    %cond3A_52 = arith.constant 0 : i32
    %cond3A_53 = arith.cmpi ne, %convert_element_type3A_51, %cond3A_52 : i32
    scf.if %cond3A_53 {
      %add3A_145 = arith.constant 0 : i32
      %add3A_146 = arith.addi %add3A_145, %add3A_48 : i32
      %dma_start3A = arith.constant 0 : i32
      %dma_start3A_147 = tpu.memref_slice %arg3[%add3A_146, %dma_start3A] : memref<200x4096xi32, #tpu.memory_space<hbm>> -> memref<1x4096xi32, #tpu.memory_space<hbm>>
      %dma_start3A_148 = tpu.memref_squeeze %dma_start3A_147 : memref<1x4096xi32, #tpu.memory_space<hbm>> -> memref<4096xi32, #tpu.memory_space<hbm>>
      %dma_start3A_149 = arith.constant 0 : i32
      %dma_start3A_150 = tpu.memref_slice %arg3[%add3A_146, %dma_start3A_149] : memref<200x4096xi32, #tpu.memory_space<hbm>> -> memref<1x4096xi32, #tpu.memory_space<hbm>>
      %dma_start3A_151 = tpu.memref_squeeze %dma_start3A_150 : memref<1x4096xi32, #tpu.memory_space<hbm>> -> memref<4096xi32, #tpu.memory_space<hbm>>
      tpu.enqueue_dma source(%dma_start3A_151 : memref<4096xi32, #tpu.memory_space<hbm>>) target(%arg8 : memref<4096xi32, #tpu.memory_space<vmem>>) target_semaphore(%arg11 : memref<!tpu.dma_semaphore, #tpu.memory_space<semaphore_mem>>)
      %dma_start3A_152 = arith.constant 0 : i32
      %dma_start3A_153 = tpu.memref_slice %arg2[%add3A_48, %dma_start3A_152] : memref<200x53248xi32, #tpu.memory_space<hbm>> -> memref<1x53248xi32, #tpu.memory_space<hbm>>
      %dma_start3A_154 = tpu.memref_squeeze %dma_start3A_153 : memref<1x53248xi32, #tpu.memory_space<hbm>> -> memref<53248xi32, #tpu.memory_space<hbm>>
      %dma_start3A_155 = arith.constant 0 : i32
      %dma_start3A_156 = tpu.memref_slice %arg2[%add3A_48, %dma_start3A_155] : memref<200x53248xi32, #tpu.memory_space<hbm>> -> memref<1x53248xi32, #tpu.memory_space<hbm>>
      %dma_start3A_157 = tpu.memref_squeeze %dma_start3A_156 : memref<1x53248xi32, #tpu.memory_space<hbm>> -> memref<53248xi32, #tpu.memory_space<hbm>>
      tpu.enqueue_dma source(%dma_start3A_157 : memref<53248xi32, #tpu.memory_space<hbm>>) target(%arg6 : memref<53248xi32, #tpu.memory_space<vmem>>) target_semaphore(%arg11 : memref<!tpu.dma_semaphore, #tpu.memory_space<semaphore_mem>>)
    } else {
    }
    %add3A_54 = arith.constant 64 : i32
    %add3A_55 = arith.addi %add3A, %add3A_54 : i32
    %lt3A_56 = arith.constant 200 : i32
    %lt3A_57 = arith.cmpi slt, %add3A_55, %lt3A_56 : i32
    %convert_element_type3A_58 = arith.extui %lt3A_57 : i1 to i32
    %cond3A_59 = arith.constant 0 : i32
    %cond3A_60 = arith.cmpi ne, %convert_element_type3A_58, %cond3A_59 : i32
    scf.if %cond3A_60 {
      %add3A_145 = arith.constant 0 : i32
      %add3A_146 = arith.addi %add3A_145, %add3A_55 : i32
      %dma_wait3A = arith.constant 0 : i32
      %dma_wait3A_147 = tpu.memref_slice %arg3[%add3A_146, %dma_wait3A] : memref<200x4096xi32, #tpu.memory_space<hbm>> -> memref<1x4096xi32, #tpu.memory_space<hbm>>
      %dma_wait3A_148 = tpu.memref_squeeze %dma_wait3A_147 : memref<1x4096xi32, #tpu.memory_space<hbm>> -> memref<4096xi32, #tpu.memory_space<hbm>>
      %dma_wait3A_149 = arith.constant 0 : i32
      %dma_wait3A_150 = tpu.memref_slice %arg3[%add3A_146, %dma_wait3A_149] : memref<200x4096xi32, #tpu.memory_space<hbm>> -> memref<1x4096xi32, #tpu.memory_space<hbm>>
      %dma_wait3A_151 = tpu.memref_squeeze %dma_wait3A_150 : memref<1x4096xi32, #tpu.memory_space<hbm>> -> memref<4096xi32, #tpu.memory_space<hbm>>
      tpu.wait_dma2 semaphore(%arg10 : memref<!tpu.dma_semaphore, #tpu.memory_space<semaphore_mem>>) src(%dma_wait3A_151 : memref<4096xi32, #tpu.memory_space<hbm>>) dst(%arg7 : memref<4096xi32, #tpu.memory_space<vmem>>)
      %dma_wait3A_152 = arith.constant 0 : i32
      %dma_wait3A_153 = tpu.memref_slice %arg2[%add3A_55, %dma_wait3A_152] : memref<200x53248xi32, #tpu.memory_space<hbm>> -> memref<1x53248xi32, #tpu.memory_space<hbm>>
      %dma_wait3A_154 = tpu.memref_squeeze %dma_wait3A_153 : memref<1x53248xi32, #tpu.memory_space<hbm>> -> memref<53248xi32, #tpu.memory_space<hbm>>
      %dma_wait3A_155 = arith.constant 0 : i32
      %dma_wait3A_156 = tpu.memref_slice %arg2[%add3A_55, %dma_wait3A_155] : memref<200x53248xi32, #tpu.memory_space<hbm>> -> memref<1x53248xi32, #tpu.memory_space<hbm>>
      %dma_wait3A_157 = tpu.memref_squeeze %dma_wait3A_156 : memref<1x53248xi32, #tpu.memory_space<hbm>> -> memref<53248xi32, #tpu.memory_space<hbm>>
      tpu.wait_dma2 semaphore(%arg10 : memref<!tpu.dma_semaphore, #tpu.memory_space<semaphore_mem>>) src(%dma_wait3A_157 : memref<53248xi32, #tpu.memory_space<hbm>>) dst(%arg5 : memref<53248xi32, #tpu.memory_space<vmem>>)
    } else {
    }
    %add3A_61 = arith.constant 64 : i32
    %add3A_62 = arith.addi %add3A, %add3A_61 : i32
    %lt3A_63 = arith.constant 200 : i32
    %lt3A_64 = arith.cmpi slt, %add3A_62, %lt3A_63 : i32
    %convert_element_type3A_65 = arith.extui %lt3A_64 : i1 to i32
    %cond3A_66 = arith.constant 0 : i32
    %cond3A_67 = arith.cmpi ne, %convert_element_type3A_65, %cond3A_66 : i32
    scf.if %cond3A_67 {
      %parallel_loop3A = arith.constant 0 : i32
      %parallel_loop3A_145 = arith.constant 4096 : i32
      %parallel_loop3A_146 = arith.constant 16 : i32
      scf.for %parallel_loop3A_147 = %parallel_loop3A to %parallel_loop3A_145 step %parallel_loop3A_146  : i32 {
        %parallel_loop3A_148 = arith.index_cast %parallel_loop3A_147 : i32 to index
        %parallel_loop3A_149 = tpu.vector_load %arg7[%parallel_loop3A_148] {strides = array<i32>} : memref<4096xi32, #tpu.memory_space<vmem>>, vector<16xi32>,
        %parallel_loop3A_150 = arith.constant 4096 : i32
        %parallel_loop3A_151 = vector.broadcast %parallel_loop3A_150 : i32 to vector<16xi32>
        %parallel_loop3A_152 = arith.andi %parallel_loop3A_149, %parallel_loop3A_151 : vector<16xi32>
        %parallel_loop3A_153 = arith.constant 0 : i32
        %parallel_loop3A_154 = vector.broadcast %parallel_loop3A_153 : i32 to vector<16xi32>
        %parallel_loop3A_155 = arith.cmpi ne, %parallel_loop3A_152, %parallel_loop3A_154 : vector<16xi32>
        %parallel_loop3A_156 = arith.constant 13 : i32
        %parallel_loop3A_157 = vector.broadcast %parallel_loop3A_156 : i32 to vector<16xi32>
        %parallel_loop3A_158 = arith.shrsi %parallel_loop3A_149, %parallel_loop3A_157 : vector<16xi32>
        %parallel_loop3A_159 = arith.constant 12 : i32
        %parallel_loop3A_160 = vector.broadcast %parallel_loop3A_159 : i32 to vector<16xi32>
        %parallel_loop3A_161 = arith.shli %parallel_loop3A_158, %parallel_loop3A_160 : vector<16xi32>
        %parallel_loop3A_162 = arith.constant 4095 : i32
        %parallel_loop3A_163 = vector.broadcast %parallel_loop3A_162 : i32 to vector<16xi32>
        %parallel_loop3A_164 = arith.andi %parallel_loop3A_149, %parallel_loop3A_163 : vector<16xi32>
        %parallel_loop3A_165 = arith.ori %parallel_loop3A_161, %parallel_loop3A_164 : vector<16xi32>
        %parallel_loop3A_166 = tpu.vector_load_idx %arg5[%parallel_loop3A_165] : memref<53248xi32, #tpu.memory_space<vmem>>[vector<16xi32>], vector<16xi32>,
        %parallel_loop3A_167 = arith.constant -65536 : i32
        %parallel_loop3A_168 = vector.broadcast %parallel_loop3A_167 : i32 to vector<16xi32>
        %parallel_loop3A_169 = arith.andi %parallel_loop3A_166, %parallel_loop3A_168 : vector<16xi32>
        %parallel_loop3A_170 = arith.constant 16 : i32
        %parallel_loop3A_171 = vector.broadcast %parallel_loop3A_170 : i32 to vector<16xi32>
        %parallel_loop3A_172 = arith.shli %parallel_loop3A_166, %parallel_loop3A_171 : vector<16xi32>
        %parallel_loop3A_173 = arith.select %parallel_loop3A_155, %parallel_loop3A_169, %parallel_loop3A_172 : vector<16xi1>, vector<16xi32>
        %parallel_loop3A_174 = vector.bitcast %parallel_loop3A_173 : vector<16xi32> to vector<16xf32>
        %parallel_loop3A_175 = arith.index_cast %parallel_loop3A_147 : i32 to index
        %parallel_loop3A_176 = tpu.vector_load %arg9[%parallel_loop3A_175] {strides = array<i32>} : memref<4096xf32, #tpu.memory_space<vmem>>, vector<16xf32>,
        %parallel_loop3A_177 = arith.addf %parallel_loop3A_176, %parallel_loop3A_174 : vector<16xf32>
        %parallel_loop3A_178 = arith.index_cast %parallel_loop3A_147 : i32 to index
        %parallel_loop3A_179 = tpu.vector_load %arg9[%parallel_loop3A_178] {strides = array<i32>} : memref<4096xf32, #tpu.memory_space<vmem>>, vector<16xf32>,
        tpu.vector_store %arg9[%parallel_loop3A_178], %parallel_loop3A_177 {strides = array<i32>} : memref<4096xf32, #tpu.memory_space<vmem>>, vector<16xf32>,
      } {sc.loop_unroll_factor = 16 : i64, sc.parallel_access}
    } else {
    }
    %add3A_68 = arith.constant 128 : i32
    %add3A_69 = arith.addi %add3A, %add3A_68 : i32
    %lt3A_70 = arith.constant 200 : i32
    %lt3A_71 = arith.cmpi slt, %add3A_69, %lt3A_70 : i32
    %convert_element_type3A_72 = arith.extui %lt3A_71 : i1 to i32
    %cond3A_73 = arith.constant 0 : i32
    %cond3A_74 = arith.cmpi ne, %convert_element_type3A_72, %cond3A_73 : i32
    scf.if %cond3A_74 {
      %add3A_145 = arith.constant 0 : i32
      %add3A_146 = arith.addi %add3A_145, %add3A_69 : i32
      %dma_start3A = arith.constant 0 : i32
      %dma_start3A_147 = tpu.memref_slice %arg3[%add3A_146, %dma_start3A] : memref<200x4096xi32, #tpu.memory_space<hbm>> -> memref<1x4096xi32, #tpu.memory_space<hbm>>
      %dma_start3A_148 = tpu.memref_squeeze %dma_start3A_147 : memref<1x4096xi32, #tpu.memory_space<hbm>> -> memref<4096xi32, #tpu.memory_space<hbm>>
      %dma_start3A_149 = arith.constant 0 : i32
      %dma_start3A_150 = tpu.memref_slice %arg3[%add3A_146, %dma_start3A_149] : memref<200x4096xi32, #tpu.memory_space<hbm>> -> memref<1x4096xi32, #tpu.memory_space<hbm>>
      %dma_start3A_151 = tpu.memref_squeeze %dma_start3A_150 : memref<1x4096xi32, #tpu.memory_space<hbm>> -> memref<4096xi32, #tpu.memory_space<hbm>>
      tpu.enqueue_dma source(%dma_start3A_151 : memref<4096xi32, #tpu.memory_space<hbm>>) target(%arg7 : memref<4096xi32, #tpu.memory_space<vmem>>) target_semaphore(%arg10 : memref<!tpu.dma_semaphore, #tpu.memory_space<semaphore_mem>>)
      %dma_start3A_152 = arith.constant 0 : i32
      %dma_start3A_153 = tpu.memref_slice %arg2[%add3A_69, %dma_start3A_152] : memref<200x53248xi32, #tpu.memory_space<hbm>> -> memref<1x53248xi32, #tpu.memory_space<hbm>>
      %dma_start3A_154 = tpu.memref_squeeze %dma_start3A_153 : memref<1x53248xi32, #tpu.memory_space<hbm>> -> memref<53248xi32, #tpu.memory_space<hbm>>
      %dma_start3A_155 = arith.constant 0 : i32
      %dma_start3A_156 = tpu.memref_slice %arg2[%add3A_69, %dma_start3A_155] : memref<200x53248xi32, #tpu.memory_space<hbm>> -> memref<1x53248xi32, #tpu.memory_space<hbm>>
      %dma_start3A_157 = tpu.memref_squeeze %dma_start3A_156 : memref<1x53248xi32, #tpu.memory_space<hbm>> -> memref<53248xi32, #tpu.memory_space<hbm>>
      tpu.enqueue_dma source(%dma_start3A_157 : memref<53248xi32, #tpu.memory_space<hbm>>) target(%arg5 : memref<53248xi32, #tpu.memory_space<vmem>>) target_semaphore(%arg10 : memref<!tpu.dma_semaphore, #tpu.memory_space<semaphore_mem>>)
    } else {
    }
    %add3A_75 = arith.constant 96 : i32
    %add3A_76 = arith.addi %add3A, %add3A_75 : i32
    %lt3A_77 = arith.constant 200 : i32
    %lt3A_78 = arith.cmpi slt, %add3A_76, %lt3A_77 : i32
    %convert_element_type3A_79 = arith.extui %lt3A_78 : i1 to i32
    %cond3A_80 = arith.constant 0 : i32
    %cond3A_81 = arith.cmpi ne, %convert_element_type3A_79, %cond3A_80 : i32
    scf.if %cond3A_81 {
      %add3A_145 = arith.constant 0 : i32
      %add3A_146 = arith.addi %add3A_145, %add3A_76 : i32
      %dma_wait3A = arith.constant 0 : i32
      %dma_wait3A_147 = tpu.memref_slice %arg3[%add3A_146, %dma_wait3A] : memref<200x4096xi32, #tpu.memory_space<hbm>> -> memref<1x4096xi32, #tpu.memory_space<hbm>>
      %dma_wait3A_148 = tpu.memref_squeeze %dma_wait3A_147 : memref<1x4096xi32, #tpu.memory_space<hbm>> -> memref<4096xi32, #tpu.memory_space<hbm>>
      %dma_wait3A_149 = arith.constant 0 : i32
      %dma_wait3A_150 = tpu.memref_slice %arg3[%add3A_146, %dma_wait3A_149] : memref<200x4096xi32, #tpu.memory_space<hbm>> -> memref<1x4096xi32, #tpu.memory_space<hbm>>
      %dma_wait3A_151 = tpu.memref_squeeze %dma_wait3A_150 : memref<1x4096xi32, #tpu.memory_space<hbm>> -> memref<4096xi32, #tpu.memory_space<hbm>>
      tpu.wait_dma2 semaphore(%arg11 : memref<!tpu.dma_semaphore, #tpu.memory_space<semaphore_mem>>) src(%dma_wait3A_151 : memref<4096xi32, #tpu.memory_space<hbm>>) dst(%arg8 : memref<4096xi32, #tpu.memory_space<vmem>>)
      %dma_wait3A_152 = arith.constant 0 : i32
      %dma_wait3A_153 = tpu.memref_slice %arg2[%add3A_76, %dma_wait3A_152] : memref<200x53248xi32, #tpu.memory_space<hbm>> -> memref<1x53248xi32, #tpu.memory_space<hbm>>
      %dma_wait3A_154 = tpu.memref_squeeze %dma_wait3A_153 : memref<1x53248xi32, #tpu.memory_space<hbm>> -> memref<53248xi32, #tpu.memory_space<hbm>>
      %dma_wait3A_155 = arith.constant 0 : i32
      %dma_wait3A_156 = tpu.memref_slice %arg2[%add3A_76, %dma_wait3A_155] : memref<200x53248xi32, #tpu.memory_space<hbm>> -> memref<1x53248xi32, #tpu.memory_space<hbm>>
      %dma_wait3A_157 = tpu.memref_squeeze %dma_wait3A_156 : memref<1x53248xi32, #tpu.memory_space<hbm>> -> memref<53248xi32, #tpu.memory_space<hbm>>
      tpu.wait_dma2 semaphore(%arg11 : memref<!tpu.dma_semaphore, #tpu.memory_space<semaphore_mem>>) src(%dma_wait3A_157 : memref<53248xi32, #tpu.memory_space<hbm>>) dst(%arg6 : memref<53248xi32, #tpu.memory_space<vmem>>)
    } else {
    }
    %add3A_82 = arith.constant 96 : i32
    %add3A_83 = arith.addi %add3A, %add3A_82 : i32
    %lt3A_84 = arith.constant 200 : i32
    %lt3A_85 = arith.cmpi slt, %add3A_83, %lt3A_84 : i32
    %convert_element_type3A_86 = arith.extui %lt3A_85 : i1 to i32
    %cond3A_87 = arith.constant 0 : i32
    %cond3A_88 = arith.cmpi ne, %convert_element_type3A_86, %cond3A_87 : i32
    scf.if %cond3A_88 {
      %parallel_loop3A = arith.constant 0 : i32
      %parallel_loop3A_145 = arith.constant 4096 : i32
      %parallel_loop3A_146 = arith.constant 16 : i32
      scf.for %parallel_loop3A_147 = %parallel_loop3A to %parallel_loop3A_145 step %parallel_loop3A_146  : i32 {
        %parallel_loop3A_148 = arith.index_cast %parallel_loop3A_147 : i32 to index
        %parallel_loop3A_149 = tpu.vector_load %arg8[%parallel_loop3A_148] {strides = array<i32>} : memref<4096xi32, #tpu.memory_space<vmem>>, vector<16xi32>,
        %parallel_loop3A_150 = arith.constant 4096 : i32
        %parallel_loop3A_151 = vector.broadcast %parallel_loop3A_150 : i32 to vector<16xi32>
        %parallel_loop3A_152 = arith.andi %parallel_loop3A_149, %parallel_loop3A_151 : vector<16xi32>
        %parallel_loop3A_153 = arith.constant 0 : i32
        %parallel_loop3A_154 = vector.broadcast %parallel_loop3A_153 : i32 to vector<16xi32>
        %parallel_loop3A_155 = arith.cmpi ne, %parallel_loop3A_152, %parallel_loop3A_154 : vector<16xi32>
        %parallel_loop3A_156 = arith.constant 13 : i32
        %parallel_loop3A_157 = vector.broadcast %parallel_loop3A_156 : i32 to vector<16xi32>
        %parallel_loop3A_158 = arith.shrsi %parallel_loop3A_149, %parallel_loop3A_157 : vector<16xi32>
        %parallel_loop3A_159 = arith.constant 12 : i32
        %parallel_loop3A_160 = vector.broadcast %parallel_loop3A_159 : i32 to vector<16xi32>
        %parallel_loop3A_161 = arith.shli %parallel_loop3A_158, %parallel_loop3A_160 : vector<16xi32>
        %parallel_loop3A_162 = arith.constant 4095 : i32
        %parallel_loop3A_163 = vector.broadcast %parallel_loop3A_162 : i32 to vector<16xi32>
        %parallel_loop3A_164 = arith.andi %parallel_loop3A_149, %parallel_loop3A_163 : vector<16xi32>
        %parallel_loop3A_165 = arith.ori %parallel_loop3A_161, %parallel_loop3A_164 : vector<16xi32>
        %parallel_loop3A_166 = tpu.vector_load_idx %arg6[%parallel_loop3A_165] : memref<53248xi32, #tpu.memory_space<vmem>>[vector<16xi32>], vector<16xi32>,
        %parallel_loop3A_167 = arith.constant -65536 : i32
        %parallel_loop3A_168 = vector.broadcast %parallel_loop3A_167 : i32 to vector<16xi32>
        %parallel_loop3A_169 = arith.andi %parallel_loop3A_166, %parallel_loop3A_168 : vector<16xi32>
        %parallel_loop3A_170 = arith.constant 16 : i32
        %parallel_loop3A_171 = vector.broadcast %parallel_loop3A_170 : i32 to vector<16xi32>
        %parallel_loop3A_172 = arith.shli %parallel_loop3A_166, %parallel_loop3A_171 : vector<16xi32>
        %parallel_loop3A_173 = arith.select %parallel_loop3A_155, %parallel_loop3A_169, %parallel_loop3A_172 : vector<16xi1>, vector<16xi32>
        %parallel_loop3A_174 = vector.bitcast %parallel_loop3A_173 : vector<16xi32> to vector<16xf32>
        %parallel_loop3A_175 = arith.index_cast %parallel_loop3A_147 : i32 to index
        %parallel_loop3A_176 = tpu.vector_load %arg9[%parallel_loop3A_175] {strides = array<i32>} : memref<4096xf32, #tpu.memory_space<vmem>>, vector<16xf32>,
        %parallel_loop3A_177 = arith.addf %parallel_loop3A_176, %parallel_loop3A_174 : vector<16xf32>
        %parallel_loop3A_178 = arith.index_cast %parallel_loop3A_147 : i32 to index
        %parallel_loop3A_179 = tpu.vector_load %arg9[%parallel_loop3A_178] {strides = array<i32>} : memref<4096xf32, #tpu.memory_space<vmem>>, vector<16xf32>,
        tpu.vector_store %arg9[%parallel_loop3A_178], %parallel_loop3A_177 {strides = array<i32>} : memref<4096xf32, #tpu.memory_space<vmem>>, vector<16xf32>,
      } {sc.loop_unroll_factor = 16 : i64, sc.parallel_access}
    } else {
    }
    %add3A_89 = arith.constant 160 : i32
    %add3A_90 = arith.addi %add3A, %add3A_89 : i32
    %lt3A_91 = arith.constant 200 : i32
    %lt3A_92 = arith.cmpi slt, %add3A_90, %lt3A_91 : i32
    %convert_element_type3A_93 = arith.extui %lt3A_92 : i1 to i32
    %cond3A_94 = arith.constant 0 : i32
    %cond3A_95 = arith.cmpi ne, %convert_element_type3A_93, %cond3A_94 : i32
    scf.if %cond3A_95 {
      %add3A_145 = arith.constant 0 : i32
      %add3A_146 = arith.addi %add3A_145, %add3A_90 : i32
      %dma_start3A = arith.constant 0 : i32
      %dma_start3A_147 = tpu.memref_slice %arg3[%add3A_146, %dma_start3A] : memref<200x4096xi32, #tpu.memory_space<hbm>> -> memref<1x4096xi32, #tpu.memory_space<hbm>>
      %dma_start3A_148 = tpu.memref_squeeze %dma_start3A_147 : memref<1x4096xi32, #tpu.memory_space<hbm>> -> memref<4096xi32, #tpu.memory_space<hbm>>
      %dma_start3A_149 = arith.constant 0 : i32
      %dma_start3A_150 = tpu.memref_slice %arg3[%add3A_146, %dma_start3A_149] : memref<200x4096xi32, #tpu.memory_space<hbm>> -> memref<1x4096xi32, #tpu.memory_space<hbm>>
      %dma_start3A_151 = tpu.memref_squeeze %dma_start3A_150 : memref<1x4096xi32, #tpu.memory_space<hbm>> -> memref<4096xi32, #tpu.memory_space<hbm>>
      tpu.enqueue_dma source(%dma_start3A_151 : memref<4096xi32, #tpu.memory_space<hbm>>) target(%arg8 : memref<4096xi32, #tpu.memory_space<vmem>>) target_semaphore(%arg11 : memref<!tpu.dma_semaphore, #tpu.memory_space<semaphore_mem>>)
      %dma_start3A_152 = arith.constant 0 : i32
      %dma_start3A_153 = tpu.memref_slice %arg2[%add3A_90, %dma_start3A_152] : memref<200x53248xi32, #tpu.memory_space<hbm>> -> memref<1x53248xi32, #tpu.memory_space<hbm>>
      %dma_start3A_154 = tpu.memref_squeeze %dma_start3A_153 : memref<1x53248xi32, #tpu.memory_space<hbm>> -> memref<53248xi32, #tpu.memory_space<hbm>>
      %dma_start3A_155 = arith.constant 0 : i32
      %dma_start3A_156 = tpu.memref_slice %arg2[%add3A_90, %dma_start3A_155] : memref<200x53248xi32, #tpu.memory_space<hbm>> -> memref<1x53248xi32, #tpu.memory_space<hbm>>
      %dma_start3A_157 = tpu.memref_squeeze %dma_start3A_156 : memref<1x53248xi32, #tpu.memory_space<hbm>> -> memref<53248xi32, #tpu.memory_space<hbm>>
      tpu.enqueue_dma source(%dma_start3A_157 : memref<53248xi32, #tpu.memory_space<hbm>>) target(%arg6 : memref<53248xi32, #tpu.memory_space<vmem>>) target_semaphore(%arg11 : memref<!tpu.dma_semaphore, #tpu.memory_space<semaphore_mem>>)
    } else {
    }
    %add3A_96 = arith.constant 128 : i32
    %add3A_97 = arith.addi %add3A, %add3A_96 : i32
    %lt3A_98 = arith.constant 200 : i32
    %lt3A_99 = arith.cmpi slt, %add3A_97, %lt3A_98 : i32
    %convert_element_type3A_100 = arith.extui %lt3A_99 : i1 to i32
    %cond3A_101 = arith.constant 0 : i32
    %cond3A_102 = arith.cmpi ne, %convert_element_type3A_100, %cond3A_101 : i32
    scf.if %cond3A_102 {
      %add3A_145 = arith.constant 0 : i32
      %add3A_146 = arith.addi %add3A_145, %add3A_97 : i32
      %dma_wait3A = arith.constant 0 : i32
      %dma_wait3A_147 = tpu.memref_slice %arg3[%add3A_146, %dma_wait3A] : memref<200x4096xi32, #tpu.memory_space<hbm>> -> memref<1x4096xi32, #tpu.memory_space<hbm>>
      %dma_wait3A_148 = tpu.memref_squeeze %dma_wait3A_147 : memref<1x4096xi32, #tpu.memory_space<hbm>> -> memref<4096xi32, #tpu.memory_space<hbm>>
      %dma_wait3A_149 = arith.constant 0 : i32
      %dma_wait3A_150 = tpu.memref_slice %arg3[%add3A_146, %dma_wait3A_149] : memref<200x4096xi32, #tpu.memory_space<hbm>> -> memref<1x4096xi32, #tpu.memory_space<hbm>>
      %dma_wait3A_151 = tpu.memref_squeeze %dma_wait3A_150 : memref<1x4096xi32, #tpu.memory_space<hbm>> -> memref<4096xi32, #tpu.memory_space<hbm>>
      tpu.wait_dma2 semaphore(%arg10 : memref<!tpu.dma_semaphore, #tpu.memory_space<semaphore_mem>>) src(%dma_wait3A_151 : memref<4096xi32, #tpu.memory_space<hbm>>) dst(%arg7 : memref<4096xi32, #tpu.memory_space<vmem>>)
      %dma_wait3A_152 = arith.constant 0 : i32
      %dma_wait3A_153 = tpu.memref_slice %arg2[%add3A_97, %dma_wait3A_152] : memref<200x53248xi32, #tpu.memory_space<hbm>> -> memref<1x53248xi32, #tpu.memory_space<hbm>>
      %dma_wait3A_154 = tpu.memref_squeeze %dma_wait3A_153 : memref<1x53248xi32, #tpu.memory_space<hbm>> -> memref<53248xi32, #tpu.memory_space<hbm>>
      %dma_wait3A_155 = arith.constant 0 : i32
      %dma_wait3A_156 = tpu.memref_slice %arg2[%add3A_97, %dma_wait3A_155] : memref<200x53248xi32, #tpu.memory_space<hbm>> -> memref<1x53248xi32, #tpu.memory_space<hbm>>
      %dma_wait3A_157 = tpu.memref_squeeze %dma_wait3A_156 : memref<1x53248xi32, #tpu.memory_space<hbm>> -> memref<53248xi32, #tpu.memory_space<hbm>>
      tpu.wait_dma2 semaphore(%arg10 : memref<!tpu.dma_semaphore, #tpu.memory_space<semaphore_mem>>) src(%dma_wait3A_157 : memref<53248xi32, #tpu.memory_space<hbm>>) dst(%arg5 : memref<53248xi32, #tpu.memory_space<vmem>>)
    } else {
    }
    %add3A_103 = arith.constant 128 : i32
    %add3A_104 = arith.addi %add3A, %add3A_103 : i32
    %lt3A_105 = arith.constant 200 : i32
    %lt3A_106 = arith.cmpi slt, %add3A_104, %lt3A_105 : i32
    %convert_element_type3A_107 = arith.extui %lt3A_106 : i1 to i32
    %cond3A_108 = arith.constant 0 : i32
    %cond3A_109 = arith.cmpi ne, %convert_element_type3A_107, %cond3A_108 : i32
    scf.if %cond3A_109 {
      %parallel_loop3A = arith.constant 0 : i32
      %parallel_loop3A_145 = arith.constant 4096 : i32
      %parallel_loop3A_146 = arith.constant 16 : i32
      scf.for %parallel_loop3A_147 = %parallel_loop3A to %parallel_loop3A_145 step %parallel_loop3A_146  : i32 {
        %parallel_loop3A_148 = arith.index_cast %parallel_loop3A_147 : i32 to index
        %parallel_loop3A_149 = tpu.vector_load %arg7[%parallel_loop3A_148] {strides = array<i32>} : memref<4096xi32, #tpu.memory_space<vmem>>, vector<16xi32>,
        %parallel_loop3A_150 = arith.constant 4096 : i32
        %parallel_loop3A_151 = vector.broadcast %parallel_loop3A_150 : i32 to vector<16xi32>
        %parallel_loop3A_152 = arith.andi %parallel_loop3A_149, %parallel_loop3A_151 : vector<16xi32>
        %parallel_loop3A_153 = arith.constant 0 : i32
        %parallel_loop3A_154 = vector.broadcast %parallel_loop3A_153 : i32 to vector<16xi32>
        %parallel_loop3A_155 = arith.cmpi ne, %parallel_loop3A_152, %parallel_loop3A_154 : vector<16xi32>
        %parallel_loop3A_156 = arith.constant 13 : i32
        %parallel_loop3A_157 = vector.broadcast %parallel_loop3A_156 : i32 to vector<16xi32>
        %parallel_loop3A_158 = arith.shrsi %parallel_loop3A_149, %parallel_loop3A_157 : vector<16xi32>
        %parallel_loop3A_159 = arith.constant 12 : i32
        %parallel_loop3A_160 = vector.broadcast %parallel_loop3A_159 : i32 to vector<16xi32>
        %parallel_loop3A_161 = arith.shli %parallel_loop3A_158, %parallel_loop3A_160 : vector<16xi32>
        %parallel_loop3A_162 = arith.constant 4095 : i32
        %parallel_loop3A_163 = vector.broadcast %parallel_loop3A_162 : i32 to vector<16xi32>
        %parallel_loop3A_164 = arith.andi %parallel_loop3A_149, %parallel_loop3A_163 : vector<16xi32>
        %parallel_loop3A_165 = arith.ori %parallel_loop3A_161, %parallel_loop3A_164 : vector<16xi32>
        %parallel_loop3A_166 = tpu.vector_load_idx %arg5[%parallel_loop3A_165] : memref<53248xi32, #tpu.memory_space<vmem>>[vector<16xi32>], vector<16xi32>,
        %parallel_loop3A_167 = arith.constant -65536 : i32
        %parallel_loop3A_168 = vector.broadcast %parallel_loop3A_167 : i32 to vector<16xi32>
        %parallel_loop3A_169 = arith.andi %parallel_loop3A_166, %parallel_loop3A_168 : vector<16xi32>
        %parallel_loop3A_170 = arith.constant 16 : i32
        %parallel_loop3A_171 = vector.broadcast %parallel_loop3A_170 : i32 to vector<16xi32>
        %parallel_loop3A_172 = arith.shli %parallel_loop3A_166, %parallel_loop3A_171 : vector<16xi32>
        %parallel_loop3A_173 = arith.select %parallel_loop3A_155, %parallel_loop3A_169, %parallel_loop3A_172 : vector<16xi1>, vector<16xi32>
        %parallel_loop3A_174 = vector.bitcast %parallel_loop3A_173 : vector<16xi32> to vector<16xf32>
        %parallel_loop3A_175 = arith.index_cast %parallel_loop3A_147 : i32 to index
        %parallel_loop3A_176 = tpu.vector_load %arg9[%parallel_loop3A_175] {strides = array<i32>} : memref<4096xf32, #tpu.memory_space<vmem>>, vector<16xf32>,
        %parallel_loop3A_177 = arith.addf %parallel_loop3A_176, %parallel_loop3A_174 : vector<16xf32>
        %parallel_loop3A_178 = arith.index_cast %parallel_loop3A_147 : i32 to index
        %parallel_loop3A_179 = tpu.vector_load %arg9[%parallel_loop3A_178] {strides = array<i32>} : memref<4096xf32, #tpu.memory_space<vmem>>, vector<16xf32>,
        tpu.vector_store %arg9[%parallel_loop3A_178], %parallel_loop3A_177 {strides = array<i32>} : memref<4096xf32, #tpu.memory_space<vmem>>, vector<16xf32>,
      } {sc.loop_unroll_factor = 16 : i64, sc.parallel_access}
    } else {
    }
    %add3A_110 = arith.constant 192 : i32
    %add3A_111 = arith.addi %add3A, %add3A_110 : i32
    %lt3A_112 = arith.constant 200 : i32
    %lt3A_113 = arith.cmpi slt, %add3A_111, %lt3A_112 : i32
    %convert_element_type3A_114 = arith.extui %lt3A_113 : i1 to i32
    %cond3A_115 = arith.constant 0 : i32
    %cond3A_116 = arith.cmpi ne, %convert_element_type3A_114, %cond3A_115 : i32
    scf.if %cond3A_116 {
      %add3A_145 = arith.constant 0 : i32
      %add3A_146 = arith.addi %add3A_145, %add3A_111 : i32
      %dma_start3A = arith.constant 0 : i32
      %dma_start3A_147 = tpu.memref_slice %arg3[%add3A_146, %dma_start3A] : memref<200x4096xi32, #tpu.memory_space<hbm>> -> memref<1x4096xi32, #tpu.memory_space<hbm>>
      %dma_start3A_148 = tpu.memref_squeeze %dma_start3A_147 : memref<1x4096xi32, #tpu.memory_space<hbm>> -> memref<4096xi32, #tpu.memory_space<hbm>>
      %dma_start3A_149 = arith.constant 0 : i32
      %dma_start3A_150 = tpu.memref_slice %arg3[%add3A_146, %dma_start3A_149] : memref<200x4096xi32, #tpu.memory_space<hbm>> -> memref<1x4096xi32, #tpu.memory_space<hbm>>
      %dma_start3A_151 = tpu.memref_squeeze %dma_start3A_150 : memref<1x4096xi32, #tpu.memory_space<hbm>> -> memref<4096xi32, #tpu.memory_space<hbm>>
      tpu.enqueue_dma source(%dma_start3A_151 : memref<4096xi32, #tpu.memory_space<hbm>>) target(%arg7 : memref<4096xi32, #tpu.memory_space<vmem>>) target_semaphore(%arg10 : memref<!tpu.dma_semaphore, #tpu.memory_space<semaphore_mem>>)
      %dma_start3A_152 = arith.constant 0 : i32
      %dma_start3A_153 = tpu.memref_slice %arg2[%add3A_111, %dma_start3A_152] : memref<200x53248xi32, #tpu.memory_space<hbm>> -> memref<1x53248xi32, #tpu.memory_space<hbm>>
      %dma_start3A_154 = tpu.memref_squeeze %dma_start3A_153 : memref<1x53248xi32, #tpu.memory_space<hbm>> -> memref<53248xi32, #tpu.memory_space<hbm>>
      %dma_start3A_155 = arith.constant 0 : i32
      %dma_start3A_156 = tpu.memref_slice %arg2[%add3A_111, %dma_start3A_155] : memref<200x53248xi32, #tpu.memory_space<hbm>> -> memref<1x53248xi32, #tpu.memory_space<hbm>>
      %dma_start3A_157 = tpu.memref_squeeze %dma_start3A_156 : memref<1x53248xi32, #tpu.memory_space<hbm>> -> memref<53248xi32, #tpu.memory_space<hbm>>
      tpu.enqueue_dma source(%dma_start3A_157 : memref<53248xi32, #tpu.memory_space<hbm>>) target(%arg5 : memref<53248xi32, #tpu.memory_space<vmem>>) target_semaphore(%arg10 : memref<!tpu.dma_semaphore, #tpu.memory_space<semaphore_mem>>)
    } else {
    }
    %add3A_117 = arith.constant 160 : i32
    %add3A_118 = arith.addi %add3A, %add3A_117 : i32
    %lt3A_119 = arith.constant 200 : i32
    %lt3A_120 = arith.cmpi slt, %add3A_118, %lt3A_119 : i32
    %convert_element_type3A_121 = arith.extui %lt3A_120 : i1 to i32
    %cond3A_122 = arith.constant 0 : i32
    %cond3A_123 = arith.cmpi ne, %convert_element_type3A_121, %cond3A_122 : i32
    scf.if %cond3A_123 {
      %add3A_145 = arith.constant 0 : i32
      %add3A_146 = arith.addi %add3A_145, %add3A_118 : i32
      %dma_wait3A = arith.constant 0 : i32
      %dma_wait3A_147 = tpu.memref_slice %arg3[%add3A_146, %dma_wait3A] : memref<200x4096xi32, #tpu.memory_space<hbm>> -> memref<1x4096xi32, #tpu.memory_space<hbm>>
      %dma_wait3A_148 = tpu.memref_squeeze %dma_wait3A_147 : memref<1x4096xi32, #tpu.memory_space<hbm>> -> memref<4096xi32, #tpu.memory_space<hbm>>
      %dma_wait3A_149 = arith.constant 0 : i32
      %dma_wait3A_150 = tpu.memref_slice %arg3[%add3A_146, %dma_wait3A_149] : memref<200x4096xi32, #tpu.memory_space<hbm>> -> memref<1x4096xi32, #tpu.memory_space<hbm>>
      %dma_wait3A_151 = tpu.memref_squeeze %dma_wait3A_150 : memref<1x4096xi32, #tpu.memory_space<hbm>> -> memref<4096xi32, #tpu.memory_space<hbm>>
      tpu.wait_dma2 semaphore(%arg11 : memref<!tpu.dma_semaphore, #tpu.memory_space<semaphore_mem>>) src(%dma_wait3A_151 : memref<4096xi32, #tpu.memory_space<hbm>>) dst(%arg8 : memref<4096xi32, #tpu.memory_space<vmem>>)
      %dma_wait3A_152 = arith.constant 0 : i32
      %dma_wait3A_153 = tpu.memref_slice %arg2[%add3A_118, %dma_wait3A_152] : memref<200x53248xi32, #tpu.memory_space<hbm>> -> memref<1x53248xi32, #tpu.memory_space<hbm>>
      %dma_wait3A_154 = tpu.memref_squeeze %dma_wait3A_153 : memref<1x53248xi32, #tpu.memory_space<hbm>> -> memref<53248xi32, #tpu.memory_space<hbm>>
      %dma_wait3A_155 = arith.constant 0 : i32
      %dma_wait3A_156 = tpu.memref_slice %arg2[%add3A_118, %dma_wait3A_155] : memref<200x53248xi32, #tpu.memory_space<hbm>> -> memref<1x53248xi32, #tpu.memory_space<hbm>>
      %dma_wait3A_157 = tpu.memref_squeeze %dma_wait3A_156 : memref<1x53248xi32, #tpu.memory_space<hbm>> -> memref<53248xi32, #tpu.memory_space<hbm>>
      tpu.wait_dma2 semaphore(%arg11 : memref<!tpu.dma_semaphore, #tpu.memory_space<semaphore_mem>>) src(%dma_wait3A_157 : memref<53248xi32, #tpu.memory_space<hbm>>) dst(%arg6 : memref<53248xi32, #tpu.memory_space<vmem>>)
    } else {
    }
    %add3A_124 = arith.constant 160 : i32
    %add3A_125 = arith.addi %add3A, %add3A_124 : i32
    %lt3A_126 = arith.constant 200 : i32
    %lt3A_127 = arith.cmpi slt, %add3A_125, %lt3A_126 : i32
    %convert_element_type3A_128 = arith.extui %lt3A_127 : i1 to i32
    %cond3A_129 = arith.constant 0 : i32
    %cond3A_130 = arith.cmpi ne, %convert_element_type3A_128, %cond3A_129 : i32
    scf.if %cond3A_130 {
      %parallel_loop3A = arith.constant 0 : i32
      %parallel_loop3A_145 = arith.constant 4096 : i32
      %parallel_loop3A_146 = arith.constant 16 : i32
      scf.for %parallel_loop3A_147 = %parallel_loop3A to %parallel_loop3A_145 step %parallel_loop3A_146  : i32 {
        %parallel_loop3A_148 = arith.index_cast %parallel_loop3A_147 : i32 to index
        %parallel_loop3A_149 = tpu.vector_load %arg8[%parallel_loop3A_148] {strides = array<i32>} : memref<4096xi32, #tpu.memory_space<vmem>>, vector<16xi32>,
        %parallel_loop3A_150 = arith.constant 4096 : i32
        %parallel_loop3A_151 = vector.broadcast %parallel_loop3A_150 : i32 to vector<16xi32>
        %parallel_loop3A_152 = arith.andi %parallel_loop3A_149, %parallel_loop3A_151 : vector<16xi32>
        %parallel_loop3A_153 = arith.constant 0 : i32
        %parallel_loop3A_154 = vector.broadcast %parallel_loop3A_153 : i32 to vector<16xi32>
        %parallel_loop3A_155 = arith.cmpi ne, %parallel_loop3A_152, %parallel_loop3A_154 : vector<16xi32>
        %parallel_loop3A_156 = arith.constant 13 : i32
        %parallel_loop3A_157 = vector.broadcast %parallel_loop3A_156 : i32 to vector<16xi32>
        %parallel_loop3A_158 = arith.shrsi %parallel_loop3A_149, %parallel_loop3A_157 : vector<16xi32>
        %parallel_loop3A_159 = arith.constant 12 : i32
        %parallel_loop3A_160 = vector.broadcast %parallel_loop3A_159 : i32 to vector<16xi32>
        %parallel_loop3A_161 = arith.shli %parallel_loop3A_158, %parallel_loop3A_160 : vector<16xi32>
        %parallel_loop3A_162 = arith.constant 4095 : i32
        %parallel_loop3A_163 = vector.broadcast %parallel_loop3A_162 : i32 to vector<16xi32>
        %parallel_loop3A_164 = arith.andi %parallel_loop3A_149, %parallel_loop3A_163 : vector<16xi32>
        %parallel_loop3A_165 = arith.ori %parallel_loop3A_161, %parallel_loop3A_164 : vector<16xi32>
        %parallel_loop3A_166 = tpu.vector_load_idx %arg6[%parallel_loop3A_165] : memref<53248xi32, #tpu.memory_space<vmem>>[vector<16xi32>], vector<16xi32>,
        %parallel_loop3A_167 = arith.constant -65536 : i32
        %parallel_loop3A_168 = vector.broadcast %parallel_loop3A_167 : i32 to vector<16xi32>
        %parallel_loop3A_169 = arith.andi %parallel_loop3A_166, %parallel_loop3A_168 : vector<16xi32>
        %parallel_loop3A_170 = arith.constant 16 : i32
        %parallel_loop3A_171 = vector.broadcast %parallel_loop3A_170 : i32 to vector<16xi32>
        %parallel_loop3A_172 = arith.shli %parallel_loop3A_166, %parallel_loop3A_171 : vector<16xi32>
        %parallel_loop3A_173 = arith.select %parallel_loop3A_155, %parallel_loop3A_169, %parallel_loop3A_172 : vector<16xi1>, vector<16xi32>
        %parallel_loop3A_174 = vector.bitcast %parallel_loop3A_173 : vector<16xi32> to vector<16xf32>
        %parallel_loop3A_175 = arith.index_cast %parallel_loop3A_147 : i32 to index
        %parallel_loop3A_176 = tpu.vector_load %arg9[%parallel_loop3A_175] {strides = array<i32>} : memref<4096xf32, #tpu.memory_space<vmem>>, vector<16xf32>,
        %parallel_loop3A_177 = arith.addf %parallel_loop3A_176, %parallel_loop3A_174 : vector<16xf32>
        %parallel_loop3A_178 = arith.index_cast %parallel_loop3A_147 : i32 to index
        %parallel_loop3A_179 = tpu.vector_load %arg9[%parallel_loop3A_178] {strides = array<i32>} : memref<4096xf32, #tpu.memory_space<vmem>>, vector<16xf32>,
        tpu.vector_store %arg9[%parallel_loop3A_178], %parallel_loop3A_177 {strides = array<i32>} : memref<4096xf32, #tpu.memory_space<vmem>>, vector<16xf32>,
      } {sc.loop_unroll_factor = 16 : i64, sc.parallel_access}
    } else {
    }
    %add3A_131 = arith.constant 192 : i32
    %add3A_132 = arith.addi %add3A, %add3A_131 : i32
    %lt3A_133 = arith.constant 200 : i32
    %lt3A_134 = arith.cmpi slt, %add3A_132, %lt3A_133 : i32
    %convert_element_type3A_135 = arith.extui %lt3A_134 : i1 to i32
    %cond3A_136 = arith.constant 0 : i32
    %cond3A_137 = arith.cmpi ne, %convert_element_type3A_135, %cond3A_136 : i32
    scf.if %cond3A_137 {
      %add3A_145 = arith.constant 0 : i32
      %add3A_146 = arith.addi %add3A_145, %add3A_132 : i32
      %dma_wait3A = arith.constant 0 : i32
      %dma_wait3A_147 = tpu.memref_slice %arg3[%add3A_146, %dma_wait3A] : memref<200x4096xi32, #tpu.memory_space<hbm>> -> memref<1x4096xi32, #tpu.memory_space<hbm>>
      %dma_wait3A_148 = tpu.memref_squeeze %dma_wait3A_147 : memref<1x4096xi32, #tpu.memory_space<hbm>> -> memref<4096xi32, #tpu.memory_space<hbm>>
      %dma_wait3A_149 = arith.constant 0 : i32
      %dma_wait3A_150 = tpu.memref_slice %arg3[%add3A_146, %dma_wait3A_149] : memref<200x4096xi32, #tpu.memory_space<hbm>> -> memref<1x4096xi32, #tpu.memory_space<hbm>>
      %dma_wait3A_151 = tpu.memref_squeeze %dma_wait3A_150 : memref<1x4096xi32, #tpu.memory_space<hbm>> -> memref<4096xi32, #tpu.memory_space<hbm>>
      tpu.wait_dma2 semaphore(%arg10 : memref<!tpu.dma_semaphore, #tpu.memory_space<semaphore_mem>>) src(%dma_wait3A_151 : memref<4096xi32, #tpu.memory_space<hbm>>) dst(%arg7 : memref<4096xi32, #tpu.memory_space<vmem>>)
      %dma_wait3A_152 = arith.constant 0 : i32
      %dma_wait3A_153 = tpu.memref_slice %arg2[%add3A_132, %dma_wait3A_152] : memref<200x53248xi32, #tpu.memory_space<hbm>> -> memref<1x53248xi32, #tpu.memory_space<hbm>>
      %dma_wait3A_154 = tpu.memref_squeeze %dma_wait3A_153 : memref<1x53248xi32, #tpu.memory_space<hbm>> -> memref<53248xi32, #tpu.memory_space<hbm>>
      %dma_wait3A_155 = arith.constant 0 : i32
      %dma_wait3A_156 = tpu.memref_slice %arg2[%add3A_132, %dma_wait3A_155] : memref<200x53248xi32, #tpu.memory_space<hbm>> -> memref<1x53248xi32, #tpu.memory_space<hbm>>
      %dma_wait3A_157 = tpu.memref_squeeze %dma_wait3A_156 : memref<1x53248xi32, #tpu.memory_space<hbm>> -> memref<53248xi32, #tpu.memory_space<hbm>>
      tpu.wait_dma2 semaphore(%arg10 : memref<!tpu.dma_semaphore, #tpu.memory_space<semaphore_mem>>) src(%dma_wait3A_157 : memref<53248xi32, #tpu.memory_space<hbm>>) dst(%arg5 : memref<53248xi32, #tpu.memory_space<vmem>>)
    } else {
    }
    %add3A_138 = arith.constant 192 : i32
    %add3A_139 = arith.addi %add3A, %add3A_138 : i32
    %lt3A_140 = arith.constant 200 : i32
    %lt3A_141 = arith.cmpi slt, %add3A_139, %lt3A_140 : i32
    %convert_element_type3A_142 = arith.extui %lt3A_141 : i1 to i32
    %cond3A_143 = arith.constant 0 : i32
    %cond3A_144 = arith.cmpi ne, %convert_element_type3A_142, %cond3A_143 : i32
    scf.if %cond3A_144 {
      %parallel_loop3A = arith.constant 0 : i32
      %parallel_loop3A_145 = arith.constant 4096 : i32
      %parallel_loop3A_146 = arith.constant 16 : i32
      scf.for %parallel_loop3A_147 = %parallel_loop3A to %parallel_loop3A_145 step %parallel_loop3A_146  : i32 {
        %parallel_loop3A_148 = arith.index_cast %parallel_loop3A_147 : i32 to index
        %parallel_loop3A_149 = tpu.vector_load %arg7[%parallel_loop3A_148] {strides = array<i32>} : memref<4096xi32, #tpu.memory_space<vmem>>, vector<16xi32>,
        %parallel_loop3A_150 = arith.constant 4096 : i32
        %parallel_loop3A_151 = vector.broadcast %parallel_loop3A_150 : i32 to vector<16xi32>
        %parallel_loop3A_152 = arith.andi %parallel_loop3A_149, %parallel_loop3A_151 : vector<16xi32>
        %parallel_loop3A_153 = arith.constant 0 : i32
        %parallel_loop3A_154 = vector.broadcast %parallel_loop3A_153 : i32 to vector<16xi32>
        %parallel_loop3A_155 = arith.cmpi ne, %parallel_loop3A_152, %parallel_loop3A_154 : vector<16xi32>
        %parallel_loop3A_156 = arith.constant 13 : i32
        %parallel_loop3A_157 = vector.broadcast %parallel_loop3A_156 : i32 to vector<16xi32>
        %parallel_loop3A_158 = arith.shrsi %parallel_loop3A_149, %parallel_loop3A_157 : vector<16xi32>
        %parallel_loop3A_159 = arith.constant 12 : i32
        %parallel_loop3A_160 = vector.broadcast %parallel_loop3A_159 : i32 to vector<16xi32>
        %parallel_loop3A_161 = arith.shli %parallel_loop3A_158, %parallel_loop3A_160 : vector<16xi32>
        %parallel_loop3A_162 = arith.constant 4095 : i32
        %parallel_loop3A_163 = vector.broadcast %parallel_loop3A_162 : i32 to vector<16xi32>
        %parallel_loop3A_164 = arith.andi %parallel_loop3A_149, %parallel_loop3A_163 : vector<16xi32>
        %parallel_loop3A_165 = arith.ori %parallel_loop3A_161, %parallel_loop3A_164 : vector<16xi32>
        %parallel_loop3A_166 = tpu.vector_load_idx %arg5[%parallel_loop3A_165] : memref<53248xi32, #tpu.memory_space<vmem>>[vector<16xi32>], vector<16xi32>,
        %parallel_loop3A_167 = arith.constant -65536 : i32
        %parallel_loop3A_168 = vector.broadcast %parallel_loop3A_167 : i32 to vector<16xi32>
        %parallel_loop3A_169 = arith.andi %parallel_loop3A_166, %parallel_loop3A_168 : vector<16xi32>
        %parallel_loop3A_170 = arith.constant 16 : i32
        %parallel_loop3A_171 = vector.broadcast %parallel_loop3A_170 : i32 to vector<16xi32>
        %parallel_loop3A_172 = arith.shli %parallel_loop3A_166, %parallel_loop3A_171 : vector<16xi32>
        %parallel_loop3A_173 = arith.select %parallel_loop3A_155, %parallel_loop3A_169, %parallel_loop3A_172 : vector<16xi1>, vector<16xi32>
        %parallel_loop3A_174 = vector.bitcast %parallel_loop3A_173 : vector<16xi32> to vector<16xf32>
        %parallel_loop3A_175 = arith.index_cast %parallel_loop3A_147 : i32 to index
        %parallel_loop3A_176 = tpu.vector_load %arg9[%parallel_loop3A_175] {strides = array<i32>} : memref<4096xf32, #tpu.memory_space<vmem>>, vector<16xf32>,
        %parallel_loop3A_177 = arith.addf %parallel_loop3A_176, %parallel_loop3A_174 : vector<16xf32>
        %parallel_loop3A_178 = arith.index_cast %parallel_loop3A_147 : i32 to index
        %parallel_loop3A_179 = tpu.vector_load %arg9[%parallel_loop3A_178] {strides = array<i32>} : memref<4096xf32, #tpu.memory_space<vmem>>, vector<16xf32>,
        tpu.vector_store %arg9[%parallel_loop3A_178], %parallel_loop3A_177 {strides = array<i32>} : memref<4096xf32, #tpu.memory_space<vmem>>, vector<16xf32>,
      } {sc.loop_unroll_factor = 16 : i64, sc.parallel_access}
    } else {
    }
    "tpu.region"() ({
      %run_scoped3A = tpu.sem_alloc : memref<!tpu.dma_semaphore, #tpu.memory_space<semaphore_mem>>
      %dma_start3A = arith.constant 0 : i32
      %dma_start3A_145 = tpu.memref_slice %arg4[%add3A, %dma_start3A] : memref<32x4096xf32, #tpu.memory_space<hbm>> -> memref<1x4096xf32, #tpu.memory_space<hbm>>
      %dma_start3A_146 = tpu.memref_squeeze %dma_start3A_145 : memref<1x4096xf32, #tpu.memory_space<hbm>> -> memref<4096xf32, #tpu.memory_space<hbm>>
      %dma_start3A_147 = arith.constant 0 : i32
      %dma_start3A_148 = tpu.memref_slice %arg4[%add3A, %dma_start3A_147] : memref<32x4096xf32, #tpu.memory_space<hbm>> -> memref<1x4096xf32, #tpu.memory_space<hbm>>
      %dma_start3A_149 = tpu.memref_squeeze %dma_start3A_148 : memref<1x4096xf32, #tpu.memory_space<hbm>> -> memref<4096xf32, #tpu.memory_space<hbm>>
      tpu.enqueue_dma source(%arg9 : memref<4096xf32, #tpu.memory_space<vmem>>) target(%dma_start3A_149 : memref<4096xf32, #tpu.memory_space<hbm>>) target_semaphore(%run_scoped3A : memref<!tpu.dma_semaphore, #tpu.memory_space<semaphore_mem>>)
      %dma_wait3A = arith.constant 0 : i32
      %dma_wait3A_150 = tpu.memref_slice %arg4[%add3A, %dma_wait3A] : memref<32x4096xf32, #tpu.memory_space<hbm>> -> memref<1x4096xf32, #tpu.memory_space<hbm>>
      %dma_wait3A_151 = tpu.memref_squeeze %dma_wait3A_150 : memref<1x4096xf32, #tpu.memory_space<hbm>> -> memref<4096xf32, #tpu.memory_space<hbm>>
      %dma_wait3A_152 = arith.constant 0 : i32
      %dma_wait3A_153 = tpu.memref_slice %arg4[%add3A, %dma_wait3A_152] : memref<32x4096xf32, #tpu.memory_space<hbm>> -> memref<1x4096xf32, #tpu.memory_space<hbm>>
      %dma_wait3A_154 = tpu.memref_squeeze %dma_wait3A_153 : memref<1x4096xf32, #tpu.memory_space<hbm>> -> memref<4096xf32, #tpu.memory_space<hbm>>
      tpu.wait_dma2 semaphore(%run_scoped3A : memref<!tpu.dma_semaphore, #tpu.memory_space<semaphore_mem>>) src(%arg9 : memref<4096xf32, #tpu.memory_space<vmem>>) dst(%dma_wait3A_154 : memref<4096xf32, #tpu.memory_space<hbm>>)
      tpu.yield
    }) : () -> ()
    return
  }
}

module attributes {stable_mosaic.version = 14 : i64} {
  func.func @_tr_body(%arg0: i32, %arg1: memref<4096x200xi32, #tpu.memory_space<vmem>>, %arg2: memref<200x4096xi32, #tpu.memory_space<vmem>>) attributes {dimension_semantics = [#tpu.dimension_semantics<arbitrary>], iteration_bounds = array<i64: 1>, scalar_prefetch = 0 : i64, scratch_operands = 0 : i64, tpu.core_type = #tpu.core_type<tc>, window_params = [{transform_indices = @transform_0, window_bounds = array<i64: 4096, 200>}, {transform_indices = @transform_1, window_bounds = array<i64: 200, 4096>}]} {
    %get3A = arith.constant 0 : index
    %get3A_0 = arith.constant 0 : index
    %get3A_1 = vector.load %arg1[%get3A, %get3A_0] : memref<4096x200xi32, #tpu.memory_space<vmem>>, vector<4096x200xi32>
    %transpose3A = tpu.transpose %get3A_1, [1, 0] : vector<4096x200xi32> -> vector<200x4096xi32>
    %swap3A = arith.constant 0 : index
    %swap3A_2 = arith.constant 0 : index
    %swap3A_3 = vector.load %arg2[%swap3A, %swap3A_2] : memref<200x4096xi32, #tpu.memory_space<vmem>>, vector<200x4096xi32>
    tpu.vector_store %arg2[%swap3A, %swap3A_2], %transpose3A {strides = array<i32>} : memref<200x4096xi32, #tpu.memory_space<vmem>>, vector<200x4096xi32>,
    return
  }
  func.func @transform_0(%arg0: i32) -> (i32, i32) {
    %c0_i32 = arith.constant 0 : i32
    %c0_i32_0 = arith.constant 0 : i32
    return %arg0, %c0_i32 : i32, i32
  }
  func.func @transform_1(%arg0: i32) -> (i32, i32) {
    %c0_i32 = arith.constant 0 : i32
    %c0_i32_0 = arith.constant 0 : i32
    return %c0_i32, %arg0 : i32, i32
  }
}

module attributes {stable_mosaic.version = 14 : i64} {
  func.func @_mm_body(%arg0: i32, %arg1: memref<200x100xf32, #tpu.memory_space<vmem>>, %arg2: memref<200x100xf32, #tpu.memory_space<vmem>>, %arg3: memref<8192x100xf32, #tpu.memory_space<vmem>>, %arg4: memref<200x4096xi32, #tpu.memory_space<vmem>>) attributes {dimension_semantics = [#tpu.dimension_semantics<arbitrary>], iteration_bounds = array<i64: 13>, scalar_prefetch = 0 : i64, scratch_operands = 0 : i64, tpu.core_type = #tpu.core_type<tc>, window_params = [{pipeline_mode = #tpu.pipeline_mode<synchronous>, transform_indices = @transform_0, window_bounds = array<i64: 200, 100>}, {pipeline_mode = #tpu.pipeline_mode<synchronous>, transform_indices = @transform_1, window_bounds = array<i64: 200, 100>}, {transform_indices = @transform_2, window_bounds = array<i64: 8192, 100>}, {transform_indices = @transform_3, window_bounds = array<i64: 200, 4096>}]} {
    %get3A = arith.constant 0 : index
    %get3A_0 = arith.constant 0 : index
    %get3A_1 = vector.load %arg1[%get3A, %get3A_0] : memref<200x100xf32, #tpu.memory_space<vmem>>, vector<200x100xf32>
    %get3A_2 = arith.constant 0 : index
    %get3A_3 = arith.constant 0 : index
    %get3A_4 = vector.load %arg2[%get3A_2, %get3A_3] : memref<200x100xf32, #tpu.memory_space<vmem>>, vector<200x100xf32>
    %sub3A = arith.subf %get3A_1, %get3A_4 : vector<200x100xf32>
    %get3A_5 = arith.constant 0 : index
    %get3A_6 = arith.constant 0 : index
    %get3A_7 = vector.load %arg3[%get3A_5, %get3A_6] : memref<8192x100xf32, #tpu.memory_space<vmem>>, vector<8192x100xf32>
    %dot_general3A = arith.constant dense<0.000000e+00> : vector<200x8192xf32>
    %dot_general3A_8 = tpu.matmul %sub3A, %get3A_7, %dot_general3A {dimension_numbers = #tpu.dot_dimension_numbers<[1], [1], [0], [0], [0, 0, 1, 0], [], []>, transpose_lhs_hint = false} : vector<200x100xf32>, vector<8192x100xf32>, vector<200x8192xf32> -> vector<200x8192xf32>
    %slice3A = vector.extract_strided_slice %dot_general3A_8 {offsets = [0, 0], sizes = [200, 4096], strides = [1, 1]} : vector<200x8192xf32> to vector<200x4096xf32>
    %slice3A_9 = vector.extract_strided_slice %dot_general3A_8 {offsets = [0, 4096], sizes = [200, 4096], strides = [1, 1]} : vector<200x8192xf32> to vector<200x4096xf32>
    %bitcast_convert_type3A = tpu.bitcast %slice3A : vector<200x4096xf32> -> vector<200x4096xi32>
    %add3A = arith.constant 32767 : i32
    %add3A_10 = vector.broadcast %add3A : i32 to vector<200x4096xi32>
    %add3A_11 = arith.addi %bitcast_convert_type3A, %add3A_10 : vector<200x4096xi32>
    %shift_right_logical3A = arith.constant 16 : i32
    %shift_right_logical3A_12 = vector.broadcast %shift_right_logical3A : i32 to vector<200x4096xi32>
    %shift_right_logical3A_13 = arith.shrui %bitcast_convert_type3A, %shift_right_logical3A_12 : vector<200x4096xi32>
    %and3A = arith.constant 1 : i32
    %and3A_14 = vector.broadcast %and3A : i32 to vector<200x4096xi32>
    %and3A_15 = arith.andi %shift_right_logical3A_13, %and3A_14 : vector<200x4096xi32>
    %add3A_16 = arith.addi %add3A_11, %and3A_15 : vector<200x4096xi32>
    %shift_right_logical3A_17 = arith.constant 16 : i32
    %shift_right_logical3A_18 = vector.broadcast %shift_right_logical3A_17 : i32 to vector<200x4096xi32>
    %shift_right_logical3A_19 = arith.shrui %add3A_16, %shift_right_logical3A_18 : vector<200x4096xi32>
    %bitcast_convert_type3A_20 = tpu.bitcast %slice3A_9 : vector<200x4096xf32> -> vector<200x4096xi32>
    %add3A_21 = arith.constant 32767 : i32
    %add3A_22 = vector.broadcast %add3A_21 : i32 to vector<200x4096xi32>
    %add3A_23 = arith.addi %bitcast_convert_type3A_20, %add3A_22 : vector<200x4096xi32>
    %shift_right_logical3A_24 = arith.constant 16 : i32
    %shift_right_logical3A_25 = vector.broadcast %shift_right_logical3A_24 : i32 to vector<200x4096xi32>
    %shift_right_logical3A_26 = arith.shrui %bitcast_convert_type3A_20, %shift_right_logical3A_25 : vector<200x4096xi32>
    %and3A_27 = arith.constant 1 : i32
    %and3A_28 = vector.broadcast %and3A_27 : i32 to vector<200x4096xi32>
    %and3A_29 = arith.andi %shift_right_logical3A_26, %and3A_28 : vector<200x4096xi32>
    %add3A_30 = arith.addi %add3A_23, %and3A_29 : vector<200x4096xi32>
    %shift_right_logical3A_31 = arith.constant 16 : i32
    %shift_right_logical3A_32 = vector.broadcast %shift_right_logical3A_31 : i32 to vector<200x4096xi32>
    %shift_right_logical3A_33 = arith.shrui %add3A_30, %shift_right_logical3A_32 : vector<200x4096xi32>
    %shift_left3A = arith.constant 16 : i32
    %shift_left3A_34 = vector.broadcast %shift_left3A : i32 to vector<200x4096xi32>
    %shift_left3A_35 = arith.shli %shift_right_logical3A_33, %shift_left3A_34 : vector<200x4096xi32>
    %or3A = arith.ori %shift_right_logical3A_19, %shift_left3A_35 : vector<200x4096xi32>
    %bitcast_convert_type3A_36 = tpu.bitcast %or3A : vector<200x4096xi32> -> vector<200x4096xi32>
    %swap3A = arith.constant 0 : index
    %swap3A_37 = arith.constant 0 : index
    %swap3A_38 = vector.load %arg4[%swap3A, %swap3A_37] : memref<200x4096xi32, #tpu.memory_space<vmem>>, vector<200x4096xi32>
    tpu.vector_store %arg4[%swap3A, %swap3A_37], %bitcast_convert_type3A_36 {strides = array<i32>} : memref<200x4096xi32, #tpu.memory_space<vmem>>, vector<200x4096xi32>,
    return
  }
  func.func @transform_0(%arg0: i32) -> (i32, i32) {
    %c0_i32 = arith.constant 0 : i32
    %c0_i32_0 = arith.constant 0 : i32
    %c0_i32_1 = arith.constant 0 : i32
    return %c0_i32, %c0_i32_0 : i32, i32
  }
  func.func @transform_1(%arg0: i32) -> (i32, i32) {
    %c0_i32 = arith.constant 0 : i32
    %c0_i32_0 = arith.constant 0 : i32
    %c0_i32_1 = arith.constant 0 : i32
    return %c0_i32, %c0_i32_0 : i32, i32
  }
  func.func @transform_2(%arg0: i32) -> (i32, i32) {
    %c0_i32 = arith.constant 0 : i32
    %c0_i32_0 = arith.constant 0 : i32
    return %arg0, %c0_i32 : i32, i32
  }
  func.func @transform_3(%arg0: i32) -> (i32, i32) {
    %c0_i32 = arith.constant 0 : i32
    %c0_i32_0 = arith.constant 0 : i32
    return %c0_i32, %arg0 : i32, i32
  }
}

module attributes {stable_mosaic.version = 14 : i64} {
  func.func @_fin_body(%arg0: memref<32x4096xf32, #tpu.memory_space<vmem>>, %arg1: memref<1x2xf32, #tpu.memory_space<vmem>>, %arg2: memref<2x4096xf32, #tpu.memory_space<vmem>>) attributes {dimension_semantics = [], scalar_prefetch = 0 : i64, scratch_operands = 0 : i64, tpu.core_type = #tpu.core_type<tc>} {
    %get3A = arith.constant 0 : index
    %get3A_0 = arith.constant 0 : index
    %get3A_1 = vector.load %arg0[%get3A, %get3A_0] : memref<32x4096xf32, #tpu.memory_space<vmem>>, vector<32x4096xf32>
    %reduce_sum3A = arith.constant dense<0.000000e+00> : vector<4096xf32>
    %reduce_sum3A_2 = vector.multi_reduction <add>, %get3A_1, %reduce_sum3A [0] : vector<32x4096xf32> to vector<4096xf32>
    %broadcast_in_dim3A = vector.shape_cast %reduce_sum3A_2 : vector<4096xf32> to vector<1x4096xf32>
    %get3A_3 = arith.constant 0 : index
    %get3A_4 = arith.constant 0 : index
    %get3A_5 = vector.load %arg1[%get3A_3, %get3A_4] : memref<1x2xf32, #tpu.memory_space<vmem>>, vector<1x2xf32>
    %slice3A = vector.extract_strided_slice %get3A_5 {offsets = [0, 0], sizes = [1, 1], strides = [1, 1]} : vector<1x2xf32> to vector<1x1xf32>
    %get3A_6 = arith.constant 0 : index
    %get3A_7 = arith.constant 0 : index
    %get3A_8 = vector.load %arg1[%get3A_6, %get3A_7] : memref<1x2xf32, #tpu.memory_space<vmem>>, vector<1x2xf32>
    %slice3A_9 = vector.extract_strided_slice %get3A_8 {offsets = [0, 1], sizes = [1, 1], strides = [1, 1]} : vector<1x2xf32> to vector<1x1xf32>
    %sub3A = arith.subf %slice3A, %slice3A_9 : vector<1x1xf32>
    %add3A = vector.broadcast %sub3A : vector<1x1xf32> to vector<1x4096xf32>
    %add3A_10 = arith.addf %broadcast_in_dim3A, %add3A : vector<1x4096xf32>
    %abs3A = math.absf %add3A_10 : vector<1x4096xf32>
    %neg3A = arith.constant 0.000000e+00 : f32
    %neg3A_11 = vector.broadcast %neg3A : f32 to vector<1x4096xf32>
    %neg3A_12 = arith.subf %neg3A_11, %abs3A : vector<1x4096xf32>
    %exp3A = math.exp %neg3A_12 : vector<1x4096xf32>
    %log1p3A = math.log1p %exp3A : vector<1x4096xf32>
    %max3A = arith.constant 0.000000e+00 : f32
    %max3A_13 = vector.broadcast %max3A : f32 to vector<1x4096xf32>
    %max3A_14 = arith.maximumf %add3A_10, %max3A_13 : vector<1x4096xf32>
    %add3A_15 = arith.addf %max3A_14, %log1p3A : vector<1x4096xf32>
    %neg3A_16 = arith.constant 0.000000e+00 : f32
    %neg3A_17 = vector.broadcast %neg3A_16 : f32 to vector<1x4096xf32>
    %neg3A_18 = arith.subf %neg3A_17, %add3A_10 : vector<1x4096xf32>
    %max3A_19 = arith.constant 0.000000e+00 : f32
    %max3A_20 = vector.broadcast %max3A_19 : f32 to vector<1x4096xf32>
    %max3A_21 = arith.maximumf %neg3A_18, %max3A_20 : vector<1x4096xf32>
    %add3A_22 = arith.addf %max3A_21, %log1p3A : vector<1x4096xf32>
    %neg3A_23 = arith.constant 0.000000e+00 : f32
    %neg3A_24 = vector.broadcast %neg3A_23 : f32 to vector<1x4096xf32>
    %neg3A_25 = arith.subf %neg3A_24, %add3A_22 : vector<1x4096xf32>
    %neg3A_26 = arith.constant 0.000000e+00 : f32
    %neg3A_27 = vector.broadcast %neg3A_26 : f32 to vector<1x4096xf32>
    %neg3A_28 = arith.subf %neg3A_27, %add3A_15 : vector<1x4096xf32>
    %concatenate3A = tpu.concatenate %neg3A_25, %neg3A_28 in 0 : vector<1x4096xf32>, vector<1x4096xf32> -> vector<2x4096xf32>
    %swap3A = arith.constant 0 : index
    %swap3A_29 = arith.constant 0 : index
    %swap3A_30 = vector.load %arg2[%swap3A, %swap3A_29] : memref<2x4096xf32, #tpu.memory_space<vmem>>, vector<2x4096xf32>
    tpu.vector_store %arg2[%swap3A, %swap3A_29], %concatenate3A {strides = array<i32>} : memref<2x4096xf32, #tpu.memory_space<vmem>>, vector<2x4096xf32>,
    return
  }
}

</mosaic_0001>

<sc_bundles>
// kernel: kernel.6.cloned.1.call-start
scs
__scs_entry_jumppad:
0x0: {  	(pc) =	sbr.rel $0x88, $3  }
0x1: {  	(tag) =	ssettag $0x0;
	lr =	simm.s32 $0x1  }
0x2: {  	[smem:$0x3F9D] =	sst lr;
	_ =	strace $0xD0000000  }
0x3: {  	_ = 	snop  }
0x4: {  	_ = 	snop  }
0x5: {  	_ = 	snop  }
0x6: {  	_ = 	snop  }
0x7: {  	_ = 	snop  }
__scs_overlays_trampoline_lowered:
0x8: {  	[smem:$0x3FAC] =	sst s0  }
0x9: {  	[smem:$0x3FAD] =	sst s1  }
0xa: {  	[smem:$0x3FAE] =	sst s2  }
0xb: {  	[smem:$0x3FAF] =	sst s3  }
0xc: {  	[smem:$0x3FB0] =	sst s4  }
0xd: {  	[smem:$0x3FB1] =	sst s5  }
0xe: {  	[smem:$0x3FB2] =	sst s6  }
0xf: {  	[smem:$0x3FB3] =	sst s7  }
0x10: {  	[smem:$0x3FB4] =	sst s8  }
0x11: {  	[smem:$0x3FB5] =	sst s9;
	s0 =	simm.s32 @!p0 $0x0  }
0x12: {  	s1 =	sld [smem:$0x3F9B];
	s0 =	simm.s32 @p0 $0x1  }
0x13: {  	[smem:$0x3FB6] =	sst s0;
	s0 =	simm.s32 @!p1 $0x0  }
0x14: {  	s2 =	sld [smem:$0x3F9A];
	s0 =	simm.s32 @p1 $0x1  }
0x15: {  	[smem:$0x3FB7] =	sst s0;
	s0 =	simm.s32 @!p2 $0x0  }
0x16: {  	s3 =	sld [smem:$0x3FDB];
	s0 =	simm.s32 @p2 $0x1  }
0x17: {  	s4 =	simm.s32 $0x1BF5;
	[smem:$0x3FB9] =	sst s0  }
0x18: {  	s0 =	sld [smem:$0x3F9C];
	_ =	swait.ge [sflag:s4], $0x0  }
0x19: {  	s7 =	sld [smem:$0x3F9D]  }
0x1a: {  	s8 =	sadd.s32 $0xFFFFE003, lr  }
0x1b: {  	s9 =	sadd.s32 $0xFFFFFEF7, lr;
	s5 =	simm.s32 $0xFFFFFFFF;
	p2 =	slt.u32 s8, $0xFFFFF086  }
0x1c: {  	p1 =	slt.u32 s9, $0xF7A;
	s5 =	simm.s32 @!p2 $0x0  }
0x1d: {  	s5 =	simm.s32 @p1 $0x1;
	p0 =	seq.s32 s7, s2  }
0x1e: {  	s7 =	smul.u32 @!p0 $0xF7A, s2;
	p2 =	seq.s32 @!p0 s5, $0x0  }
0x1f: {  	s9 =	smul.u32 $0xF7A, s1;
	s8 =	simm.s32 @!p0 $0x1BF5;
	p2 =	por !p2, p0  }
0x20: {  	[sflag:s8] =	ssyncset.s32 @!p0 $0xFFFFF086;
	s6 =	sadd.s32 @!p0 s3, s7;
	s7 =	simm.s32 @!p0 $0x108  }
0x21: {  	s3 =	sadd.s32 s3, s9;
	s6 =	sadd.s32 @!p0 $0x88, s6;
	s7 =	simm.s32 @p2 $0x1082  }
0x22: {  	[simem:s7], [sflag:s8] =	dma.local @!p0 [hbm:s6], $0xF7A  }
0x23: {  	s9 =	sor.u32 $0xD0000000, s2;
	s6 =	simm.s32 $0x108;
	_ =	swait.ge @!p0 [sflag:s8], $0x0  }
0x24: {  	s3 =	sadd.s32 $0x88, s3;
	s6 =	simm.s32 @!p1 $0x1082;
	[sflag:s4] =	ssyncset.s32 $0xFFFFF086  }
0x25: {  	[simem:s6], [sflag:s4] =	dma.local [hbm:s3], $0xF7A  }
0x26: {  	[smem:$0x3F9D] =	sst s1;
	(tag) =	ssettag s2;
	_ =	strace s9  }
0x27: {  	s1 =	sld [smem:$0x3FAD]  }
0x28: {  	s2 =	sld [smem:$0x3FAE]  }
0x29: {  	s4 =	sld [smem:$0x3FB0]  }
0x2a: {  	p0 =	seq.s32 s5, $0x0;
	s5 =	sld [smem:$0x3FB1]  }
0x2b: {  	s6 =	sld [smem:$0x3FB2]  }
0x2c: {  	s7 =	sld [smem:$0x3FB3]  }
0x2d: {  	s3 =	simm.s32 $0x108;
	s8 =	sld [smem:$0x3FB4]  }
0x2e: {  	s3 =	simm.s32 @!p0 $0x1082;
	s9 =	sld [smem:$0x3FB5]  }
0x2f: {  	lr =	sadd.s32 s0, s3;
	s0 =	sld [smem:$0x3FAC]  }
0x30: {  	s3 =	sld [smem:$0x3FAF]  }
0x31: {  	[smem:$0x3FB8] =	sst s10  }
0x32: {  	s10 =	sld [smem:$0x3FB6];
	_ =	sdelay $0x3  }
0x33: {  	p0 =	seq.s32 s10, $0x1;
	s10 =	sld [smem:$0x3FB8];
	_ =	sdelay $0x3  }
0x34: {  	[smem:$0x3FB8] =	sst s10  }
0x35: {  	s10 =	sld [smem:$0x3FB7];
	_ =	sdelay $0x3  }
0x36: {  	p1 =	seq.s32 s10, $0x1;
	s10 =	sld [smem:$0x3FB8];
	_ =	sdelay $0x3  }
0x37: {  	[smem:$0x3FB8] =	sst s10  }
0x38: {  	s10 =	sld [smem:$0x3FB9]  }
0x39: {  	_ = 	snop;
	(pc) =	sbr.ind lr, $3  }
0x3a: {  	_ = 	snop  }
0x3b: {  	_ = 	snop  }
0x3c: {  	p2 =	seq.s32 s10, $0x1;
	s10 =	sld [smem:$0x3FB8]  }
0x3d: {  	_ =	shalt  }
0x3e: {  	_ =	shalt  }
0x3f: {  	_ =	shalt  }
0x40: {  	_ =	shalt  }
0x41: {  	_ =	shalt  }
0x42: {  	_ =	shalt  }
0x43: {  	_ =	shalt  }
0x44: {  	_ =	shalt  }
0x45: {  	_ =	shalt  }
0x46: {  	_ =	shalt  }
0x47: {  	_ =	shalt  }
0x48: {  	_ =	shalt  }
0x49: {  	_ =	shalt  }
0x4a: {  	_ =	shalt  }
0x4b: {  	_ =	shalt  }
0x4c: {  	_ =	shalt  }
0x4d: {  	_ =	shalt  }
0x4e: {  	_ =	shalt  }
0x4f: {  	_ =	shalt  }
0x50: {  	_ =	shalt  }
0x51: {  	_ =	shalt  }
0x52: {  	_ =	shalt  }
0x53: {  	_ =	shalt  }
0x54: {  	_ =	shalt  }
0x55: {  	_ =	shalt  }
0x56: {  	_ =	shalt  }
0x57: {  	_ =	shalt  }
0x58: {  	_ =	shalt  }
0x59: {  	_ =	shalt  }
0x5a: {  	_ =	shalt  }
0x5b: {  	_ =	shalt  }
0x5c: {  	_ =	shalt  }
0x5d: {  	_ =	shalt  }
0x5e: {  	_ =	shalt  }
0x5f: {  	_ =	shalt  }
0x60: {  	_ =	shalt  }
0x61: {  	_ =	shalt  }
0x62: {  	_ =	shalt  }
0x63: {  	_ =	shalt  }
0x64: {  	_ =	shalt  }
0x65: {  	_ =	shalt  }
0x66: {  	_ =	shalt  }
0x67: {  	_ =	shalt  }
0x68: {  	_ =	shalt  }
0x69: {  	_ =	shalt  }
0x6a: {  	_ =	shalt  }
0x6b: {  	_ =	shalt  }
0x6c: {  	_ =	shalt  }
0x6d: {  	_ =	shalt  }
0x6e: {  	_ =	shalt  }
0x6f: {  	_ =	shalt  }
0x70: {  	_ =	shalt  }
0x71: {  	_ =	shalt  }
0x72: {  	_ =	shalt  }
0x73: {  	_ =	shalt  }
0x74: {  	_ =	shalt  }
0x75: {  	_ =	shalt  }
0x76: {  	_ =	shalt  }
0x77: {  	_ =	shalt  }
0x78: {  	_ =	shalt  }
0x79: {  	_ =	shalt  }
0x7a: {  	_ =	shalt  }
0x7b: {  	_ =	shalt  }
0x7c: {  	_ =	shalt  }
0x7d: {  	_ =	shalt  }
0x7e: {  	_ =	shalt  }
0x7f: {  	_ =	shalt  }
0x80: {  	_ =	shalt  }
0x81: {  	_ =	shalt  }
0x82: {  	_ =	shalt  }
0x83: {  	_ =	shalt  }
0x84: {  	_ =	shalt  }
0x85: {  	_ =	shalt  }
0x86: {  	_ =	shalt  }
0x87: {  	_ =	shalt  }
.Lfunc_end0:
.L_simem_size_0:
called_computation_lowered:
.L_overlay_start_0:
0x88: {  	s2 =	sld [smem:$0x3FD9]  }
0x89: {  	s3 =	sld [smem:$0x3FFE];
	_ =	sdelay $0x1  }
0x8a: {  	s1 =	srdreg.scid  }
0x8b: {  	s0 =	sand.u32 $0x1, s1  }
0x8c: {  	s16 =	sshll.u32 s0, $0xA;
	s2 =	sadd.s32 s3, s2  }
0x8d: {  	s2 =	sadd.s32 s2, s16  }
0x8e: {  	[smem:$0x3FC4] =	sst s2  }
0x8f: {  	_ = 	snop  }
0x90: {  	(tm) =	ssettm $0x1  }
0x91: {  	s17 =	sld [smem:$0x3FFB];
	_ =	sdelay $0x3  }
0x92: {  	_ =	strace s17  }
0x93: {  	s2 =	sld [smem:$0x3FFC];
	_ =	sdelay $0x3  }
0x94: {  	_ =	strace s2  }
0x95: {  	s2 =	sld [smem:$0x3FFD];
	_ =	sdelay $0x3  }
0x96: {  	_ =	strace s2  }
0x97: {  	_ =	strace $0x8FFFFFFF  }
0x98: {  	s18 =	sld [smem:$0x3FDB];
	_ =	sdelay $0x1  }
0x99: {  	s19 =	simm.s32 $_scs_section_size  }
0x9a: {  	s4 =	simm.s32 $_size__tile_overlayer_lowered;
	s5 =	simm.s32 $_tile_overlayer_lowered  }
0x9b: {  	s22 =	simm.s32 $0x1BFF;
	s21 =	sshll.u32 s5, $0x1;
	s2 =	sadd.s32 s19, s18  }
0x9c: {  	s6 =	simm.s32 $0x0;
	s20 =	sshll.u32 s4, $0x1;
	s4 =	sadd.s32 s21, s2  }
0x9d: {  	[timem:s6], [sflag:s22] =	dma.local [hbm:s4], s20  }
0x9e: {  	_ =	swait.ge [sflag:s22], s20  }
0x9f: {  	s3 =	ssub.s32 $0x0, s20;
	[sflag:s22] =	ssyncset.done $0x0  }
0xa0: {  	[sflag:s22] =	ssyncadd.s32 s3;
	_ =	sdelay $0x1  }
0xa1: {  	s23 =	simm.s32 $0x1B8B  }
0xa2: {  	_ =	swait.ge [sflag:s23], $0x1  }
0xa3: {  	[sflag:s23] =	ssyncset.done $0x0  }
0xa4: {  	s25 =	simm.s32 $0x1B8E;
	s24 =	sld [smem:$0x3FFE];
	[sflag:s23] =	ssyncadd.s32 $0xFFFFFFFF  }
0xa5: {  	s26 =	simm.s32 $execute0_lowered;
	[smem:$0x3FD2] =	sst s25  }
0xa6: {  	s4 =	sshll.u32 s26, $0x1;
	_ =	strace $0x80000046;
	[dreg:$0x1] =	wrdreg $0xFFFFFFFF  }
0xa7: {  	s28 =	simm.s32 $_size_execute0_lowered;
	s2 =	sadd.s32 s2, s4;
	[dreg:$0x0] =	wrdreg $0x0  }
0xa8: {  	s4 =	sshll.u32 s28, $0x1;
	[dreg:$0x2] =	wrdreg s2  }
0xa9: {  	[dreg:$0x3] =	wrdreg s4  }
0xaa: {  	[dreg:$0x4] =	wrdreg $0xC0  }
0xab: {  	_ =	task [dreg:s6], $0x5FFFF  }
0xac: {  	[dreg:$0x1] =	wrdreg $0xFFFFFFFF  }
0xad: {  	[dreg:$0x0] =	wrdreg $0x60  }
0xae: {  	[dreg:$0x2] =	wrdreg s24  }
0xaf: {  	[dreg:$0x3] =	wrdreg $0x9  }
0xb0: {  	_ =	task.clear_ibuf [dreg:s6], $0x4FFFF;
	_ =	strace $0x90000046  }
0xb1: {  	s29 =	simm.s32 $0x9;
	_ =	strace $0x80000048  }
0xb2: {  	_ =	swait.ge [sflag:s29], $0x1  }
0xb3: {  	[sflag:s29] =	ssyncadd.s32 $0xFFFFFFFF  }
0xb4: {  	_ =	strace $0x90000048  }
0xb5: {  	_ =	sfence  }
0xb6: {  	s30 =	sld [smem:$0x0];
	_ =	sdelay $0x2  }
0xb7: {  	s31 =	sshll.u32 s1, $0xD;
	s1 =	sshrl.u32 s1, $0x2  }
0xb8: {  	s3 =	sand.u32 $0x4000, s31;
	s1 =	sadd.s32 s1, s30  }
0xb9: {  	s0 =	sor.u32 s3, s0;
	s1 =	sshll.u32 s1, $0x11  }
0xba: {  	s0 =	sor.u32 s1, s0  }
0xbb: {  	s0 =	sadd.s32 $0x8F2B, s0  }
0xbc: {  	[sflag:s0] =	ssyncadd.remote.s32 $0x1  }
0xbd: {  	_ =	sfence.sel $0xFFFF  }
0xbe: {  	[dreg:$0x0] =	wrdreg $0xFFFFFFFF;
	(pc) =	sbr.abs _section_cstart, $3  }
0xbf: {  	[dreg:$0x1] =	wrdreg $0xFFFFFFFF  }
0xc0: {  	_ =	task.clear_ibuf [dreg:s6], $0x2FFFF;
	_ =	strace $0x9FFFFFFF  }
0xc1: {  	(tm) =	ssettm $0x7FFFFFFF  }
tec
execute0_lowered:
.L_overlay_start_1:
0x0: {  	(tag) =	ssettag $0x1  }
0x1: {  	s0 =	srdreg.scid  }
0x2: {  	s26 =	stileid.u32;
	s4 =	rddreg [dreg:$0x0];
	s2 =	simm.s32 $0x0  }
0x3: {  	s28 =	simm.s32 $0x3;
	s29 =	simm.s32 $0x0;
	s3 =	sand.u32 $0x1, s0  }
0x4: {  	s24 =	sshll.u32 s26, $0x1;
	s1 =	sshll.u32 s26, $0xD;
	[smem:$0x7FF] =	sst s2  }
0x5: {  	s15 =	sadd.s32 $0x187800, s4;
	s11 =	sshrl.u32 s26, $0x2;
	p0 =	sgt.u32 s26, $0x3  }
0x6: {  	s26 =	simm.s32 $0x1C000;
	s0 =	sor.u32 s3, s24;
	_ =	strace $0x80000047  }
0x7: {  	s3 =	ssub.s32 $0x2, s3;
	s25 =	sshll.u32 s11, $0xF;
	s31 =	smul.u32 $0x68000, s11  }
0x8: {  	s7 =	sor.u32 $0x4, s11;
	s12 =	sor.u32 $0x8, s11;
	s16 =	sor.u32 $0xC, s11  }
0x9: {  	s20 =	sor.u32 $0x10, s11;
	s11 =	sor.u32 $0x14, s11;
	s5 =	sshll.u32 s0, $0x7  }
0xa: {  	s30 =	sshrl.u32 s3, $0x1;
	s9 =	sshll.u32 s7, $0xF;
	s7 =	smul.u32 $0x68000, s7  }
0xb: {  	s23 =	sshll.u32 s11, $0xF;
	s0 =	sshll.u32 s0, $0x4;
	s1 =	sor.u32 s1, s5  }
0xc: {  	s13 =	sand.u32 $0x380, s5;
	s18 =	ssub.s32 s3, s30;
	s6 =	sand.u32 $0x18380, s1  }
0xd: {  	s1 =	sadd.s32 $0x1A0800, s4;
	s8 =	sor.u32 s31, s13;
	s7 =	sor.u32 s7, s13  }
0xe: {  	s18 =	smax.u32 s18, $0x1;
	s6 =	sshrl.u32 s6, $0x3;
	s7 =	sshrl.u32 s7, $0x3  }
0xf: {  	s17 =	sadd.s32 s6, s4;
	s4 =	sor.u32 s25, s13;
	s6 =	sor.u32 s9, s13  }
0x10: {  	s9 =	smul.u32 $0x68000, s12;
	s25 =	sor.u32 s23, s13;
	s23 =	simm.s32 $0xD000  }
0x11: {  	s5 =	sshrl.u32 s4, $0x3;
	s10 =	sshrl.u32 s6, $0x3;
	s6 =	sadd.s32 s1, s7  }
0x12: {  	s17 =	sadd.s32 $0xE00, s17;
	s3 =	sadd.s32 s15, s5;
	s5 =	sshrl.u32 s8, $0x3  }
0x13: {  	s8 =	sshll.u32 s12, $0xF;
	s9 =	sor.u32 s9, s13;
	s12 =	smul.u32 $0x68000, s16  }
0x14: {  	s4 =	sadd.s32 s1, s5;
	s5 =	sadd.s32 s15, s10;
	s8 =	sor.u32 s8, s13  }
0x15: {  	s10 =	sshll.u32 s16, $0xF;
	s9 =	sshrl.u32 s9, $0x3;
	s16 =	smul.u32 $0x68000, s20  }
0x16: {  	s14 =	sshrl.u32 s8, $0x3;
	s10 =	sor.u32 s10, s13;
	s8 =	sadd.s32 s1, s9  }
0x17: {  	s12 =	sor.u32 s12, s13;
	s7 =	sadd.s32 s15, s14;
	s19 =	sshrl.u32 s10, $0x3  }
0x18: {  	s14 =	sshll.u32 s20, $0xF;
	s12 =	sshrl.u32 s12, $0x3;
	s22 =	sor.u32 s16, s13  }
0x19: {  	s20 =	simm.s32 $0x400;
	s9 =	sadd.s32 s15, s19;
	s14 =	sor.u32 s14, s13  }
0x1a: {  	s10 =	sadd.s32 s1, s12;
	s19 =	smul.u32 $0x68000, s11;
	s24 =	sshrl.u32 s22, $0x3  }
0x1b: {  	s22 =	simm.s32 $0x1B000;
	s21 =	sshrl.u32 s14, $0x3;
	s12 =	sadd.s32 s1, s24  }
.Ltmp0:
0x1c: {  	s14 =	sshrl.u32 s25, $0x3;
	s24 =	simm.s32 $0x1;
	(pc) =	sbr.rel .LBB2_1-.Ltmp0, $4  }
0x1d: {  	s25 =	simm.s32 $0x2;
	s11 =	sadd.s32 s15, s21;
	s30 =	sor.u32 s19, s13  }
0x1e: {  	s13 =	sadd.s32 s15, s14;
	s15 =	sadd.s32 s0, s15;
	s0 =	sadd.s32 s0, s1  }
0x1f: {  	s19 =	simm.s32 $0x80;
	s21 =	simm.s32 $0x1A000;
	s31 =	sshrl.u32 s30, $0x3  }
0x20: {  	s15 =	sadd.s32 $0x18000, s15;
	s16 =	sadd.s32 $0x138000, s0;
	s14 =	sadd.s32 s1, s31  }
.LBB2_16:
0x21: {  	v20 =	vand.u32 $0xFFFF0000, v8  }
0x22: {  	v53 =	vshll.u32 v8, $0x10;
	v13 =	vadd.f32 v19, v13;
	v5 =	vadd.f32 v12, v5  }
0x23: {  	vm14 =	veq.s32 v6, $0x0;
	[tilespmem:s31+$0x10] =	vst v18;
	v55 =	vand.u32 $0xFFFF0000, v11;
	v56 =	vshll.u32 v11, $0x10  }
0x24: {  	v57 =	vsel vm3, v17, v14;
	v0 =	vand.u32 $0x1000, v0;
	[tilespmem:s31+$0xFFFFFFE0] =	vst v4;
	v61 =	vand.u32 $0xFFFF0000, v9  }
0x25: {  	v62 =	vshll.u32 v9, $0x10;
	v8 =	vsel vm1, v53, v20;
	v58 =	vadd.f32 v57, v16;
	[tilespmem:s31+$0x60] =	vst v13  }
0x26: {  	vm15 =	veq.s32 v0, $0x0;
	v54 =	vadd.f32 v8, v15;
	v8 =	vsel vm14, v56, v55;
	[tilespmem:s31+$0xFFFFFFA0] =	vst v5  }
0x27: {  	v60 =	vshll.u32 v7, $0x10;
	v63 =	vsel vm15, v62, v61;
	v59 =	vadd.f32 v8, v1;
	[tilespmem:s31+$0xFFFFFFF0] =	vst v58  }
0x28: {  	v1 =	vsel vm0, v60, v10;
	v0 =	vadd.f32 v63, v2;
	[tilespmem:s31+$0x70] =	vst v54  }
0x29: {  	v1 =	vadd.f32 v1, v3;
	[tilespmem:s31+$0xFFFFFFC0] =	vst v59  }
0x2a: {  	[tilespmem:s31+$0x30] =	vst v0  }
0x2b: {  	[tilespmem:s31+$0x40] =	vst v1  }
.LBB2_17:
0x2c: {  	s29 =	sadd.s32 $0x1, s29  }
0x2d: {  	p1 =	sne.s32 s29, s18  }
.Ltmp1:
0x2e: {  	_ = 	snop;
	(pc) =	sbr.rel @!p1 .LBB2_18-.Ltmp1, $4  }
0x2f: {  	[hbm4b:s17+s19] =	stream.strided.scatter [tilespmem:s26], [sflag:$0x3], $0x1000, s20, s19, $0x38;
	[tilespmem:$0x1D000] =	vst v63  }
0x30: {  	_ =	swait.ge [sflag:s28], $0x1000  }
0x31: {  	[sflag:s28] =	ssyncset.done $0x0  }
0x32: {  	[sflag:s28] =	ssyncadd.s32 $0xFFFFF000  }
.LBB2_1:
0x33: {  	[tilespmem:s21], [sflag:$0x1] =	stream.strided.gather [hbm4b:s3+s19], $0x1000, s20, s19, $0x38;
	[tilespmem:$0x1D000] =	vst v63  }
0x34: {  	_ = 	snop  }
0x35: {  	[tilespmem:s2], [sflag:$0x1] =	stream.strided.gather [hbm4b:s4+s19], $0xD000, s20, s19, $0x38;
	[tilespmem:$0x1D000] =	vst v63  }
0x36: {  	_ = 	snop  }
0x37: {  	[tilespmem:s22], [sflag:$0x2] =	stream.strided.gather [hbm4b:s5+s19], $0x1000, s20, s19, $0x38;
	[tilespmem:$0x1D000] =	vst v63  }
0x38: {  	_ = 	snop  }
0x39: {  	[tilespmem:s23], [sflag:$0x2] =	stream.strided.gather [hbm4b:s6+s19], $0xD000, s20, s19, $0x38;
	[tilespmem:$0x1D000] =	vst v63  }
0x3a: {  	_ =	swait.ge [sflag:s24], $0x1000  }
0x3b: {  	[sflag:s24] =	ssyncset.done $0x0  }
0x3c: {  	[sflag:s24] =	ssyncadd.s32 $0xFFFFF000  }
0x3d: {  	_ =	swait.ge [sflag:s24], $0xD000  }
0x3e: {  	[sflag:s24] =	ssyncset.done $0x0  }
0x3f: {  	s0 =	simm.s32 $0x1A080;
	[sflag:s24] =	ssyncadd.s32 $0xFFFF3000  }
0x40: {  	v0 =	vld [tilespmem:s0+$0x70]  }
0x41: {  	v1 =	vld [tilespmem:s0+$0xFFFFFF90]  }
0x42: {  	v2 =	vld [tilespmem:s0+$0xFFFFFFA0]  }
0x43: {  	v3 =	vld [tilespmem:s0+$0xFFFFFFB0]  }
0x44: {  	v4 =	vld [tilespmem:s0+$0xFFFFFFC0]  }
0x45: {  	v5 =	vld [tilespmem:s0+$0xFFFFFFD0]  }
0x46: {  	v8 =	vld [tilespmem:s0+$0xFFFFFFE0]  }
0x47: {  	v11 =	vld [tilespmem:s0+$0xFFFFFFF0]  }
0x48: {  	v13 =	vld [tilespmem:s0+$0x0]  }
0x49: {  	v16 =	vld [tilespmem:s0+$0x10]  }
0x4a: {  	v19 =	vld [tilespmem:s0+$0x20]  }
0x4b: {  	v22 =	vld [tilespmem:s0+$0x30];
	v6 =	vshra.s32 v0, $0x1  }
0x4c: {  	v27 =	vld [tilespmem:s0+$0x40];
	v7 =	vshra.s32 v1, $0x1;
	v9 =	vand.u32 $0xFFF, v0;
	v10 =	vshra.s32 v2, $0x1  }
0x4d: {  	v30 =	vld [tilespmem:s0+$0x50];
	v12 =	vshra.s32 v3, $0x1;
	v14 =	vand.u32 $0xFFF, v2;
	v15 =	vshra.s32 v4, $0x1  }
0x4e: {  	v33 =	vld [tilespmem:s0+$0x60];
	v17 =	vand.u32 $0xFFF, v3;
	v18 =	vshra.s32 v5, $0x1;
	v20 =	vand.u32 $0xFFF, v4  }
0x4f: {  	v34 =	vld [tilespmem:s0+$0xFFFFFF80];
	v21 =	vshra.s32 v8, $0x1;
	v23 =	vand.u32 $0xFFF, v5;
	v24 =	vshra.s32 v11, $0x1  }
0x50: {  	v25 =	vand.u32 $0xFFF, v8;
	v26 =	vshra.s32 v13, $0x1;
	v28 =	vand.u32 $0xFFF, v11  }
0x51: {  	v29 =	vshra.s32 v16, $0x1;
	v31 =	vand.u32 $0xFFF, v13;
	v32 =	vshra.s32 v19, $0x1  }
0x52: {  	v35 =	vand.u32 $0xFFF, v16;
	v36 =	vshra.s32 v22, $0x1;
	v37 =	vand.u32 $0xFFF, v19  }
0x53: {  	v0 =	vand.u32 $0x1000, v0;
	v38 =	vshra.s32 v27, $0x1;
	v39 =	vshra.s32 v30, $0x1  }
0x54: {  	v56 =	vshra.s32 v33, $0x1;
	v57 =	vshra.s32 v34, $0x1;
	v41 =	vand.u32 $0xFFF, v34  }
0x55: {  	v42 =	vand.u32 $0xFFF, v22;
	v43 =	vand.u32 $0xFFF, v27;
	v58 =	vand.u32 $0xFFF, v30  }
0x56: {  	v59 =	vand.u32 $0x1000, v5;
	v60 =	vand.u32 $0x1000, v8;
	v61 =	vand.u32 $0x1000, v11  }
0x57: {  	v62 =	vand.u32 $0x1000, v13;
	v63 =	vand.u32 $0x1000, v16;
	v19 =	vand.u32 $0x1000, v19  }
0x58: {  	v22 =	vand.u32 $0x1000, v22;
	v27 =	vand.u32 $0x1000, v27;
	v30 =	vand.u32 $0x1000, v30  }
0x59: {  	v6 =	vand.u32 $0xFFFFF000, v6;
	v7 =	vand.u32 $0xFFFFF000, v7;
	v10 =	vand.u32 $0xFFFFF000, v10  }
0x5a: {  	v12 =	vand.u32 $0xFFFFF000, v12;
	v15 =	vand.u32 $0xFFFFF000, v15;
	v18 =	vand.u32 $0xFFFFF000, v18  }
0x5b: {  	v21 =	vand.u32 $0xFFFFF000, v21;
	v24 =	vand.u32 $0xFFFFF000, v24;
	v26 =	vand.u32 $0xFFFFF000, v26  }
0x5c: {  	v29 =	vand.u32 $0xFFFFF000, v29;
	v32 =	vand.u32 $0xFFFFF000, v32;
	v6 =	vor.u32 v9, v6  }
0x5d: {  	v36 =	vand.u32 $0xFFFFF000, v36;
	vm0 =	veq.s32 v0, $0x0;
	v10 =	vor.u32 v14, v10  }
0x5e: {  	vm5 =	veq.s32 v59, $0x0;
	vm6 =	veq.s32 v60, $0x0;
	v14 =	vor.u32 v20, v15  }
0x5f: {  	vm7 =	veq.s32 v61, $0x0;
	vm8 =	veq.s32 v62, $0x0;
	v15 =	vor.u32 v23, v18  }
0x60: {  	vm9 =	veq.s32 v63, $0x0;
	v12 =	vor.u32 v17, v12;
	v17 =	vor.u32 v25, v21  }
0x61: {  	vm10 =	veq.s32 v19, $0x0;
	vm11 =	veq.s32 v22, $0x0;
	v18 =	vor.u32 v28, v24;
	v6 =	vld.idx.msk [tilespmem:v6+s2+$0x0], $0xffff  }
0x62: {  	vm13 =	veq.s32 v27, $0x0;
	vm12 =	veq.s32 v30, $0x0;
	v20 =	vor.u32 v31, v26;
	v5 =	vld.idx.msk [tilespmem:v10+s2+$0x0], $0xffff  }
0x63: {  	v9 =	vand.u32 $0xFFF, v1;
	v21 =	vor.u32 v35, v29;
	v23 =	vor.u32 v37, v32;
	v10 =	vld.idx.msk [tilespmem:v14+s2+$0x0], $0xffff  }
0x64: {  	v24 =	vor.u32 v42, v36;
	v1 =	vand.u32 $0x1000, v1;
	v29 =	vand.u32 $0x1000, v3;
	v11 =	vld.idx.msk [tilespmem:v15+s2+$0x0], $0xffff  }
0x65: {  	v31 =	vand.u32 $0x1000, v4;
	v7 =	vor.u32 v9, v7;
	v9 =	vand.u32 $0xFFF, v33;
	v13 =	vld.idx.msk [tilespmem:v17+s2+$0x0], $0xffff  }
0x66: {  	v33 =	vand.u32 $0x1000, v33;
	vm1 =	veq.s32 v1, $0x0;
	vm3 =	veq.s32 v29, $0x0;
	v15 =	vld.idx.msk [tilespmem:v18+s2+$0x0], $0xffff  }
0x67: {  	vm4 =	veq.s32 v31, $0x0;
	v17 =	vld.idx.msk [tilespmem:v20+s2+$0x0], $0xffff;
	v0 =	vand.u32 $0xFFFF0000, v6;
	v6 =	vshll.u32 v6, $0x10  }
0x68: {  	v20 =	vld.idx.msk [tilespmem:v21+s2+$0x0], $0xffff;
	v40 =	vsel vm0, v6, v0;
	v6 =	vand.u32 $0xFFFFF000, v39;
	v39 =	vand.u32 $0xFFFFF000, v57  }
0x69: {  	vm14 =	veq.s32 v33, $0x0;
	v21 =	vld.idx.msk [tilespmem:v23+s2+$0x0], $0xffff;
	v0 =	vand.u32 $0xFFFFF000, v38;
	v39 =	vor.u32 v41, v39  }
0x6a: {  	v23 =	vld.idx.msk [tilespmem:v24+s2+$0x0], $0xffff;
	v4 =	vand.u32 $0xFFFF0000, v5;
	v5 =	vshll.u32 v5, $0x10;
	v25 =	vor.u32 v43, v0  }
0x6b: {  	v3 =	vld.idx.msk [tilespmem:v7+s2+$0x0], $0xffff;
	v8 =	vand.u32 $0xFFFF0000, v10;
	v38 =	vand.u32 $0xFFFFF000, v56;
	v26 =	vor.u32 v58, v6  }
0x6c: {  	v7 =	vld.idx.msk [tilespmem:v12+s2+$0x0], $0xffff;
	v12 =	vand.u32 $0xFFFF0000, v13;
	v13 =	vshll.u32 v13, $0x10;
	v28 =	vor.u32 v9, v38  }
0x6d: {  	v14 =	vand.u32 $0xFFFF0000, v15;
	v15 =	vshll.u32 v15, $0x10;
	v16 =	vand.u32 $0xFFFF0000, v17  }
0x6e: {  	v17 =	vshll.u32 v17, $0x10;
	v18 =	vand.u32 $0xFFFF0000, v20;
	v20 =	vshll.u32 v20, $0x10;
	v6 =	vld.idx.msk [tilespmem:v39+s2+$0x0], $0xffff  }
0x6f: {  	v19 =	vand.u32 $0xFFFF0000, v21;
	v21 =	vshll.u32 v21, $0x10;
	v22 =	vand.u32 $0xFFFF0000, v23;
	v25 =	vld.idx.msk [tilespmem:v25+s2+$0x0], $0xffff  }
0x70: {  	v23 =	vshll.u32 v23, $0x10;
	v1 =	vand.u32 $0xFFFF0000, v3;
	v0 =	vand.u32 $0x1000, v34;
	v29 =	vld.idx.msk [tilespmem:v26+s2+$0x0], $0xffff  }
0x71: {  	v3 =	vshll.u32 v3, $0x10;
	v9 =	vand.u32 $0x1000, v2;
	vm0 =	veq.s32 v0, $0x0;
	v28 =	vld.idx.msk [tilespmem:v28+s2+$0x0], $0xffff  }
0x72: {  	vm2 =	veq.s32 v9, $0x0;
	v9 =	vshll.u32 v10, $0x10;
	v10 =	vand.u32 $0xFFFF0000, v11  }
0x73: {  	v11 =	vshll.u32 v11, $0x10;
	v0 =	vand.u32 $0xFFFF0000, v6;
	v2 =	vshll.u32 v6, $0x10  }
0x74: {  	s1 =	simm.s32 $0x1C080;
	v6 =	vand.u32 $0xFFFF0000, v7;
	v7 =	vshll.u32 v7, $0x10;
	v24 =	vand.u32 $0xFFFF0000, v25  }
0x75: {  	s30 =	simm.s32 $0x1A180;
	s0 =	simm.s32 $0x0;
	[tilespmem:s1+$0x70] =	vst v40;
	v26 =	vshll.u32 v25, $0x10;
	v25 =	vand.u32 $0xFFFF0000, v29;
	v27 =	vshll.u32 v29, $0x10  }
.LBB2_2:
0x76: {  	v29 =	vld [tilespmem:s30+$0x70];
	s0 =	sadd.s32 $0x100, s0;
	v2 =	vsel vm0, v2, v0;
	v30 =	vand.u32 $0xFFFF0000, v28;
	v28 =	vshll.u32 v28, $0x10  }
0x77: {  	v0 =	vld [tilespmem:s30+$0xFFFFFF90];
	p1 =	slt.u32 s0, $0xF00;
	[tilespmem:s1+$0xFFFFFF80] =	vst v2;
	v2 =	vsel vm1, v3, v1;
	v3 =	vsel vm2, v5, v4;
	v4 =	vsel vm3, v7, v6  }
0x78: {  	v5 =	vsel vm4, v9, v8;
	v6 =	vsel vm5, v11, v10;
	v7 =	vsel vm6, v13, v12;
	v1 =	vld [tilespmem:s30+$0xFFFFFFA0];
	[tilespmem:s1+$0xFFFFFF90] =	vst v2  }
0x79: {  	v8 =	vsel vm7, v15, v14;
	v9 =	vsel vm8, v17, v16;
	v10 =	vsel vm9, v20, v18;
	v2 =	vld [tilespmem:s30+$0xFFFFFFB0];
	[tilespmem:s1+$0xFFFFFFA0] =	vst v3  }
0x7a: {  	v11 =	vsel vm10, v21, v19;
	v12 =	vsel vm11, v23, v22;
	v13 =	vsel vm13, v26, v24;
	v3 =	vld [tilespmem:s30+$0xFFFFFFC0];
	[tilespmem:s1+$0xFFFFFFB0] =	vst v4  }
0x7b: {  	v15 =	vsel vm14, v28, v30;
	v4 =	vld [tilespmem:s30+$0xFFFFFFD0];
	v14 =	vshra.s32 v29, $0x1;
	[tilespmem:s1+$0xFFFFFFC0] =	vst v5;
	v5 =	vsel vm12, v27, v25  }
0x7c: {  	v18 =	vand.u32 $0xFFF, v29;
	v16 =	vshra.s32 v0, $0x1;
	v17 =	vld [tilespmem:s30+$0xFFFFFFE0];
	v14 =	vand.u32 $0xFFFFF000, v14;
	[tilespmem:s1+$0xFFFFFFD0] =	vst v6  }
0x7d: {  	v6 =	vand.u32 $0xFFFFF000, v16;
	v16 =	vshra.s32 v1, $0x1;
	v19 =	vld [tilespmem:s30+$0xFFFFFFF0];
	v14 =	vor.u32 v18, v14;
	[tilespmem:s1+$0xFFFFFFE0] =	vst v7  }
0x7e: {  	v7 =	vand.u32 $0xFFF, v0;
	v16 =	vand.u32 $0xFFFFF000, v16;
	v18 =	vshra.s32 v2, $0x1;
	v20 =	vld [tilespmem:s30+$0x0];
	[tilespmem:s1+$0xFFFFFFF0] =	vst v8  }
0x7f: {  	v8 =	vand.u32 $0xFFF, v1;
	v18 =	vand.u32 $0xFFFFF000, v18;
	v21 =	vshra.s32 v3, $0x1;
	v22 =	vld [tilespmem:s30+$0x10];
	[tilespmem:s1+$0x0] =	vst v9  }
0x80: {  	v9 =	vand.u32 $0xFFF, v2;
	v21 =	vand.u32 $0xFFFFF000, v21;
	v23 =	vshra.s32 v4, $0x1;
	v24 =	vld [tilespmem:s30+$0x20];
	[tilespmem:s1+$0x10] =	vst v10  }
0x81: {  	v10 =	vand.u32 $0xFFF, v3;
	v23 =	vand.u32 $0xFFFFF000, v23;
	v25 =	vshra.s32 v17, $0x1;
	v26 =	vld [tilespmem:s30+$0x30];
	[tilespmem:s1+$0x20] =	vst v11  }
0x82: {  	v11 =	vand.u32 $0xFFF, v4;
	v25 =	vand.u32 $0xFFFFF000, v25;
	v27 =	vshra.s32 v19, $0x1;
	v14 =	vld.idx.msk [tilespmem:v14+s2+$0x0], $0xffff;
	[tilespmem:s1+$0x30] =	vst v12  }
0x83: {  	v12 =	vand.u32 $0xFFF, v17;
	v27 =	vand.u32 $0xFFFFF000, v27;
	v28 =	vshra.s32 v20, $0x1;
	v30 =	vld [tilespmem:s30+$0x40];
	[tilespmem:s1+$0x40] =	vst v13  }
0x84: {  	v13 =	vand.u32 $0xFFF, v19;
	v28 =	vand.u32 $0xFFFFF000, v28;
	v31 =	vshra.s32 v22, $0x1;
	v32 =	vld [tilespmem:s30+$0x50];
	[tilespmem:s1+$0x50] =	vst v5  }
0x85: {  	v5 =	vand.u32 $0xFFF, v20;
	v31 =	vand.u32 $0xFFFFF000, v31;
	v33 =	vshra.s32 v24, $0x1;
	v34 =	vld [tilespmem:s30+$0x60];
	[tilespmem:s1+$0x60] =	vst v15  }
0x86: {  	v35 =	vand.u32 $0xFFF, v22;
	v15 =	vld [tilespmem:s30+$0xFFFFFF80];
	v33 =	vand.u32 $0xFFFFF000, v33;
	v36 =	vshra.s32 v26, $0x1  }
0x87: {  	v29 =	vand.u32 $0x1000, v29;
	v37 =	vand.u32 $0xFFF, v24;
	v36 =	vand.u32 $0xFFFFF000, v36  }
0x88: {  	vm0 =	veq.s32 v29, $0x0;
	v29 =	vand.u32 $0xFFFF0000, v14;
	v14 =	vshll.u32 v14, $0x10  }
0x89: {  	s1 =	sadd.s32 $0x100, s1;
	v38 =	vshra.s32 v30, $0x1;
	v14 =	vsel vm0, v14, v29;
	v39 =	vshra.s32 v32, $0x1  }
0x8a: {  	v29 =	vand.u32 $0xFFFFF000, v38;
	v38 =	vand.u32 $0xFFFFF000, v39;
	v39 =	vshra.s32 v34, $0x1;
	[tilespmem:s1+$0x70] =	vst v14  }
0x8b: {  	v14 =	vshra.s32 v15, $0x1;
	v40 =	vand.u32 $0xFFF, v15;
	v39 =	vand.u32 $0xFFFFF000, v39  }
0x8c: {  	v41 =	vand.u32 $0xFFF, v26;
	v42 =	vand.u32 $0xFFF, v30;
	v14 =	vand.u32 $0xFFFFF000, v14  }
0x8d: {  	v43 =	vand.u32 $0xFFF, v34;
	v14 =	vor.u32 v40, v14;
	v40 =	vand.u32 $0xFFF, v32  }
0x8e: {  	v6 =	vor.u32 v7, v6;
	v7 =	vor.u32 v8, v16;
	v8 =	vor.u32 v9, v18  }
0x8f: {  	v9 =	vor.u32 v10, v21;
	v10 =	vor.u32 v11, v23;
	v11 =	vor.u32 v12, v25  }
0x90: {  	v12 =	vor.u32 v13, v27;
	v13 =	vor.u32 v5, v28;
	v16 =	vor.u32 v35, v31  }
0x91: {  	v18 =	vor.u32 v37, v33;
	v21 =	vor.u32 v41, v36;
	v23 =	vor.u32 v42, v29  }
0x92: {  	v5 =	vand.u32 $0x1000, v15;
	v27 =	vor.u32 v43, v39;
	v25 =	vor.u32 v40, v38;
	v14 =	vld.idx.msk [tilespmem:v14+s2+$0x0], $0xffff  }
0x93: {  	v28 =	vand.u32 $0x1000, v1;
	v29 =	vand.u32 $0x1000, v2;
	v15 =	vand.u32 $0x1000, v0;
	v6 =	vld.idx.msk [tilespmem:v6+s2+$0x0], $0xffff  }
0x94: {  	v17 =	vand.u32 $0x1000, v17;
	v31 =	vand.u32 $0x1000, v3;
	v33 =	vand.u32 $0x1000, v4;
	v7 =	vld.idx.msk [tilespmem:v7+s2+$0x0], $0xffff  }
0x95: {  	v19 =	vand.u32 $0x1000, v19;
	v20 =	vand.u32 $0x1000, v20;
	v22 =	vand.u32 $0x1000, v22;
	v8 =	vld.idx.msk [tilespmem:v8+s2+$0x0], $0xffff  }
0x96: {  	v24 =	vand.u32 $0x1000, v24;
	v26 =	vand.u32 $0x1000, v26;
	v30 =	vand.u32 $0x1000, v30;
	v9 =	vld.idx.msk [tilespmem:v9+s2+$0x0], $0xffff  }
0x97: {  	v34 =	vand.u32 $0x1000, v34;
	vm0 =	veq.s32 v5, $0x0;
	v32 =	vand.u32 $0x1000, v32;
	v35 =	vld.idx.msk [tilespmem:v10+s2+$0x0], $0xffff  }
0x98: {  	vm1 =	veq.s32 v15, $0x0;
	v0 =	vand.u32 $0xFFFF0000, v14;
	v2 =	vshll.u32 v14, $0x10;
	v14 =	vld.idx.msk [tilespmem:v11+s2+$0x0], $0xffff  }
0x99: {  	vm2 =	veq.s32 v28, $0x0;
	v1 =	vand.u32 $0xFFFF0000, v6;
	v3 =	vshll.u32 v6, $0x10;
	v15 =	vld.idx.msk [tilespmem:v12+s2+$0x0], $0xffff  }
0x9a: {  	vm3 =	veq.s32 v29, $0x0;
	v4 =	vand.u32 $0xFFFF0000, v7;
	v5 =	vshll.u32 v7, $0x10;
	v28 =	vld.idx.msk [tilespmem:v13+s2+$0x0], $0xffff  }
0x9b: {  	vm4 =	veq.s32 v31, $0x0;
	v6 =	vand.u32 $0xFFFF0000, v8;
	v7 =	vshll.u32 v8, $0x10;
	v29 =	vld.idx.msk [tilespmem:v16+s2+$0x0], $0xffff  }
0x9c: {  	vm5 =	veq.s32 v33, $0x0;
	v8 =	vand.u32 $0xFFFF0000, v9;
	v9 =	vshll.u32 v9, $0x10;
	v31 =	vld.idx.msk [tilespmem:v18+s2+$0x0], $0xffff  }
0x9d: {  	vm6 =	veq.s32 v17, $0x0;
	v10 =	vand.u32 $0xFFFF0000, v35;
	v11 =	vshll.u32 v35, $0x10;
	v33 =	vld.idx.msk [tilespmem:v21+s2+$0x0], $0xffff  }
0x9e: {  	vm7 =	veq.s32 v19, $0x0;
	v12 =	vand.u32 $0xFFFF0000, v14;
	v13 =	vshll.u32 v14, $0x10;
	v35 =	vld.idx.msk [tilespmem:v23+s2+$0x0], $0xffff  }
0x9f: {  	vm8 =	veq.s32 v20, $0x0;
	v14 =	vand.u32 $0xFFFF0000, v15;
	v15 =	vshll.u32 v15, $0x10;
	v36 =	vld.idx.msk [tilespmem:v25+s2+$0x0], $0xffff  }
0xa0: {  	vm9 =	veq.s32 v22, $0x0;
	v16 =	vand.u32 $0xFFFF0000, v28;
	v17 =	vshll.u32 v28, $0x10;
	v28 =	vld.idx.msk [tilespmem:v27+s2+$0x0], $0xffff  }
.Ltmp2:
0xa1: {  	vm10 =	veq.s32 v24, $0x0;
	v18 =	vand.u32 $0xFFFF0000, v29;
	v20 =	vshll.u32 v29, $0x10;
	(pc) =	sbr.rel @p1 .LBB2_2-.Ltmp2, $4  }
0xa2: {  	vm11 =	veq.s32 v26, $0x0;
	v19 =	vand.u32 $0xFFFF0000, v31;
	v21 =	vshll.u32 v31, $0x10  }
0xa3: {  	vm13 =	veq.s32 v30, $0x0;
	v22 =	vand.u32 $0xFFFF0000, v33;
	v23 =	vshll.u32 v33, $0x10  }
0xa4: {  	vm12 =	veq.s32 v32, $0x0;
	v24 =	vand.u32 $0xFFFF0000, v35;
	v26 =	vshll.u32 v35, $0x10  }
0xa5: {  	s30 =	sadd.s32 $0x100, s30;
	vm14 =	veq.s32 v34, $0x0;
	v25 =	vand.u32 $0xFFFF0000, v36;
	v27 =	vshll.u32 v36, $0x10  }
0xa6: {  	v0 =	vsel vm0, v2, v0  }
0xa7: {  	[tilespmem:s1+$0xFFFFFF80] =	vst v0;
	v0 =	vsel vm1, v3, v1  }
0xa8: {  	v1 =	vsel vm2, v5, v4;
	[tilespmem:s1+$0xFFFFFF90] =	vst v0  }
0xa9: {  	v3 =	vsel vm12, v27, v25;
	[tilespmem:s1+$0xFFFFFFA0] =	vst v1  }
0xaa: {  	v0 =	vsel vm3, v7, v6;
	[tilespmem:s1+$0x50] =	vst v3  }
0xab: {  	v1 =	vsel vm4, v9, v8;
	[tilespmem:s1+$0xFFFFFFB0] =	vst v0  }
0xac: {  	v0 =	vsel vm5, v11, v10;
	[tilespmem:s1+$0xFFFFFFC0] =	vst v1  }
0xad: {  	v1 =	vsel vm6, v13, v12;
	[tilespmem:s1+$0xFFFFFFD0] =	vst v0  }
0xae: {  	v0 =	vsel vm7, v15, v14;
	[tilespmem:s1+$0xFFFFFFE0] =	vst v1  }
0xaf: {  	v1 =	vsel vm8, v17, v16;
	[tilespmem:s1+$0xFFFFFFF0] =	vst v0  }
0xb0: {  	v0 =	vsel vm9, v20, v18;
	[tilespmem:s1+$0x0] =	vst v1  }
0xb1: {  	v1 =	vsel vm10, v21, v19;
	[tilespmem:s1+$0x10] =	vst v0  }
0xb2: {  	v0 =	vsel vm11, v23, v22;
	[tilespmem:s1+$0x20] =	vst v1  }
0xb3: {  	v2 =	vshll.u32 v28, $0x10;
	v1 =	vsel vm13, v26, v24;
	[tilespmem:s1+$0x30] =	vst v0;
	v0 =	vand.u32 $0xFFFF0000, v28  }
0xb4: {  	[tilespmem:s1+$0x40] =	vst v1;
	v0 =	vsel vm14, v2, v0  }
0xb5: {  	[tilespmem:s1+$0x60] =	vst v0  }
0xb6: {  	[tilespmem:s21], [sflag:$0x1] =	stream.strided.gather [hbm4b:s7+s19], $0x1000, s20, s19, $0x38;
	[tilespmem:$0x1D000] =	vst v63  }
0xb7: {  	_ = 	snop  }
0xb8: {  	[tilespmem:s2], [sflag:$0x1] =	stream.strided.gather [hbm4b:s8+s19], $0xD000, s20, s19, $0x38;
	[tilespmem:$0x1D000] =	vst v63  }
0xb9: {  	_ =	swait.ge [sflag:s25], $0x1000  }
0xba: {  	[sflag:s25] =	ssyncset.done $0x0  }
0xbb: {  	[sflag:s25] =	ssyncadd.s32 $0xFFFFF000  }
0xbc: {  	_ =	swait.ge [sflag:s25], $0xD000  }
0xbd: {  	[sflag:s25] =	ssyncset.done $0x0  }
0xbe: {  	s0 =	simm.s32 $0x1B080;
	[sflag:s25] =	ssyncadd.s32 $0xFFFF3000  }
0xbf: {  	v0 =	vld [tilespmem:s0+$0xFFFFFF90]  }
0xc0: {  	v1 =	vld [tilespmem:s0+$0x0]  }
0xc1: {  	v2 =	vld [tilespmem:s0+$0xFFFFFFA0]  }
0xc2: {  	v3 =	vld [tilespmem:s0+$0x50]  }
0xc3: {  	v5 =	vld [tilespmem:s0+$0xFFFFFF80]  }
0xc4: {  	v6 =	vld [tilespmem:s0+$0x20]  }
0xc5: {  	v4 =	vld [tilespmem:s0+$0x10]  }
0xc6: {  	v10 =	vld [tilespmem:s0+$0x70]  }
0xc7: {  	v12 =	vld [tilespmem:s0+$0xFFFFFFF0]  }
0xc8: {  	v17 =	vld [tilespmem:s0+$0x40];
	v8 =	vand.u32 $0x1000, v0;
	v9 =	vshra.s32 v0, $0x1;
	v7 =	vshra.s32 v2, $0x1  }
0xc9: {  	v11 =	vand.u32 $0xFFF, v2;
	v13 =	vand.u32 $0xFFF, v0;
	v2 =	vand.u32 $0x1000, v2  }
0xca: {  	v15 =	vshra.s32 v3, $0x1;
	v16 =	vand.u32 $0xFFF, v3;
	v18 =	vshra.s32 v5, $0x1  }
0xcb: {  	v36 =	vld [tilespmem:s0+$0xFFFFFFC0];
	v0 =	vshra.s32 v1, $0x1;
	v19 =	vshra.s32 v6, $0x1;
	v20 =	vand.u32 $0x1000, v5  }
0xcc: {  	v56 =	vand.u32 $0xFFF, v1;
	v57 =	vand.u32 $0xFFF, v4;
	v59 =	vshra.s32 v10, $0x1  }
0xcd: {  	v1 =	vand.u32 $0x1000, v1;
	v62 =	vshra.s32 v12, $0x1;
	v29 =	vand.u32 $0xFFF, v17  }
0xce: {  	v3 =	vand.u32 $0x1000, v3;
	v31 =	vand.u32 $0xFFF, v12;
	v32 =	vshra.s32 v17, $0x1  }
0xcf: {  	v58 =	vld [tilespmem:s0+$0xFFFFFFB0];
	v17 =	vand.u32 $0x1000, v17;
	v33 =	vshra.s32 v4, $0x1;
	v12 =	vand.u32 $0x1000, v12  }
0xd0: {  	v5 =	vand.u32 $0xFFF, v5;
	v37 =	vand.u32 $0xFFF, v6;
	v43 =	vand.u32 $0xFFF, v36  }
0xd1: {  	s30 =	simm.s32 $0x1C080;
	v4 =	vand.u32 $0x1000, v4;
	v14 =	vand.u32 $0xFFFFF000, v7;
	v9 =	vand.u32 $0xFFFFF000, v9  }
0xd2: {  	v38 =	vld [tilespmem:s30+$0x0];
	v55 =	vand.u32 $0xFFFFF000, v0;
	v15 =	vand.u32 $0xFFFFF000, v15;
	v22 =	vand.u32 $0xFFFFF000, v59  }
0xd3: {  	v42 =	vld [tilespmem:s30+$0x50];
	v32 =	vand.u32 $0xFFFFF000, v32;
	v19 =	vand.u32 $0xFFFFF000, v19;
	v18 =	vand.u32 $0xFFFFF000, v18  }
0xd4: {  	v7 =	vld [tilespmem:s0+$0xFFFFFFD0];
	vm0 =	veq.s32 v8, $0x0;
	v8 =	vshra.s32 v58, $0x1;
	v9 =	vor.u32 v13, v9  }
0xd5: {  	v0 =	vld [tilespmem:s0+$0x30];
	vm2 =	veq.s32 v2, $0x0;
	v2 =	vand.u32 $0xFFF, v58;
	v21 =	vor.u32 v56, v55  }
0xd6: {  	vm1 =	veq.s32 v3, $0x0;
	v41 =	vand.u32 $0xFFFFF000, v33;
	v13 =	vld [tilespmem:s0+$0xFFFFFFE0];
	v15 =	vor.u32 v16, v15  }
0xd7: {  	v46 =	vand.u32 $0xFFFFF000, v62;
	vm5 =	veq.s32 v20, $0x0;
	v16 =	vld [tilespmem:s0+$0x60];
	v11 =	vor.u32 v11, v14  }
0xd8: {  	v49 =	vld [tilespmem:s30+$0xFFFFFF80];
	v14 =	vand.u32 $0x1000, v58;
	v8 =	vand.u32 $0xFFFFF000, v8;
	v19 =	vor.u32 v37, v19  }
0xd9: {  	v5 =	vor.u32 v5, v18;
	v25 =	vor.u32 v31, v46;
	v8 =	vor.u32 v2, v8;
	v9 =	vld.idx.msk [tilespmem:v9+s23+$0x0], $0xffff  }
0xda: {  	vm3 =	veq.s32 v14, $0x0;
	v60 =	vand.u32 $0xFFF, v7;
	v61 =	vshra.s32 v7, $0x1;
	v21 =	vld.idx.msk [tilespmem:v21+s23+$0x0], $0xffff  }
0xdb: {  	v63 =	vshra.s32 v0, $0x1;
	v47 =	vand.u32 $0xFFF, v0;
	v30 =	vand.u32 $0x1000, v13;
	v15 =	vld.idx.msk [tilespmem:v15+s23+$0x0], $0xffff  }
0xdc: {  	v34 =	vshra.s32 v16, $0x1;
	v35 =	vand.u32 $0xFFF, v16;
	v39 =	vshra.s32 v13, $0x1;
	v11 =	vld.idx.msk [tilespmem:v11+s23+$0x0], $0xffff  }
0xdd: {  	v13 =	vand.u32 $0xFFF, v13;
	v19 =	vld.idx.msk [tilespmem:v19+s23+$0x0], $0xffff;
	v16 =	vand.u32 $0x1000, v16;
	v20 =	vand.u32 $0xFFFFF000, v39  }
0xde: {  	v50 =	vld [tilespmem:s30+$0x20];
	v59 =	vand.u32 $0xFFFFF000, v63;
	v13 =	vor.u32 v13, v20;
	v20 =	vor.u32 v29, v32  }
0xdf: {  	v8 =	vld.idx.msk [tilespmem:v8+s23+$0x0], $0xffff;
	v18 =	vand.u32 $0xFFFF0000, v9;
	v9 =	vshll.u32 v9, $0x10;
	v40 =	vand.u32 $0xFFFF0000, v21  }
0xe0: {  	v3 =	vshll.u32 v21, $0x10;
	v45 =	vand.u32 $0xFFFF0000, v15;
	v9 =	vsel vm0, v9, v18;
	v18 =	vld [tilespmem:s30+$0xFFFFFF90]  }
0xe1: {  	v53 =	vld [tilespmem:s30+$0xFFFFFFD0];
	v15 =	vshll.u32 v15, $0x10;
	v48 =	vand.u32 $0xFFFF0000, v11;
	v11 =	vshll.u32 v11, $0x10  }
0xe2: {  	v54 =	vld [tilespmem:s30+$0xFFFFFFB0];
	v21 =	vor.u32 v57, v41;
	v55 =	vand.u32 $0xFFFF0000, v19;
	v19 =	vshll.u32 v19, $0x10  }
0xe3: {  	vm0 =	veq.s32 v1, $0x0;
	v14 =	vsel vm1, v15, v45;
	v15 =	vld.idx.msk [tilespmem:v5+s23+$0x0], $0xffff;
	v5 =	vand.u32 $0xFFFFF000, v61  }
0xe4: {  	v63 =	vld [tilespmem:s30+$0x10];
	v52 =	vand.u32 $0xFFFF0000, v8;
	v2 =	vsel vm0, v3, v40;
	vm0 =	veq.s32 v17, $0x0  }
0xe5: {  	v1 =	vld [tilespmem:s30+$0xFFFFFFC0];
	v17 =	vand.u32 $0xFFFFF000, v34;
	v9 =	vadd.f32 v9, v18;
	v18 =	vor.u32 v60, v5  }
0xe6: {  	v8 =	vshll.u32 v8, $0x10;
	v3 =	vld [tilespmem:s30+$0x40];
	v14 =	vadd.f32 v14, v42;
	v17 =	vor.u32 v35, v17  }
0xe7: {  	v56 =	vsel vm3, v8, v52;
	v8 =	vshra.s32 v36, $0x1;
	v57 =	vld.idx.msk [tilespmem:v13+s23+$0x0], $0xffff;
	v13 =	vand.u32 $0x1000, v7  }
0xe8: {  	v7 =	vld.idx.msk [tilespmem:v20+s23+$0x0], $0xffff;
	v44 =	vadd.f32 v2, v38;
	v8 =	vand.u32 $0xFFFFF000, v8;
	vm3 =	veq.s32 v13, $0x0  }
0xe9: {  	v21 =	vld.idx.msk [tilespmem:v21+s23+$0x0], $0xffff;
	v5 =	vand.u32 $0x1000, v6;
	v6 =	vand.u32 $0x1000, v10;
	v10 =	vand.u32 $0xFFF, v10  }
0xea: {  	v20 =	vor.u32 v43, v8;
	v51 =	vand.u32 $0xFFFF0000, v15;
	v10 =	vor.u32 v10, v22;
	v18 =	vld.idx.msk [tilespmem:v18+s23+$0x0], $0xffff  }
0xeb: {  	v15 =	vshll.u32 v15, $0x10;
	vm4 =	veq.s32 v5, $0x0;
	vm1 =	veq.s32 v6, $0x0;
	v17 =	vld.idx.msk [tilespmem:v17+s23+$0x0], $0xffff  }
0xec: {  	v2 =	vld [tilespmem:s30+$0x30];
	v6 =	vand.u32 $0x1000, v36;
	v15 =	vsel vm5, v15, v51;
	v22 =	vor.u32 v47, v59  }
0xed: {  	v60 =	vld [tilespmem:s30+$0xFFFFFFE0];
	vm5 =	veq.s32 v16, $0x0;
	v15 =	vadd.f32 v15, v49;
	v19 =	vsel vm4, v19, v55  }
0xee: {  	v5 =	vld [tilespmem:s30+$0xFFFFFFA0];
	vm4 =	veq.s32 v30, $0x0;
	[tilespmem:s30+$0xFFFFFF90] =	vst v9;
	v9 =	vshll.u32 v57, $0x10;
	v19 =	vadd.f32 v19, v50  }
0xef: {  	v61 =	vand.u32 $0xFFFF0000, v21;
	v8 =	vld.idx.msk [tilespmem:v10+s23+$0x0], $0xffff;
	v58 =	vshll.u32 v18, $0x10;
	v13 =	vand.u32 $0xFFFF0000, v18  }
0xf0: {  	[tilespmem:s30+$0x50] =	vst v14;
	v10 =	vadd.f32 v56, v54;
	v16 =	vand.u32 $0xFFFF0000, v17;
	v18 =	vld.idx.msk [tilespmem:v25+s23+$0x0], $0xffff;
	v13 =	vsel vm3, v58, v13  }
0xf1: {  	[tilespmem:s30+$0x0] =	vst v44;
	v17 =	vshll.u32 v17, $0x10;
	vm3 =	veq.s32 v12, $0x0;
	v62 =	vadd.f32 v13, v53;
	v13 =	vld [tilespmem:s30+$0x60]  }
0xf2: {  	[tilespmem:s30+$0xFFFFFF80] =	vst v15;
	v15 =	vld [tilespmem:s30+$0x70];
	v12 =	vsel vm2, v11, v48;
	vm2 =	veq.s32 v4, $0x0;
	v4 =	vand.u32 $0xFFFF0000, v57  }
0xf3: {  	v21 =	vshll.u32 v21, $0x10;
	[tilespmem:s30+$0x20] =	vst v19;
	v19 =	vsel vm5, v17, v16;
	v11 =	vld.idx.msk [tilespmem:v20+s23+$0x0], $0xffff;
	v4 =	vsel vm4, v9, v4  }
0xf4: {  	[tilespmem:s30+$0xFFFFFFB0] =	vst v10;
	v16 =	vld [tilespmem:s30+$0xFFFFFFF0];
	v10 =	vand.u32 $0xFFFF0000, v7;
	v20 =	vsel vm2, v21, v61;
	v4 =	vadd.f32 v4, v60  }
0xf5: {  	s31 =	simm.s32 $0x1C080;
	s1 =	simm.s32 $0x0;
	s0 =	simm.s32 $0x1B180;
	v9 =	vld.idx.msk [tilespmem:v22+s23+$0x0], $0xffff;
	[tilespmem:s30+$0xFFFFFFD0] =	vst v62;
	v14 =	vand.u32 $0xFFFF0000, v18;
	v17 =	vshll.u32 v18, $0x10;
	v18 =	vadd.f32 v20, v63  }
.LBB2_4:
0xf6: {  	v20 =	vld [tilespmem:s0+$0xFFFFFF90];
	s1 =	sadd.s32 $0x100, s1;
	v13 =	vadd.f32 v19, v13;
	v19 =	vand.u32 $0xFFFF0000, v8;
	v8 =	vshll.u32 v8, $0x10;
	s30 =	sadd.s32 $0x100, s30  }
0xf7: {  	v12 =	vadd.f32 v12, v5;
	vm2 =	veq.s32 v6, $0x0;
	v21 =	vld [tilespmem:s0+$0x0];
	p1 =	slt.u32 s1, $0xF00;
	v5 =	vsel vm1, v8, v19  }
0xf8: {  	v8 =	vand.u32 $0xFFFF0000, v11;
	v11 =	vshll.u32 v11, $0x10;
	v6 =	vld [tilespmem:s0+$0x50];
	[tilespmem:s31+$0x10] =	vst v18;
	v5 =	vadd.f32 v5, v15  }
0xf9: {  	v0 =	vand.u32 $0x1000, v0;
	v8 =	vsel vm2, v11, v8;
	v11 =	vsel vm3, v17, v14;
	v15 =	vld [tilespmem:s0+$0xFFFFFFA0];
	[tilespmem:s31+$0x60] =	vst v13  }
0xfa: {  	vm1 =	veq.s32 v0, $0x0;
	v0 =	vand.u32 $0xFFFF0000, v9;
	v13 =	vld [tilespmem:s0+$0xFFFFFF80];
	v11 =	vadd.f32 v11, v16;
	[tilespmem:s31+$0x70] =	vst v5  }
0xfb: {  	v1 =	vadd.f32 v8, v1;
	v14 =	vand.u32 $0x1000, v20;
	v16 =	vshra.s32 v20, $0x1;
	v5 =	vld [tilespmem:s0+$0x20];
	[tilespmem:s31+$0xFFFFFFE0] =	vst v4  }
0xfc: {  	v7 =	vshll.u32 v7, $0x10;
	v8 =	vshll.u32 v9, $0x10;
	v4 =	vld [tilespmem:s0+$0x10];
	[tilespmem:s31+$0xFFFFFFF0] =	vst v11  }
0xfd: {  	v0 =	vsel vm1, v8, v0;
	v9 =	vld [tilespmem:s0+$0x70];
	[tilespmem:s31+$0xFFFFFFC0] =	vst v1;
	v1 =	vsel vm0, v7, v10  }
0xfe: {  	v7 =	vshra.s32 v15, $0x1;
	v11 =	vand.u32 $0xFFF, v15;
	v17 =	vld [tilespmem:s0+$0xFFFFFFF0];
	[tilespmem:s31+$0xFFFFFFA0] =	vst v12;
	v1 =	vadd.f32 v1, v3  }
0xff: {  	v3 =	vand.u32 $0xFFF, v20;
	v15 =	vand.u32 $0x1000, v15;
	v18 =	vand.u32 $0xFFFFF000, v7;
	v7 =	vld [tilespmem:s0+$0xFFFFFFD0]  }
0x100: {  	v2 =	vadd.f32 v0, v2;
	v10 =	vshra.s32 v6, $0x1;
	v12 =	vand.u32 $0xFFF, v6;
	v19 =	vld [tilespmem:s0+$0x40];
	[tilespmem:s31+$0x40] =	vst v1  }
0x101: {  	v0 =	vshra.s32 v21, $0x1;
	v20 =	vshra.s32 v13, $0x1;
	v22 =	vshra.s32 v5, $0x1;
	v8 =	vld [tilespmem:s0+$0xFFFFFFC0]  }
0x102: {  	v23 =	vand.u32 $0x1000, v13;
	v1 =	vand.u32 $0xFFFFF000, v16;
	v16 =	vand.u32 $0xFFFFF000, v0;
	v0 =	vld [tilespmem:s0+$0x30];
	[tilespmem:s31+$0x30] =	vst v2;
	s31 =	smov.u32 s30  }
0x103: {  	v24 =	vand.u32 $0xFFF, v4;
	v2 =	vor.u32 v3, v1;
	v1 =	vand.u32 $0xFFF, v21;
	v3 =	vld [tilespmem:s0+$0xFFFFFFE0]  }
0x104: {  	v16 =	vor.u32 v1, v16;
	v1 =	vand.u32 $0xFFFFF000, v10;
	v10 =	vshra.s32 v9, $0x1;
	v25 =	vld [tilespmem:s0+$0xFFFFFFB0]  }
0x105: {  	v21 =	vand.u32 $0x1000, v21;
	v26 =	vand.u32 $0xFFF, v7;
	v27 =	vor.u32 v12, v1;
	v12 =	vld [tilespmem:s0+$0x60]  }
0x106: {  	v29 =	vshra.s32 v17, $0x1;
	v28 =	vshra.s32 v7, $0x1;
	v30 =	vand.u32 $0xFFFFF000, v10;
	v1 =	vld [tilespmem:s30+$0xFFFFFFC0]  }
0x107: {  	v6 =	vand.u32 $0x1000, v6;
	v31 =	vand.u32 $0xFFF, v19;
	v10 =	vshra.s32 v0, $0x1  }
0x108: {  	v33 =	vand.u32 $0xFFF, v17;
	v34 =	vshra.s32 v19, $0x1;
	v2 =	vld.idx.msk [tilespmem:v2+s23+$0x0], $0xffff;
	v32 =	vand.u32 $0x1000, v3  }
0x109: {  	v18 =	vor.u32 v11, v18;
	v19 =	vand.u32 $0x1000, v19;
	v35 =	vand.u32 $0x1000, v25;
	v16 =	vld.idx.msk [tilespmem:v16+s23+$0x0], $0xffff  }
0x10a: {  	v36 =	vshra.s32 v4, $0x1;
	v34 =	vand.u32 $0xFFFFF000, v34;
	v37 =	vshra.s32 v12, $0x1  }
0x10b: {  	v11 =	vand.u32 $0x1000, v17;
	v17 =	vand.u32 $0xFFFFF000, v22;
	v22 =	vand.u32 $0xFFF, v12  }
0x10c: {  	v13 =	vand.u32 $0xFFF, v13;
	v20 =	vand.u32 $0xFFFFF000, v20;
	v39 =	vand.u32 $0xFFF, v5;
	v38 =	vld [tilespmem:s30+$0x0]  }
0x10d: {  	vm0 =	veq.s32 v14, $0x0;
	v13 =	vor.u32 v13, v20;
	v14 =	vshra.s32 v25, $0x1;
	v20 =	vld.idx.msk [tilespmem:v27+s23+$0x0], $0xffff  }
0x10e: {  	v40 =	vshra.s32 v3, $0x1;
	v27 =	vand.u32 $0xFFFF0000, v2;
	v2 =	vshll.u32 v2, $0x10;
	v18 =	vld.idx.msk [tilespmem:v18+s23+$0x0], $0xffff  }
0x10f: {  	vm2 =	veq.s32 v15, $0x0;
	v15 =	vand.u32 $0xFFF, v25;
	v2 =	vsel vm0, v2, v27;
	v27 =	vld [tilespmem:s30+$0xFFFFFF90]  }
0x110: {  	vm1 =	veq.s32 v6, $0x0;
	v14 =	vand.u32 $0xFFFFF000, v14;
	v25 =	vand.u32 $0xFFFF0000, v16  }
0x111: {  	vm0 =	veq.s32 v21, $0x0;
	v6 =	vshll.u32 v16, $0x10;
	v16 =	vand.u32 $0xFFFFF000, v36;
	v21 =	vld [tilespmem:s30+$0x50]  }
0x112: {  	v14 =	vor.u32 v15, v14;
	v15 =	vor.u32 v39, v17;
	v6 =	vsel vm0, v6, v25  }
0x113: {  	v17 =	vand.u32 $0xFFF, v8;
	v6 =	vadd.f32 v6, v38;
	v25 =	vand.u32 $0xFFFF0000, v20  }
0x114: {  	v36 =	vand.u32 $0xFFF, v3;
	v20 =	vshll.u32 v20, $0x10;
	v27 =	vadd.f32 v2, v27;
	v2 =	vld [tilespmem:s30+$0x30]  }
0x115: {  	vm3 =	veq.s32 v35, $0x0;
	vm0 =	veq.s32 v19, $0x0;
	[tilespmem:s30+$0x0] =	vst v6;
	v3 =	vld [tilespmem:s30+$0x40];
	v6 =	vsel vm1, v20, v25  }
0x116: {  	v19 =	vand.u32 $0xFFFFF000, v28;
	v20 =	vand.u32 $0xFFFFF000, v37;
	v13 =	vld.idx.msk [tilespmem:v13+s23+$0x0], $0xffff;
	[tilespmem:s30+$0xFFFFFF90] =	vst v27;
	v6 =	vadd.f32 v6, v21  }
0x117: {  	v5 =	vand.u32 $0x1000, v5;
	v19 =	vor.u32 v26, v19;
	v21 =	vand.u32 $0xFFFFF000, v29;
	v14 =	vld.idx.msk [tilespmem:v14+s23+$0x0], $0xffff  }
0x118: {  	vm4 =	veq.s32 v5, $0x0;
	v25 =	vand.u32 $0xFFF, v0;
	v15 =	vld.idx.msk [tilespmem:v15+s23+$0x0], $0xffff;
	[tilespmem:s30+$0x50] =	vst v6;
	v6 =	vand.u32 $0x1000, v9  }
0x119: {  	v26 =	vand.u32 $0xFFFF0000, v18;
	v20 =	vor.u32 v22, v20;
	v5 =	vld [tilespmem:s30+$0xFFFFFFA0];
	vm1 =	veq.s32 v6, $0x0  }
0x11a: {  	v16 =	vor.u32 v24, v16;
	v18 =	vshll.u32 v18, $0x10;
	v6 =	vand.u32 $0x1000, v8;
	v22 =	vld [tilespmem:s30+$0xFFFFFF80]  }
0x11b: {  	vm5 =	veq.s32 v23, $0x0;
	v23 =	vand.u32 $0xFFFFF000, v40;
	v9 =	vand.u32 $0xFFF, v9;
	v24 =	vld [tilespmem:s30+$0x20]  }
0x11c: {  	v23 =	vor.u32 v36, v23;
	v27 =	vor.u32 v31, v34;
	v9 =	vor.u32 v9, v30;
	v19 =	vld.idx.msk [tilespmem:v19+s23+$0x0], $0xffff  }
0x11d: {  	v28 =	vand.u32 $0xFFFF0000, v13;
	v13 =	vshll.u32 v13, $0x10;
	v29 =	vand.u32 $0xFFFF0000, v14;
	v30 =	vld [tilespmem:s30+$0xFFFFFFD0]  }
0x11e: {  	v13 =	vsel vm5, v13, v28;
	v31 =	vand.u32 $0xFFFF0000, v15;
	v15 =	vshll.u32 v15, $0x10;
	v28 =	vld [tilespmem:s30+$0xFFFFFFB0]  }
0x11f: {  	v21 =	vor.u32 v33, v21;
	v15 =	vsel vm4, v15, v31;
	v13 =	vadd.f32 v13, v22;
	v16 =	vld.idx.msk [tilespmem:v16+s23+$0x0], $0xffff  }
0x120: {  	v14 =	vshll.u32 v14, $0x10;
	v22 =	vand.u32 $0x1000, v12;
	v15 =	vadd.f32 v15, v24;
	v20 =	vld.idx.msk [tilespmem:v20+s23+$0x0], $0xffff  }
0x121: {  	v8 =	vshra.s32 v8, $0x1;
	vm4 =	veq.s32 v32, $0x0;
	v12 =	vsel vm3, v14, v29;
	[tilespmem:s30+$0xFFFFFF80] =	vst v13;
	v14 =	vld.idx.msk [tilespmem:v23+s23+$0x0], $0xffff  }
0x122: {  	v8 =	vand.u32 $0xFFFFF000, v8;
	v13 =	vand.u32 $0x1000, v7;
	v23 =	vshll.u32 v19, $0x10;
	[tilespmem:s30+$0x20] =	vst v15;
	v7 =	vld.idx.msk [tilespmem:v27+s23+$0x0], $0xffff  }
0x123: {  	v15 =	vor.u32 v17, v8;
	vm3 =	veq.s32 v13, $0x0;
	v13 =	vand.u32 $0xFFFF0000, v19;
	v8 =	vld.idx.msk [tilespmem:v9+s23+$0x0], $0xffff  }
0x124: {  	v10 =	vand.u32 $0xFFFFF000, v10;
	v9 =	vadd.f32 v12, v28;
	v12 =	vsel vm3, v23, v13;
	v17 =	vld.idx.msk [tilespmem:v21+s23+$0x0], $0xffff  }
0x125: {  	v10 =	vor.u32 v25, v10;
	v21 =	vand.u32 $0xFFFF0000, v16;
	v16 =	vshll.u32 v16, $0x10;
	v19 =	vld [tilespmem:s30+$0xFFFFFFE0]  }
0x126: {  	v4 =	vand.u32 $0x1000, v4;
	vm3 =	veq.s32 v11, $0x0;
	[tilespmem:s30+$0xFFFFFFB0] =	vst v9;
	v9 =	vadd.f32 v12, v30;
	v23 =	vld [tilespmem:s30+$0x10]  }
.Ltmp3:
0x127: {  	vm5 =	veq.s32 v22, $0x0;
	v12 =	vsel vm2, v18, v26;
	vm2 =	veq.s32 v4, $0x0;
	v13 =	vld [tilespmem:s30+$0x60];
	(pc) =	sbr.rel @p1 .LBB2_4-.Ltmp3, $4  }
0x128: {  	v4 =	vand.u32 $0xFFFF0000, v14;
	v18 =	vsel vm2, v16, v21;
	v11 =	vld.idx.msk [tilespmem:v15+s23+$0x0], $0xffff;
	[tilespmem:s30+$0xFFFFFFD0] =	vst v9;
	v9 =	vshll.u32 v14, $0x10  }
0x129: {  	v16 =	vand.u32 $0xFFFF0000, v20;
	v20 =	vshll.u32 v20, $0x10;
	v4 =	vsel vm4, v9, v4;
	v15 =	vld [tilespmem:s30+$0x70]  }
0x12a: {  	v14 =	vand.u32 $0xFFFF0000, v17;
	v4 =	vadd.f32 v4, v19;
	v9 =	vld.idx.msk [tilespmem:v10+s23+$0x0], $0xffff;
	v19 =	vsel vm5, v20, v16  }
0x12b: {  	s0 =	sadd.s32 $0x100, s0;
	v17 =	vshll.u32 v17, $0x10;
	v10 =	vand.u32 $0xFFFF0000, v7;
	v16 =	vld [tilespmem:s30+$0xFFFFFFF0];
	v18 =	vadd.f32 v18, v23  }
0x12c: {  	v20 =	vand.u32 $0xFFFF0000, v8  }
0x12d: {  	v8 =	vshll.u32 v8, $0x10;
	v13 =	vadd.f32 v19, v13;
	v5 =	vadd.f32 v12, v5  }
0x12e: {  	v0 =	vand.u32 $0x1000, v0;
	[tilespmem:s31+$0xFFFFFFE0] =	vst v4;
	v8 =	vsel vm1, v8, v20;
	vm1 =	veq.s32 v6, $0x0  }
0x12f: {  	[tilespmem:s31+$0x10] =	vst v18;
	v6 =	vadd.f32 v8, v15;
	v8 =	vand.u32 $0xFFFF0000, v11;
	v11 =	vshll.u32 v11, $0x10  }
0x130: {  	v12 =	vsel vm3, v17, v14;
	[tilespmem:s31+$0x60] =	vst v13;
	v8 =	vsel vm1, v11, v8;
	vm1 =	veq.s32 v0, $0x0  }
0x131: {  	[tilespmem:s31+$0xFFFFFFA0] =	vst v5;
	v4 =	vand.u32 $0xFFFF0000, v9;
	v0 =	vadd.f32 v8, v1;
	v1 =	vshll.u32 v7, $0x10  }
0x132: {  	v11 =	vadd.f32 v12, v16;
	[tilespmem:s31+$0x70] =	vst v6;
	v6 =	vshll.u32 v9, $0x10;
	v1 =	vsel vm0, v1, v10  }
0x133: {  	[tilespmem:s31+$0xFFFFFFC0] =	vst v0;
	v0 =	vsel vm1, v6, v4;
	v1 =	vadd.f32 v1, v3  }
0x134: {  	[tilespmem:s31+$0xFFFFFFF0] =	vst v11;
	v0 =	vadd.f32 v0, v2  }
0x135: {  	[tilespmem:s31+$0x40] =	vst v1  }
0x136: {  	[tilespmem:s31+$0x30] =	vst v0  }
0x137: {  	[tilespmem:s22], [sflag:$0x2] =	stream.strided.gather [hbm4b:s9+s19], $0x1000, s20, s19, $0x38;
	[tilespmem:$0x1D000] =	vst v63  }
0x138: {  	_ = 	snop  }
0x139: {  	[tilespmem:s23], [sflag:$0x2] =	stream.strided.gather [hbm4b:s10+s19], $0xD000, s20, s19, $0x38;
	[tilespmem:$0x1D000] =	vst v63  }
0x13a: {  	_ =	swait.ge [sflag:s24], $0x1000  }
0x13b: {  	[sflag:s24] =	ssyncset.done $0x0  }
0x13c: {  	[sflag:s24] =	ssyncadd.s32 $0xFFFFF000  }
0x13d: {  	_ =	swait.ge [sflag:s24], $0xD000  }
0x13e: {  	[sflag:s24] =	ssyncset.done $0x0  }
0x13f: {  	s0 =	simm.s32 $0x1A080;
	[sflag:s24] =	ssyncadd.s32 $0xFFFF3000  }
0x140: {  	v0 =	vld [tilespmem:s0+$0xFFFFFF90]  }
0x141: {  	v1 =	vld [tilespmem:s0+$0x0]  }
0x142: {  	v2 =	vld [tilespmem:s0+$0xFFFFFFA0]  }
0x143: {  	v3 =	vld [tilespmem:s0+$0x50]  }
0x144: {  	v5 =	vld [tilespmem:s0+$0xFFFFFF80]  }
0x145: {  	v6 =	vld [tilespmem:s0+$0x20]  }
0x146: {  	v4 =	vld [tilespmem:s0+$0x10]  }
0x147: {  	v10 =	vld [tilespmem:s0+$0x70]  }
0x148: {  	v12 =	vld [tilespmem:s0+$0xFFFFFFF0]  }
0x149: {  	v17 =	vld [tilespmem:s0+$0x40];
	v8 =	vand.u32 $0x1000, v0;
	v9 =	vshra.s32 v0, $0x1;
	v7 =	vshra.s32 v2, $0x1  }
0x14a: {  	v11 =	vand.u32 $0xFFF, v2;
	v13 =	vand.u32 $0xFFF, v0;
	v2 =	vand.u32 $0x1000, v2  }
0x14b: {  	v15 =	vshra.s32 v3, $0x1;
	v16 =	vand.u32 $0xFFF, v3;
	v18 =	vshra.s32 v5, $0x1  }
0x14c: {  	v36 =	vld [tilespmem:s0+$0xFFFFFFC0];
	v0 =	vshra.s32 v1, $0x1;
	v19 =	vshra.s32 v6, $0x1;
	v20 =	vand.u32 $0x1000, v5  }
0x14d: {  	v22 =	vand.u32 $0xFFF, v1;
	v23 =	vand.u32 $0xFFF, v4;
	v39 =	vshra.s32 v10, $0x1  }
0x14e: {  	v1 =	vand.u32 $0x1000, v1;
	v27 =	vshra.s32 v12, $0x1;
	v29 =	vand.u32 $0xFFF, v17  }
0x14f: {  	v3 =	vand.u32 $0x1000, v3;
	v31 =	vand.u32 $0xFFF, v12;
	v32 =	vshra.s32 v17, $0x1  }
0x150: {  	v24 =	vld [tilespmem:s0+$0xFFFFFFB0];
	v17 =	vand.u32 $0x1000, v17;
	v33 =	vshra.s32 v4, $0x1;
	v12 =	vand.u32 $0x1000, v12  }
0x151: {  	v5 =	vand.u32 $0xFFF, v5;
	v37 =	vand.u32 $0xFFF, v6;
	v43 =	vand.u32 $0xFFF, v36  }
0x152: {  	s30 =	simm.s32 $0x1C080;
	v4 =	vand.u32 $0x1000, v4;
	v14 =	vand.u32 $0xFFFFF000, v7;
	v9 =	vand.u32 $0xFFFFF000, v9  }
0x153: {  	v38 =	vld [tilespmem:s30+$0x0];
	v21 =	vand.u32 $0xFFFFF000, v0;
	v15 =	vand.u32 $0xFFFFF000, v15;
	v32 =	vand.u32 $0xFFFFF000, v32  }
0x154: {  	v7 =	vld [tilespmem:s0+$0xFFFFFFD0];
	v19 =	vand.u32 $0xFFFFF000, v19;
	v18 =	vand.u32 $0xFFFFF000, v18;
	vm0 =	veq.s32 v8, $0x0  }
0x155: {  	v0 =	vld [tilespmem:s0+$0x30];
	v8 =	vshra.s32 v24, $0x1;
	vm2 =	veq.s32 v2, $0x0;
	v9 =	vor.u32 v13, v9  }
0x156: {  	v2 =	vand.u32 $0xFFF, v24;
	vm1 =	veq.s32 v3, $0x0;
	v13 =	vld [tilespmem:s0+$0xFFFFFFE0];
	v21 =	vor.u32 v22, v21  }
0x157: {  	v41 =	vand.u32 $0xFFFFF000, v33;
	v46 =	vand.u32 $0xFFFFF000, v27;
	v15 =	vor.u32 v16, v15;
	v16 =	vld [tilespmem:s0+$0x60]  }
0x158: {  	v42 =	vld [tilespmem:s30+$0x50];
	vm5 =	veq.s32 v20, $0x0;
	v22 =	vand.u32 $0xFFFFF000, v39;
	v11 =	vor.u32 v11, v14  }
0x159: {  	v49 =	vld [tilespmem:s30+$0xFFFFFF80];
	v14 =	vand.u32 $0x1000, v24;
	v8 =	vand.u32 $0xFFFFF000, v8;
	v19 =	vor.u32 v37, v19  }
0x15a: {  	v5 =	vor.u32 v5, v18;
	v8 =	vor.u32 v2, v8;
	vm3 =	veq.s32 v14, $0x0;
	v9 =	vld.idx.msk [tilespmem:v9+s2+$0x0], $0xffff  }
0x15b: {  	v25 =	vand.u32 $0xFFF, v7;
	v26 =	vshra.s32 v7, $0x1;
	v28 =	vshra.s32 v0, $0x1;
	v21 =	vld.idx.msk [tilespmem:v21+s2+$0x0], $0xffff  }
0x15c: {  	v47 =	vand.u32 $0xFFF, v0;
	v30 =	vand.u32 $0x1000, v13;
	v34 =	vshra.s32 v16, $0x1;
	v15 =	vld.idx.msk [tilespmem:v15+s2+$0x0], $0xffff  }
0x15d: {  	v35 =	vand.u32 $0xFFF, v16;
	v39 =	vshra.s32 v13, $0x1;
	v11 =	vld.idx.msk [tilespmem:v11+s2+$0x0], $0xffff;
	v13 =	vand.u32 $0xFFF, v13  }
0x15e: {  	v19 =	vld.idx.msk [tilespmem:v19+s2+$0x0], $0xffff;
	v16 =	vand.u32 $0x1000, v16;
	v59 =	vand.u32 $0xFFFFF000, v28;
	v20 =	vand.u32 $0xFFFFF000, v39  }
0x15f: {  	v8 =	vld.idx.msk [tilespmem:v8+s2+$0x0], $0xffff;
	v13 =	vor.u32 v13, v20;
	v20 =	vor.u32 v29, v32;
	v18 =	vand.u32 $0xFFFF0000, v9  }
0x160: {  	v50 =	vld [tilespmem:s30+$0x20];
	v9 =	vshll.u32 v9, $0x10;
	v40 =	vand.u32 $0xFFFF0000, v21;
	v3 =	vshll.u32 v21, $0x10  }
0x161: {  	v45 =	vand.u32 $0xFFFF0000, v15;
	v15 =	vshll.u32 v15, $0x10;
	v9 =	vsel vm0, v9, v18;
	v18 =	vld [tilespmem:s30+$0xFFFFFF90]  }
0x162: {  	v53 =	vld [tilespmem:s30+$0xFFFFFFD0];
	v48 =	vand.u32 $0xFFFF0000, v11;
	v11 =	vshll.u32 v11, $0x10;
	v21 =	vor.u32 v23, v41  }
0x163: {  	v54 =	vld [tilespmem:s30+$0xFFFFFFB0];
	v55 =	vand.u32 $0xFFFF0000, v19;
	v19 =	vshll.u32 v19, $0x10;
	vm0 =	veq.s32 v1, $0x0  }
0x164: {  	v14 =	vsel vm1, v15, v45;
	v15 =	vld.idx.msk [tilespmem:v5+s2+$0x0], $0xffff;
	v5 =	vand.u32 $0xFFFFF000, v26;
	v52 =	vand.u32 $0xFFFF0000, v8  }
0x165: {  	v60 =	vld [tilespmem:s30+$0xFFFFFFE0];
	v8 =	vshll.u32 v8, $0x10;
	v2 =	vsel vm0, v3, v40;
	vm0 =	veq.s32 v17, $0x0  }
0x166: {  	v63 =	vld [tilespmem:s30+$0x10];
	v17 =	vand.u32 $0xFFFFF000, v34;
	v9 =	vadd.f32 v9, v18;
	v18 =	vor.u32 v25, v5  }
0x167: {  	v1 =	vld [tilespmem:s30+$0xFFFFFFC0];
	v56 =	vsel vm3, v8, v52;
	v8 =	vshra.s32 v36, $0x1;
	v17 =	vor.u32 v35, v17  }
0x168: {  	v14 =	vadd.f32 v14, v42;
	v57 =	vld.idx.msk [tilespmem:v13+s2+$0x0], $0xffff;
	v13 =	vand.u32 $0x1000, v7;
	v8 =	vand.u32 $0xFFFFF000, v8  }
0x169: {  	v7 =	vld.idx.msk [tilespmem:v20+s2+$0x0], $0xffff;
	v44 =	vadd.f32 v2, v38;
	vm3 =	veq.s32 v13, $0x0;
	v20 =	vor.u32 v43, v8  }
0x16a: {  	v21 =	vld.idx.msk [tilespmem:v21+s2+$0x0], $0xffff;
	v5 =	vand.u32 $0x1000, v6;
	v6 =	vand.u32 $0x1000, v10;
	v10 =	vand.u32 $0xFFF, v10  }
0x16b: {  	v51 =	vand.u32 $0xFFFF0000, v15;
	v15 =	vshll.u32 v15, $0x10;
	v10 =	vor.u32 v10, v22;
	v18 =	vld.idx.msk [tilespmem:v18+s2+$0x0], $0xffff  }
0x16c: {  	v25 =	vor.u32 v31, v46;
	vm4 =	veq.s32 v5, $0x0;
	vm1 =	veq.s32 v6, $0x0;
	v17 =	vld.idx.msk [tilespmem:v17+s2+$0x0], $0xffff  }
0x16d: {  	v3 =	vld [tilespmem:s30+$0x40];
	v6 =	vand.u32 $0x1000, v36;
	v15 =	vsel vm5, v15, v51;
	v22 =	vor.u32 v47, v59  }
0x16e: {  	v2 =	vld [tilespmem:s30+$0x30];
	vm5 =	veq.s32 v16, $0x0;
	v15 =	vadd.f32 v15, v49;
	v19 =	vsel vm4, v19, v55  }
0x16f: {  	v5 =	vld [tilespmem:s30+$0xFFFFFFA0];
	vm4 =	veq.s32 v30, $0x0;
	[tilespmem:s30+$0xFFFFFF90] =	vst v9;
	v9 =	vshll.u32 v57, $0x10;
	v19 =	vadd.f32 v19, v50  }
0x170: {  	v61 =	vand.u32 $0xFFFF0000, v21;
	v8 =	vld.idx.msk [tilespmem:v10+s2+$0x0], $0xffff;
	v58 =	vshll.u32 v18, $0x10;
	v13 =	vand.u32 $0xFFFF0000, v18  }
0x171: {  	[tilespmem:s30+$0x50] =	vst v14;
	v10 =	vadd.f32 v56, v54;
	v16 =	vand.u32 $0xFFFF0000, v17;
	v18 =	vld.idx.msk [tilespmem:v25+s2+$0x0], $0xffff;
	v13 =	vsel vm3, v58, v13  }
0x172: {  	[tilespmem:s30+$0x0] =	vst v44;
	v17 =	vshll.u32 v17, $0x10;
	vm3 =	veq.s32 v12, $0x0;
	v62 =	vadd.f32 v13, v53;
	v13 =	vld [tilespmem:s30+$0x60]  }
0x173: {  	[tilespmem:s30+$0xFFFFFF80] =	vst v15;
	v15 =	vld [tilespmem:s30+$0x70];
	v12 =	vsel vm2, v11, v48;
	vm2 =	veq.s32 v4, $0x0;
	v4 =	vand.u32 $0xFFFF0000, v57  }
0x174: {  	v21 =	vshll.u32 v21, $0x10;
	[tilespmem:s30+$0x20] =	vst v19;
	v19 =	vsel vm5, v17, v16;
	v11 =	vld.idx.msk [tilespmem:v20+s2+$0x0], $0xffff;
	v4 =	vsel vm4, v9, v4  }
0x175: {  	[tilespmem:s30+$0xFFFFFFB0] =	vst v10;
	v16 =	vld [tilespmem:s30+$0xFFFFFFF0];
	v10 =	vand.u32 $0xFFFF0000, v7;
	v20 =	vsel vm2, v21, v61;
	v4 =	vadd.f32 v4, v60  }
0x176: {  	s1 =	simm.s32 $0x0;
	s31 =	simm.s32 $0x1C080;
	s0 =	simm.s32 $0x1A180;
	v9 =	vld.idx.msk [tilespmem:v22+s2+$0x0], $0xffff;
	[tilespmem:s30+$0xFFFFFFD0] =	vst v62;
	v14 =	vand.u32 $0xFFFF0000, v18;
	v17 =	vshll.u32 v18, $0x10;
	v18 =	vadd.f32 v20, v63  }
.LBB2_6:
0x177: {  	v20 =	vld [tilespmem:s0+$0xFFFFFF90];
	s1 =	sadd.s32 $0x100, s1;
	v13 =	vadd.f32 v19, v13;
	v19 =	vand.u32 $0xFFFF0000, v8;
	v8 =	vshll.u32 v8, $0x10;
	s30 =	sadd.s32 $0x100, s30  }
0x178: {  	v12 =	vadd.f32 v12, v5;
	vm2 =	veq.s32 v6, $0x0;
	v21 =	vld [tilespmem:s0+$0x0];
	p1 =	slt.u32 s1, $0xF00;
	v5 =	vsel vm1, v8, v19  }
0x179: {  	v8 =	vand.u32 $0xFFFF0000, v11;
	v11 =	vshll.u32 v11, $0x10;
	v6 =	vld [tilespmem:s0+$0x50];
	[tilespmem:s31+$0x10] =	vst v18;
	v5 =	vadd.f32 v5, v15  }
0x17a: {  	v0 =	vand.u32 $0x1000, v0;
	v8 =	vsel vm2, v11, v8;
	v11 =	vsel vm3, v17, v14;
	v15 =	vld [tilespmem:s0+$0xFFFFFFA0];
	[tilespmem:s31+$0x60] =	vst v13  }
0x17b: {  	vm1 =	veq.s32 v0, $0x0;
	v0 =	vand.u32 $0xFFFF0000, v9;
	v13 =	vld [tilespmem:s0+$0xFFFFFF80];
	v11 =	vadd.f32 v11, v16;
	[tilespmem:s31+$0x70] =	vst v5  }
0x17c: {  	v1 =	vadd.f32 v8, v1;
	v14 =	vand.u32 $0x1000, v20;
	v16 =	vshra.s32 v20, $0x1;
	v5 =	vld [tilespmem:s0+$0x20];
	[tilespmem:s31+$0xFFFFFFE0] =	vst v4  }
0x17d: {  	v7 =	vshll.u32 v7, $0x10;
	v8 =	vshll.u32 v9, $0x10;
	v4 =	vld [tilespmem:s0+$0x10];
	[tilespmem:s31+$0xFFFFFFF0] =	vst v11  }
0x17e: {  	v0 =	vsel vm1, v8, v0;
	v9 =	vld [tilespmem:s0+$0x70];
	[tilespmem:s31+$0xFFFFFFC0] =	vst v1;
	v1 =	vsel vm0, v7, v10  }
0x17f: {  	v7 =	vshra.s32 v15, $0x1;
	v11 =	vand.u32 $0xFFF, v15;
	v17 =	vld [tilespmem:s0+$0xFFFFFFF0];
	[tilespmem:s31+$0xFFFFFFA0] =	vst v12;
	v1 =	vadd.f32 v1, v3  }
0x180: {  	v3 =	vand.u32 $0xFFF, v20;
	v15 =	vand.u32 $0x1000, v15;
	v18 =	vand.u32 $0xFFFFF000, v7;
	v7 =	vld [tilespmem:s0+$0xFFFFFFD0]  }
0x181: {  	v2 =	vadd.f32 v0, v2;
	v10 =	vshra.s32 v6, $0x1;
	v12 =	vand.u32 $0xFFF, v6;
	v19 =	vld [tilespmem:s0+$0x40];
	[tilespmem:s31+$0x40] =	vst v1  }
0x182: {  	v0 =	vshra.s32 v21, $0x1;
	v20 =	vshra.s32 v13, $0x1;
	v22 =	vshra.s32 v5, $0x1;
	v8 =	vld [tilespmem:s0+$0xFFFFFFC0]  }
0x183: {  	v23 =	vand.u32 $0x1000, v13;
	v1 =	vand.u32 $0xFFFFF000, v16;
	v16 =	vand.u32 $0xFFFFF000, v0;
	v0 =	vld [tilespmem:s0+$0x30];
	[tilespmem:s31+$0x30] =	vst v2;
	s31 =	smov.u32 s30  }
0x184: {  	v24 =	vand.u32 $0xFFF, v4;
	v2 =	vor.u32 v3, v1;
	v1 =	vand.u32 $0xFFF, v21;
	v3 =	vld [tilespmem:s0+$0xFFFFFFE0]  }
0x185: {  	v16 =	vor.u32 v1, v16;
	v1 =	vand.u32 $0xFFFFF000, v10;
	v10 =	vshra.s32 v9, $0x1;
	v25 =	vld [tilespmem:s0+$0xFFFFFFB0]  }
0x186: {  	v21 =	vand.u32 $0x1000, v21;
	v26 =	vand.u32 $0xFFF, v7;
	v27 =	vor.u32 v12, v1;
	v12 =	vld [tilespmem:s0+$0x60]  }
0x187: {  	v29 =	vshra.s32 v17, $0x1;
	v28 =	vshra.s32 v7, $0x1;
	v30 =	vand.u32 $0xFFFFF000, v10;
	v1 =	vld [tilespmem:s30+$0xFFFFFFC0]  }
0x188: {  	v6 =	vand.u32 $0x1000, v6;
	v31 =	vand.u32 $0xFFF, v19;
	v10 =	vshra.s32 v0, $0x1  }
0x189: {  	v33 =	vand.u32 $0xFFF, v17;
	v34 =	vshra.s32 v19, $0x1;
	v2 =	vld.idx.msk [tilespmem:v2+s2+$0x0], $0xffff;
	v32 =	vand.u32 $0x1000, v3  }
0x18a: {  	v18 =	vor.u32 v11, v18;
	v19 =	vand.u32 $0x1000, v19;
	v35 =	vand.u32 $0x1000, v25;
	v16 =	vld.idx.msk [tilespmem:v16+s2+$0x0], $0xffff  }
0x18b: {  	v36 =	vshra.s32 v4, $0x1;
	v34 =	vand.u32 $0xFFFFF000, v34;
	v37 =	vshra.s32 v12, $0x1  }
0x18c: {  	v11 =	vand.u32 $0x1000, v17;
	v17 =	vand.u32 $0xFFFFF000, v22;
	v22 =	vand.u32 $0xFFF, v12  }
0x18d: {  	v13 =	vand.u32 $0xFFF, v13;
	v20 =	vand.u32 $0xFFFFF000, v20;
	v39 =	vand.u32 $0xFFF, v5;
	v38 =	vld [tilespmem:s30+$0x0]  }
0x18e: {  	vm0 =	veq.s32 v14, $0x0;
	v13 =	vor.u32 v13, v20;
	v14 =	vshra.s32 v25, $0x1;
	v20 =	vld.idx.msk [tilespmem:v27+s2+$0x0], $0xffff  }
0x18f: {  	v40 =	vshra.s32 v3, $0x1;
	v27 =	vand.u32 $0xFFFF0000, v2;
	v2 =	vshll.u32 v2, $0x10;
	v18 =	vld.idx.msk [tilespmem:v18+s2+$0x0], $0xffff  }
0x190: {  	vm2 =	veq.s32 v15, $0x0;
	v15 =	vand.u32 $0xFFF, v25;
	v2 =	vsel vm0, v2, v27;
	v27 =	vld [tilespmem:s30+$0xFFFFFF90]  }
0x191: {  	vm1 =	veq.s32 v6, $0x0;
	v14 =	vand.u32 $0xFFFFF000, v14;
	v25 =	vand.u32 $0xFFFF0000, v16  }
0x192: {  	vm0 =	veq.s32 v21, $0x0;
	v6 =	vshll.u32 v16, $0x10;
	v16 =	vand.u32 $0xFFFFF000, v36;
	v21 =	vld [tilespmem:s30+$0x50]  }
0x193: {  	v14 =	vor.u32 v15, v14;
	v15 =	vor.u32 v39, v17;
	v6 =	vsel vm0, v6, v25  }
0x194: {  	v17 =	vand.u32 $0xFFF, v8;
	v6 =	vadd.f32 v6, v38;
	v25 =	vand.u32 $0xFFFF0000, v20  }
0x195: {  	v36 =	vand.u32 $0xFFF, v3;
	v20 =	vshll.u32 v20, $0x10;
	v27 =	vadd.f32 v2, v27;
	v2 =	vld [tilespmem:s30+$0x30]  }
0x196: {  	vm3 =	veq.s32 v35, $0x0;
	vm0 =	veq.s32 v19, $0x0;
	[tilespmem:s30+$0x0] =	vst v6;
	v3 =	vld [tilespmem:s30+$0x40];
	v6 =	vsel vm1, v20, v25  }
0x197: {  	v19 =	vand.u32 $0xFFFFF000, v28;
	v20 =	vand.u32 $0xFFFFF000, v37;
	v13 =	vld.idx.msk [tilespmem:v13+s2+$0x0], $0xffff;
	[tilespmem:s30+$0xFFFFFF90] =	vst v27;
	v6 =	vadd.f32 v6, v21  }
0x198: {  	v5 =	vand.u32 $0x1000, v5;
	v19 =	vor.u32 v26, v19;
	v21 =	vand.u32 $0xFFFFF000, v29;
	v14 =	vld.idx.msk [tilespmem:v14+s2+$0x0], $0xffff  }
0x199: {  	vm4 =	veq.s32 v5, $0x0;
	v25 =	vand.u32 $0xFFF, v0;
	v15 =	vld.idx.msk [tilespmem:v15+s2+$0x0], $0xffff;
	[tilespmem:s30+$0x50] =	vst v6;
	v6 =	vand.u32 $0x1000, v9  }
0x19a: {  	v26 =	vand.u32 $0xFFFF0000, v18;
	v20 =	vor.u32 v22, v20;
	v5 =	vld [tilespmem:s30+$0xFFFFFFA0];
	vm1 =	veq.s32 v6, $0x0  }
0x19b: {  	v16 =	vor.u32 v24, v16;
	v18 =	vshll.u32 v18, $0x10;
	v6 =	vand.u32 $0x1000, v8;
	v22 =	vld [tilespmem:s30+$0xFFFFFF80]  }
0x19c: {  	vm5 =	veq.s32 v23, $0x0;
	v23 =	vand.u32 $0xFFFFF000, v40;
	v9 =	vand.u32 $0xFFF, v9;
	v24 =	vld [tilespmem:s30+$0x20]  }
0x19d: {  	v23 =	vor.u32 v36, v23;
	v27 =	vor.u32 v31, v34;
	v9 =	vor.u32 v9, v30;
	v19 =	vld.idx.msk [tilespmem:v19+s2+$0x0], $0xffff  }
0x19e: {  	v28 =	vand.u32 $0xFFFF0000, v13;
	v13 =	vshll.u32 v13, $0x10;
	v29 =	vand.u32 $0xFFFF0000, v14;
	v30 =	vld [tilespmem:s30+$0xFFFFFFD0]  }
0x19f: {  	v13 =	vsel vm5, v13, v28;
	v31 =	vand.u32 $0xFFFF0000, v15;
	v15 =	vshll.u32 v15, $0x10;
	v28 =	vld [tilespmem:s30+$0xFFFFFFB0]  }
0x1a0: {  	v21 =	vor.u32 v33, v21;
	v15 =	vsel vm4, v15, v31;
	v13 =	vadd.f32 v13, v22;
	v16 =	vld.idx.msk [tilespmem:v16+s2+$0x0], $0xffff  }
0x1a1: {  	v14 =	vshll.u32 v14, $0x10;
	v22 =	vand.u32 $0x1000, v12;
	v15 =	vadd.f32 v15, v24;
	v20 =	vld.idx.msk [tilespmem:v20+s2+$0x0], $0xffff  }
0x1a2: {  	v8 =	vshra.s32 v8, $0x1;
	vm4 =	veq.s32 v32, $0x0;
	v12 =	vsel vm3, v14, v29;
	[tilespmem:s30+$0xFFFFFF80] =	vst v13;
	v14 =	vld.idx.msk [tilespmem:v23+s2+$0x0], $0xffff  }
0x1a3: {  	v8 =	vand.u32 $0xFFFFF000, v8;
	v13 =	vand.u32 $0x1000, v7;
	v23 =	vshll.u32 v19, $0x10;
	[tilespmem:s30+$0x20] =	vst v15;
	v7 =	vld.idx.msk [tilespmem:v27+s2+$0x0], $0xffff  }
0x1a4: {  	v15 =	vor.u32 v17, v8;
	vm3 =	veq.s32 v13, $0x0;
	v13 =	vand.u32 $0xFFFF0000, v19;
	v8 =	vld.idx.msk [tilespmem:v9+s2+$0x0], $0xffff  }
0x1a5: {  	v10 =	vand.u32 $0xFFFFF000, v10;
	v9 =	vadd.f32 v12, v28;
	v12 =	vsel vm3, v23, v13;
	v17 =	vld.idx.msk [tilespmem:v21+s2+$0x0], $0xffff  }
0x1a6: {  	v10 =	vor.u32 v25, v10;
	v21 =	vand.u32 $0xFFFF0000, v16;
	v16 =	vshll.u32 v16, $0x10;
	v19 =	vld [tilespmem:s30+$0xFFFFFFE0]  }
0x1a7: {  	v4 =	vand.u32 $0x1000, v4;
	vm3 =	veq.s32 v11, $0x0;
	[tilespmem:s30+$0xFFFFFFB0] =	vst v9;
	v9 =	vadd.f32 v12, v30;
	v23 =	vld [tilespmem:s30+$0x10]  }
.Ltmp4:
0x1a8: {  	vm5 =	veq.s32 v22, $0x0;
	v12 =	vsel vm2, v18, v26;
	vm2 =	veq.s32 v4, $0x0;
	v13 =	vld [tilespmem:s30+$0x60];
	(pc) =	sbr.rel @p1 .LBB2_6-.Ltmp4, $4  }
0x1a9: {  	v4 =	vand.u32 $0xFFFF0000, v14;
	v18 =	vsel vm2, v16, v21;
	v11 =	vld.idx.msk [tilespmem:v15+s2+$0x0], $0xffff;
	[tilespmem:s30+$0xFFFFFFD0] =	vst v9;
	v9 =	vshll.u32 v14, $0x10  }
0x1aa: {  	v16 =	vand.u32 $0xFFFF0000, v20;
	v20 =	vshll.u32 v20, $0x10;
	v4 =	vsel vm4, v9, v4;
	v15 =	vld [tilespmem:s30+$0x70]  }
0x1ab: {  	v14 =	vand.u32 $0xFFFF0000, v17;
	v4 =	vadd.f32 v4, v19;
	v9 =	vld.idx.msk [tilespmem:v10+s2+$0x0], $0xffff;
	v19 =	vsel vm5, v20, v16  }
0x1ac: {  	s0 =	sadd.s32 $0x100, s0;
	v17 =	vshll.u32 v17, $0x10;
	v10 =	vand.u32 $0xFFFF0000, v7;
	v16 =	vld [tilespmem:s30+$0xFFFFFFF0];
	v18 =	vadd.f32 v18, v23  }
0x1ad: {  	v20 =	vand.u32 $0xFFFF0000, v8  }
0x1ae: {  	v8 =	vshll.u32 v8, $0x10;
	v13 =	vadd.f32 v19, v13;
	v5 =	vadd.f32 v12, v5  }
0x1af: {  	v0 =	vand.u32 $0x1000, v0;
	[tilespmem:s31+$0xFFFFFFE0] =	vst v4;
	v8 =	vsel vm1, v8, v20;
	vm1 =	veq.s32 v6, $0x0  }
0x1b0: {  	[tilespmem:s31+$0x10] =	vst v18;
	v6 =	vadd.f32 v8, v15;
	v8 =	vand.u32 $0xFFFF0000, v11;
	v11 =	vshll.u32 v11, $0x10  }
0x1b1: {  	v12 =	vsel vm3, v17, v14;
	[tilespmem:s31+$0x60] =	vst v13;
	v8 =	vsel vm1, v11, v8;
	vm1 =	veq.s32 v0, $0x0  }
0x1b2: {  	[tilespmem:s31+$0xFFFFFFA0] =	vst v5;
	v4 =	vand.u32 $0xFFFF0000, v9;
	v0 =	vadd.f32 v8, v1;
	v1 =	vshll.u32 v7, $0x10  }
0x1b3: {  	v11 =	vadd.f32 v12, v16;
	[tilespmem:s31+$0x70] =	vst v6;
	v6 =	vshll.u32 v9, $0x10;
	v1 =	vsel vm0, v1, v10  }
0x1b4: {  	[tilespmem:s31+$0xFFFFFFC0] =	vst v0;
	v0 =	vsel vm1, v6, v4;
	v1 =	vadd.f32 v1, v3  }
0x1b5: {  	[tilespmem:s31+$0xFFFFFFF0] =	vst v11;
	v0 =	vadd.f32 v0, v2  }
0x1b6: {  	[tilespmem:s31+$0x40] =	vst v1  }
0x1b7: {  	[tilespmem:s31+$0x30] =	vst v0  }
0x1b8: {  	[tilespmem:s21], [sflag:$0x1] =	stream.strided.gather [hbm4b:s11+s19], $0x1000, s20, s19, $0x38;
	[tilespmem:$0x1D000] =	vst v63  }
0x1b9: {  	_ = 	snop  }
0x1ba: {  	[tilespmem:s2], [sflag:$0x1] =	stream.strided.gather [hbm4b:s12+s19], $0xD000, s20, s19, $0x38;
	[tilespmem:$0x1D000] =	vst v63  }
0x1bb: {  	_ =	swait.ge [sflag:s25], $0x1000  }
0x1bc: {  	[sflag:s25] =	ssyncset.done $0x0  }
0x1bd: {  	[sflag:s25] =	ssyncadd.s32 $0xFFFFF000  }
0x1be: {  	_ =	swait.ge [sflag:s25], $0xD000  }
0x1bf: {  	[sflag:s25] =	ssyncset.done $0x0  }
0x1c0: {  	s0 =	simm.s32 $0x1B080;
	[sflag:s25] =	ssyncadd.s32 $0xFFFF3000  }
0x1c1: {  	v0 =	vld [tilespmem:s0+$0xFFFFFF90]  }
0x1c2: {  	v1 =	vld [tilespmem:s0+$0x0]  }
0x1c3: {  	v2 =	vld [tilespmem:s0+$0xFFFFFFA0]  }
0x1c4: {  	v3 =	vld [tilespmem:s0+$0x50]  }
0x1c5: {  	v5 =	vld [tilespmem:s0+$0xFFFFFF80]  }
0x1c6: {  	v6 =	vld [tilespmem:s0+$0x20]  }
0x1c7: {  	v4 =	vld [tilespmem:s0+$0x10]  }
0x1c8: {  	v10 =	vld [tilespmem:s0+$0x70]  }
0x1c9: {  	v12 =	vld [tilespmem:s0+$0xFFFFFFF0]  }
0x1ca: {  	v17 =	vld [tilespmem:s0+$0x40];
	v8 =	vand.u32 $0x1000, v0;
	v9 =	vshra.s32 v0, $0x1;
	v7 =	vshra.s32 v2, $0x1  }
0x1cb: {  	v11 =	vand.u32 $0xFFF, v2;
	v13 =	vand.u32 $0xFFF, v0;
	v2 =	vand.u32 $0x1000, v2  }
0x1cc: {  	v15 =	vshra.s32 v3, $0x1;
	v16 =	vand.u32 $0xFFF, v3;
	v18 =	vshra.s32 v5, $0x1  }
0x1cd: {  	v36 =	vld [tilespmem:s0+$0xFFFFFFC0];
	v0 =	vshra.s32 v1, $0x1;
	v19 =	vshra.s32 v6, $0x1;
	v20 =	vand.u32 $0x1000, v5  }
0x1ce: {  	v22 =	vand.u32 $0xFFF, v1;
	v23 =	vand.u32 $0xFFF, v4;
	v39 =	vshra.s32 v10, $0x1  }
0x1cf: {  	v1 =	vand.u32 $0x1000, v1;
	v27 =	vshra.s32 v12, $0x1;
	v29 =	vand.u32 $0xFFF, v17  }
0x1d0: {  	v3 =	vand.u32 $0x1000, v3;
	v31 =	vand.u32 $0xFFF, v12;
	v32 =	vshra.s32 v17, $0x1  }
0x1d1: {  	v24 =	vld [tilespmem:s0+$0xFFFFFFB0];
	v17 =	vand.u32 $0x1000, v17;
	v33 =	vshra.s32 v4, $0x1;
	v12 =	vand.u32 $0x1000, v12  }
0x1d2: {  	v5 =	vand.u32 $0xFFF, v5;
	v37 =	vand.u32 $0xFFF, v6;
	v43 =	vand.u32 $0xFFF, v36  }
0x1d3: {  	s30 =	simm.s32 $0x1C080;
	v4 =	vand.u32 $0x1000, v4;
	v14 =	vand.u32 $0xFFFFF000, v7;
	v9 =	vand.u32 $0xFFFFF000, v9  }
0x1d4: {  	v38 =	vld [tilespmem:s30+$0x0];
	v21 =	vand.u32 $0xFFFFF000, v0;
	v15 =	vand.u32 $0xFFFFF000, v15;
	v32 =	vand.u32 $0xFFFFF000, v32  }
0x1d5: {  	v7 =	vld [tilespmem:s0+$0xFFFFFFD0];
	v19 =	vand.u32 $0xFFFFF000, v19;
	v18 =	vand.u32 $0xFFFFF000, v18;
	vm0 =	veq.s32 v8, $0x0  }
0x1d6: {  	v0 =	vld [tilespmem:s0+$0x30];
	v8 =	vshra.s32 v24, $0x1;
	vm2 =	veq.s32 v2, $0x0;
	v9 =	vor.u32 v13, v9  }
0x1d7: {  	v2 =	vand.u32 $0xFFF, v24;
	vm1 =	veq.s32 v3, $0x0;
	v13 =	vld [tilespmem:s0+$0xFFFFFFE0];
	v21 =	vor.u32 v22, v21  }
0x1d8: {  	v41 =	vand.u32 $0xFFFFF000, v33;
	v46 =	vand.u32 $0xFFFFF000, v27;
	v15 =	vor.u32 v16, v15;
	v16 =	vld [tilespmem:s0+$0x60]  }
0x1d9: {  	v42 =	vld [tilespmem:s30+$0x50];
	vm5 =	veq.s32 v20, $0x0;
	v22 =	vand.u32 $0xFFFFF000, v39;
	v11 =	vor.u32 v11, v14  }
0x1da: {  	v49 =	vld [tilespmem:s30+$0xFFFFFF80];
	v14 =	vand.u32 $0x1000, v24;
	v8 =	vand.u32 $0xFFFFF000, v8;
	v19 =	vor.u32 v37, v19  }
0x1db: {  	v5 =	vor.u32 v5, v18;
	v8 =	vor.u32 v2, v8;
	vm3 =	veq.s32 v14, $0x0;
	v9 =	vld.idx.msk [tilespmem:v9+s23+$0x0], $0xffff  }
0x1dc: {  	v25 =	vand.u32 $0xFFF, v7;
	v26 =	vshra.s32 v7, $0x1;
	v28 =	vshra.s32 v0, $0x1;
	v21 =	vld.idx.msk [tilespmem:v21+s23+$0x0], $0xffff  }
0x1dd: {  	v47 =	vand.u32 $0xFFF, v0;
	v30 =	vand.u32 $0x1000, v13;
	v34 =	vshra.s32 v16, $0x1;
	v15 =	vld.idx.msk [tilespmem:v15+s23+$0x0], $0xffff  }
0x1de: {  	v35 =	vand.u32 $0xFFF, v16;
	v39 =	vshra.s32 v13, $0x1;
	v11 =	vld.idx.msk [tilespmem:v11+s23+$0x0], $0xffff;
	v13 =	vand.u32 $0xFFF, v13  }
0x1df: {  	v19 =	vld.idx.msk [tilespmem:v19+s23+$0x0], $0xffff;
	v16 =	vand.u32 $0x1000, v16;
	v59 =	vand.u32 $0xFFFFF000, v28;
	v20 =	vand.u32 $0xFFFFF000, v39  }
0x1e0: {  	v8 =	vld.idx.msk [tilespmem:v8+s23+$0x0], $0xffff;
	v13 =	vor.u32 v13, v20;
	v20 =	vor.u32 v29, v32;
	v18 =	vand.u32 $0xFFFF0000, v9  }
0x1e1: {  	v50 =	vld [tilespmem:s30+$0x20];
	v9 =	vshll.u32 v9, $0x10;
	v40 =	vand.u32 $0xFFFF0000, v21;
	v3 =	vshll.u32 v21, $0x10  }
0x1e2: {  	v45 =	vand.u32 $0xFFFF0000, v15;
	v15 =	vshll.u32 v15, $0x10;
	v9 =	vsel vm0, v9, v18;
	v18 =	vld [tilespmem:s30+$0xFFFFFF90]  }
0x1e3: {  	v53 =	vld [tilespmem:s30+$0xFFFFFFD0];
	v48 =	vand.u32 $0xFFFF0000, v11;
	v11 =	vshll.u32 v11, $0x10;
	v21 =	vor.u32 v23, v41  }
0x1e4: {  	v54 =	vld [tilespmem:s30+$0xFFFFFFB0];
	v55 =	vand.u32 $0xFFFF0000, v19;
	v19 =	vshll.u32 v19, $0x10;
	vm0 =	veq.s32 v1, $0x0  }
0x1e5: {  	v14 =	vsel vm1, v15, v45;
	v15 =	vld.idx.msk [tilespmem:v5+s23+$0x0], $0xffff;
	v5 =	vand.u32 $0xFFFFF000, v26;
	v52 =	vand.u32 $0xFFFF0000, v8  }
0x1e6: {  	v60 =	vld [tilespmem:s30+$0xFFFFFFE0];
	v8 =	vshll.u32 v8, $0x10;
	v2 =	vsel vm0, v3, v40;
	vm0 =	veq.s32 v17, $0x0  }
0x1e7: {  	v63 =	vld [tilespmem:s30+$0x10];
	v17 =	vand.u32 $0xFFFFF000, v34;
	v9 =	vadd.f32 v9, v18;
	v18 =	vor.u32 v25, v5  }
0x1e8: {  	v1 =	vld [tilespmem:s30+$0xFFFFFFC0];
	v56 =	vsel vm3, v8, v52;
	v8 =	vshra.s32 v36, $0x1;
	v17 =	vor.u32 v35, v17  }
0x1e9: {  	v14 =	vadd.f32 v14, v42;
	v57 =	vld.idx.msk [tilespmem:v13+s23+$0x0], $0xffff;
	v13 =	vand.u32 $0x1000, v7;
	v8 =	vand.u32 $0xFFFFF000, v8  }
0x1ea: {  	v7 =	vld.idx.msk [tilespmem:v20+s23+$0x0], $0xffff;
	v44 =	vadd.f32 v2, v38;
	vm3 =	veq.s32 v13, $0x0;
	v20 =	vor.u32 v43, v8  }
0x1eb: {  	v21 =	vld.idx.msk [tilespmem:v21+s23+$0x0], $0xffff;
	v5 =	vand.u32 $0x1000, v6;
	v6 =	vand.u32 $0x1000, v10;
	v10 =	vand.u32 $0xFFF, v10  }
0x1ec: {  	v51 =	vand.u32 $0xFFFF0000, v15;
	v15 =	vshll.u32 v15, $0x10;
	v10 =	vor.u32 v10, v22;
	v18 =	vld.idx.msk [tilespmem:v18+s23+$0x0], $0xffff  }
0x1ed: {  	v25 =	vor.u32 v31, v46;
	vm4 =	veq.s32 v5, $0x0;
	vm1 =	veq.s32 v6, $0x0;
	v17 =	vld.idx.msk [tilespmem:v17+s23+$0x0], $0xffff  }
0x1ee: {  	v3 =	vld [tilespmem:s30+$0x40];
	v6 =	vand.u32 $0x1000, v36;
	v15 =	vsel vm5, v15, v51;
	v22 =	vor.u32 v47, v59  }
0x1ef: {  	v2 =	vld [tilespmem:s30+$0x30];
	vm5 =	veq.s32 v16, $0x0;
	v15 =	vadd.f32 v15, v49;
	v19 =	vsel vm4, v19, v55  }
0x1f0: {  	v5 =	vld [tilespmem:s30+$0xFFFFFFA0];
	vm4 =	veq.s32 v30, $0x0;
	[tilespmem:s30+$0xFFFFFF90] =	vst v9;
	v9 =	vshll.u32 v57, $0x10;
	v19 =	vadd.f32 v19, v50  }
0x1f1: {  	v61 =	vand.u32 $0xFFFF0000, v21;
	v8 =	vld.idx.msk [tilespmem:v10+s23+$0x0], $0xffff;
	v58 =	vshll.u32 v18, $0x10;
	v13 =	vand.u32 $0xFFFF0000, v18  }
0x1f2: {  	[tilespmem:s30+$0x50] =	vst v14;
	v10 =	vadd.f32 v56, v54;
	v16 =	vand.u32 $0xFFFF0000, v17;
	v18 =	vld.idx.msk [tilespmem:v25+s23+$0x0], $0xffff;
	v13 =	vsel vm3, v58, v13  }
0x1f3: {  	[tilespmem:s30+$0x0] =	vst v44;
	v17 =	vshll.u32 v17, $0x10;
	vm3 =	veq.s32 v12, $0x0;
	v62 =	vadd.f32 v13, v53;
	v13 =	vld [tilespmem:s30+$0x60]  }
0x1f4: {  	[tilespmem:s30+$0xFFFFFF80] =	vst v15;
	v15 =	vld [tilespmem:s30+$0x70];
	v12 =	vsel vm2, v11, v48;
	vm2 =	veq.s32 v4, $0x0;
	v4 =	vand.u32 $0xFFFF0000, v57  }
0x1f5: {  	v21 =	vshll.u32 v21, $0x10;
	[tilespmem:s30+$0x20] =	vst v19;
	v19 =	vsel vm5, v17, v16;
	v11 =	vld.idx.msk [tilespmem:v20+s23+$0x0], $0xffff;
	v4 =	vsel vm4, v9, v4  }
0x1f6: {  	[tilespmem:s30+$0xFFFFFFB0] =	vst v10;
	v16 =	vld [tilespmem:s30+$0xFFFFFFF0];
	v10 =	vand.u32 $0xFFFF0000, v7;
	v20 =	vsel vm2, v21, v61;
	v4 =	vadd.f32 v4, v60  }
0x1f7: {  	s1 =	simm.s32 $0x0;
	s31 =	simm.s32 $0x1C080;
	s0 =	simm.s32 $0x1B180;
	v9 =	vld.idx.msk [tilespmem:v22+s23+$0x0], $0xffff;
	[tilespmem:s30+$0xFFFFFFD0] =	vst v62;
	v14 =	vand.u32 $0xFFFF0000, v18;
	v17 =	vshll.u32 v18, $0x10;
	v18 =	vadd.f32 v20, v63  }
.LBB2_8:
0x1f8: {  	v20 =	vld [tilespmem:s0+$0xFFFFFF90];
	s1 =	sadd.s32 $0x100, s1;
	v13 =	vadd.f32 v19, v13;
	v19 =	vand.u32 $0xFFFF0000, v8;
	v8 =	vshll.u32 v8, $0x10;
	s30 =	sadd.s32 $0x100, s30  }
0x1f9: {  	v12 =	vadd.f32 v12, v5;
	vm2 =	veq.s32 v6, $0x0;
	v21 =	vld [tilespmem:s0+$0x0];
	p1 =	slt.u32 s1, $0xF00;
	v5 =	vsel vm1, v8, v19  }
0x1fa: {  	v8 =	vand.u32 $0xFFFF0000, v11;
	v11 =	vshll.u32 v11, $0x10;
	v6 =	vld [tilespmem:s0+$0x50];
	[tilespmem:s31+$0x10] =	vst v18;
	v5 =	vadd.f32 v5, v15  }
0x1fb: {  	v0 =	vand.u32 $0x1000, v0;
	v8 =	vsel vm2, v11, v8;
	v11 =	vsel vm3, v17, v14;
	v15 =	vld [tilespmem:s0+$0xFFFFFFA0];
	[tilespmem:s31+$0x60] =	vst v13  }
0x1fc: {  	vm1 =	veq.s32 v0, $0x0;
	v0 =	vand.u32 $0xFFFF0000, v9;
	v13 =	vld [tilespmem:s0+$0xFFFFFF80];
	v11 =	vadd.f32 v11, v16;
	[tilespmem:s31+$0x70] =	vst v5  }
0x1fd: {  	v1 =	vadd.f32 v8, v1;
	v14 =	vand.u32 $0x1000, v20;
	v16 =	vshra.s32 v20, $0x1;
	v5 =	vld [tilespmem:s0+$0x20];
	[tilespmem:s31+$0xFFFFFFE0] =	vst v4  }
0x1fe: {  	v7 =	vshll.u32 v7, $0x10;
	v8 =	vshll.u32 v9, $0x10;
	v4 =	vld [tilespmem:s0+$0x10];
	[tilespmem:s31+$0xFFFFFFF0] =	vst v11  }
0x1ff: {  	v0 =	vsel vm1, v8, v0;
	v9 =	vld [tilespmem:s0+$0x70];
	[tilespmem:s31+$0xFFFFFFC0] =	vst v1;
	v1 =	vsel vm0, v7, v10  }
0x200: {  	v7 =	vshra.s32 v15, $0x1;
	v11 =	vand.u32 $0xFFF, v15;
	v17 =	vld [tilespmem:s0+$0xFFFFFFF0];
	[tilespmem:s31+$0xFFFFFFA0] =	vst v12;
	v1 =	vadd.f32 v1, v3  }
0x201: {  	v3 =	vand.u32 $0xFFF, v20;
	v15 =	vand.u32 $0x1000, v15;
	v18 =	vand.u32 $0xFFFFF000, v7;
	v7 =	vld [tilespmem:s0+$0xFFFFFFD0]  }
0x202: {  	v2 =	vadd.f32 v0, v2;
	v10 =	vshra.s32 v6, $0x1;
	v12 =	vand.u32 $0xFFF, v6;
	v19 =	vld [tilespmem:s0+$0x40];
	[tilespmem:s31+$0x40] =	vst v1  }
0x203: {  	v0 =	vshra.s32 v21, $0x1;
	v20 =	vshra.s32 v13, $0x1;
	v22 =	vshra.s32 v5, $0x1;
	v8 =	vld [tilespmem:s0+$0xFFFFFFC0]  }
0x204: {  	v23 =	vand.u32 $0x1000, v13;
	v1 =	vand.u32 $0xFFFFF000, v16;
	v16 =	vand.u32 $0xFFFFF000, v0;
	v0 =	vld [tilespmem:s0+$0x30];
	[tilespmem:s31+$0x30] =	vst v2;
	s31 =	smov.u32 s30  }
0x205: {  	v24 =	vand.u32 $0xFFF, v4;
	v2 =	vor.u32 v3, v1;
	v1 =	vand.u32 $0xFFF, v21;
	v3 =	vld [tilespmem:s0+$0xFFFFFFE0]  }
0x206: {  	v16 =	vor.u32 v1, v16;
	v1 =	vand.u32 $0xFFFFF000, v10;
	v10 =	vshra.s32 v9, $0x1;
	v25 =	vld [tilespmem:s0+$0xFFFFFFB0]  }
0x207: {  	v21 =	vand.u32 $0x1000, v21;
	v26 =	vand.u32 $0xFFF, v7;
	v27 =	vor.u32 v12, v1;
	v12 =	vld [tilespmem:s0+$0x60]  }
0x208: {  	v29 =	vshra.s32 v17, $0x1;
	v28 =	vshra.s32 v7, $0x1;
	v30 =	vand.u32 $0xFFFFF000, v10;
	v1 =	vld [tilespmem:s30+$0xFFFFFFC0]  }
0x209: {  	v6 =	vand.u32 $0x1000, v6;
	v31 =	vand.u32 $0xFFF, v19;
	v10 =	vshra.s32 v0, $0x1  }
0x20a: {  	v33 =	vand.u32 $0xFFF, v17;
	v34 =	vshra.s32 v19, $0x1;
	v2 =	vld.idx.msk [tilespmem:v2+s23+$0x0], $0xffff;
	v32 =	vand.u32 $0x1000, v3  }
0x20b: {  	v18 =	vor.u32 v11, v18;
	v19 =	vand.u32 $0x1000, v19;
	v35 =	vand.u32 $0x1000, v25;
	v16 =	vld.idx.msk [tilespmem:v16+s23+$0x0], $0xffff  }
0x20c: {  	v36 =	vshra.s32 v4, $0x1;
	v34 =	vand.u32 $0xFFFFF000, v34;
	v37 =	vshra.s32 v12, $0x1  }
0x20d: {  	v11 =	vand.u32 $0x1000, v17;
	v17 =	vand.u32 $0xFFFFF000, v22;
	v22 =	vand.u32 $0xFFF, v12  }
0x20e: {  	v13 =	vand.u32 $0xFFF, v13;
	v20 =	vand.u32 $0xFFFFF000, v20;
	v39 =	vand.u32 $0xFFF, v5;
	v38 =	vld [tilespmem:s30+$0x0]  }
0x20f: {  	vm0 =	veq.s32 v14, $0x0;
	v13 =	vor.u32 v13, v20;
	v14 =	vshra.s32 v25, $0x1;
	v20 =	vld.idx.msk [tilespmem:v27+s23+$0x0], $0xffff  }
0x210: {  	v40 =	vshra.s32 v3, $0x1;
	v27 =	vand.u32 $0xFFFF0000, v2;
	v2 =	vshll.u32 v2, $0x10;
	v18 =	vld.idx.msk [tilespmem:v18+s23+$0x0], $0xffff  }
0x211: {  	vm2 =	veq.s32 v15, $0x0;
	v15 =	vand.u32 $0xFFF, v25;
	v2 =	vsel vm0, v2, v27;
	v27 =	vld [tilespmem:s30+$0xFFFFFF90]  }
0x212: {  	vm1 =	veq.s32 v6, $0x0;
	v14 =	vand.u32 $0xFFFFF000, v14;
	v25 =	vand.u32 $0xFFFF0000, v16  }
0x213: {  	vm0 =	veq.s32 v21, $0x0;
	v6 =	vshll.u32 v16, $0x10;
	v16 =	vand.u32 $0xFFFFF000, v36;
	v21 =	vld [tilespmem:s30+$0x50]  }
0x214: {  	v14 =	vor.u32 v15, v14;
	v15 =	vor.u32 v39, v17;
	v6 =	vsel vm0, v6, v25  }
0x215: {  	v17 =	vand.u32 $0xFFF, v8;
	v6 =	vadd.f32 v6, v38;
	v25 =	vand.u32 $0xFFFF0000, v20  }
0x216: {  	v36 =	vand.u32 $0xFFF, v3;
	v20 =	vshll.u32 v20, $0x10;
	v27 =	vadd.f32 v2, v27;
	v2 =	vld [tilespmem:s30+$0x30]  }
0x217: {  	vm3 =	veq.s32 v35, $0x0;
	vm0 =	veq.s32 v19, $0x0;
	[tilespmem:s30+$0x0] =	vst v6;
	v3 =	vld [tilespmem:s30+$0x40];
	v6 =	vsel vm1, v20, v25  }
0x218: {  	v19 =	vand.u32 $0xFFFFF000, v28;
	v20 =	vand.u32 $0xFFFFF000, v37;
	v13 =	vld.idx.msk [tilespmem:v13+s23+$0x0], $0xffff;
	[tilespmem:s30+$0xFFFFFF90] =	vst v27;
	v6 =	vadd.f32 v6, v21  }
0x219: {  	v5 =	vand.u32 $0x1000, v5;
	v19 =	vor.u32 v26, v19;
	v21 =	vand.u32 $0xFFFFF000, v29;
	v14 =	vld.idx.msk [tilespmem:v14+s23+$0x0], $0xffff  }
0x21a: {  	vm4 =	veq.s32 v5, $0x0;
	v25 =	vand.u32 $0xFFF, v0;
	v15 =	vld.idx.msk [tilespmem:v15+s23+$0x0], $0xffff;
	[tilespmem:s30+$0x50] =	vst v6;
	v6 =	vand.u32 $0x1000, v9  }
0x21b: {  	v26 =	vand.u32 $0xFFFF0000, v18;
	v20 =	vor.u32 v22, v20;
	v5 =	vld [tilespmem:s30+$0xFFFFFFA0];
	vm1 =	veq.s32 v6, $0x0  }
0x21c: {  	v16 =	vor.u32 v24, v16;
	v18 =	vshll.u32 v18, $0x10;
	v6 =	vand.u32 $0x1000, v8;
	v22 =	vld [tilespmem:s30+$0xFFFFFF80]  }
0x21d: {  	vm5 =	veq.s32 v23, $0x0;
	v23 =	vand.u32 $0xFFFFF000, v40;
	v9 =	vand.u32 $0xFFF, v9;
	v24 =	vld [tilespmem:s30+$0x20]  }
0x21e: {  	v23 =	vor.u32 v36, v23;
	v27 =	vor.u32 v31, v34;
	v9 =	vor.u32 v9, v30;
	v19 =	vld.idx.msk [tilespmem:v19+s23+$0x0], $0xffff  }
0x21f: {  	v28 =	vand.u32 $0xFFFF0000, v13;
	v13 =	vshll.u32 v13, $0x10;
	v29 =	vand.u32 $0xFFFF0000, v14;
	v30 =	vld [tilespmem:s30+$0xFFFFFFD0]  }
0x220: {  	v13 =	vsel vm5, v13, v28;
	v31 =	vand.u32 $0xFFFF0000, v15;
	v15 =	vshll.u32 v15, $0x10;
	v28 =	vld [tilespmem:s30+$0xFFFFFFB0]  }
0x221: {  	v21 =	vor.u32 v33, v21;
	v15 =	vsel vm4, v15, v31;
	v13 =	vadd.f32 v13, v22;
	v16 =	vld.idx.msk [tilespmem:v16+s23+$0x0], $0xffff  }
0x222: {  	v14 =	vshll.u32 v14, $0x10;
	v22 =	vand.u32 $0x1000, v12;
	v15 =	vadd.f32 v15, v24;
	v20 =	vld.idx.msk [tilespmem:v20+s23+$0x0], $0xffff  }
0x223: {  	v8 =	vshra.s32 v8, $0x1;
	vm4 =	veq.s32 v32, $0x0;
	v12 =	vsel vm3, v14, v29;
	[tilespmem:s30+$0xFFFFFF80] =	vst v13;
	v14 =	vld.idx.msk [tilespmem:v23+s23+$0x0], $0xffff  }
0x224: {  	v8 =	vand.u32 $0xFFFFF000, v8;
	v13 =	vand.u32 $0x1000, v7;
	v23 =	vshll.u32 v19, $0x10;
	[tilespmem:s30+$0x20] =	vst v15;
	v7 =	vld.idx.msk [tilespmem:v27+s23+$0x0], $0xffff  }
0x225: {  	v15 =	vor.u32 v17, v8;
	vm3 =	veq.s32 v13, $0x0;
	v13 =	vand.u32 $0xFFFF0000, v19;
	v8 =	vld.idx.msk [tilespmem:v9+s23+$0x0], $0xffff  }
0x226: {  	v10 =	vand.u32 $0xFFFFF000, v10;
	v9 =	vadd.f32 v12, v28;
	v12 =	vsel vm3, v23, v13;
	v17 =	vld.idx.msk [tilespmem:v21+s23+$0x0], $0xffff  }
0x227: {  	v10 =	vor.u32 v25, v10;
	v21 =	vand.u32 $0xFFFF0000, v16;
	v16 =	vshll.u32 v16, $0x10;
	v19 =	vld [tilespmem:s30+$0xFFFFFFE0]  }
0x228: {  	v4 =	vand.u32 $0x1000, v4;
	vm3 =	veq.s32 v11, $0x0;
	[tilespmem:s30+$0xFFFFFFB0] =	vst v9;
	v9 =	vadd.f32 v12, v30;
	v23 =	vld [tilespmem:s30+$0x10]  }
.Ltmp5:
0x229: {  	vm5 =	veq.s32 v22, $0x0;
	v12 =	vsel vm2, v18, v26;
	vm2 =	veq.s32 v4, $0x0;
	v13 =	vld [tilespmem:s30+$0x60];
	(pc) =	sbr.rel @p1 .LBB2_8-.Ltmp5, $4  }
0x22a: {  	v4 =	vand.u32 $0xFFFF0000, v14;
	v18 =	vsel vm2, v16, v21;
	v11 =	vld.idx.msk [tilespmem:v15+s23+$0x0], $0xffff;
	[tilespmem:s30+$0xFFFFFFD0] =	vst v9;
	v9 =	vshll.u32 v14, $0x10  }
0x22b: {  	v16 =	vand.u32 $0xFFFF0000, v20;
	v20 =	vshll.u32 v20, $0x10;
	v4 =	vsel vm4, v9, v4;
	v15 =	vld [tilespmem:s30+$0x70]  }
0x22c: {  	v14 =	vand.u32 $0xFFFF0000, v17;
	v4 =	vadd.f32 v4, v19;
	v9 =	vld.idx.msk [tilespmem:v10+s23+$0x0], $0xffff;
	v19 =	vsel vm5, v20, v16  }
0x22d: {  	s0 =	sadd.s32 $0x100, s0;
	v17 =	vshll.u32 v17, $0x10;
	v10 =	vand.u32 $0xFFFF0000, v7;
	v16 =	vld [tilespmem:s30+$0xFFFFFFF0];
	v18 =	vadd.f32 v18, v23  }
0x22e: {  	v20 =	vand.u32 $0xFFFF0000, v8  }
0x22f: {  	v8 =	vshll.u32 v8, $0x10;
	v13 =	vadd.f32 v19, v13;
	v5 =	vadd.f32 v12, v5  }
0x230: {  	v0 =	vand.u32 $0x1000, v0;
	[tilespmem:s31+$0xFFFFFFE0] =	vst v4;
	v8 =	vsel vm1, v8, v20;
	vm1 =	veq.s32 v6, $0x0  }
0x231: {  	[tilespmem:s31+$0x10] =	vst v18;
	v6 =	vadd.f32 v8, v15;
	v8 =	vand.u32 $0xFFFF0000, v11;
	v11 =	vshll.u32 v11, $0x10  }
0x232: {  	v12 =	vsel vm3, v17, v14;
	[tilespmem:s31+$0x60] =	vst v13;
	v8 =	vsel vm1, v11, v8;
	vm1 =	veq.s32 v0, $0x0  }
0x233: {  	[tilespmem:s31+$0xFFFFFFA0] =	vst v5;
	v4 =	vand.u32 $0xFFFF0000, v9;
	v0 =	vadd.f32 v8, v1;
	v1 =	vshll.u32 v7, $0x10  }
0x234: {  	v11 =	vadd.f32 v12, v16;
	[tilespmem:s31+$0x70] =	vst v6;
	v6 =	vshll.u32 v9, $0x10;
	v1 =	vsel vm0, v1, v10  }
0x235: {  	[tilespmem:s31+$0xFFFFFFC0] =	vst v0;
	v0 =	vsel vm1, v6, v4;
	v1 =	vadd.f32 v1, v3  }
0x236: {  	[tilespmem:s31+$0xFFFFFFF0] =	vst v11;
	v0 =	vadd.f32 v0, v2  }
0x237: {  	[tilespmem:s31+$0x40] =	vst v1  }
0x238: {  	[tilespmem:s31+$0x30] =	vst v0  }
0x239: {  	[tilespmem:s22], [sflag:$0x2] =	stream.strided.gather [hbm4b:s13+s19], $0x1000, s20, s19, $0x38;
	[tilespmem:$0x1D000] =	vst v63  }
0x23a: {  	_ = 	snop  }
0x23b: {  	[tilespmem:s23], [sflag:$0x2] =	stream.strided.gather [hbm4b:s14+s19], $0xD000, s20, s19, $0x38;
	[tilespmem:$0x1D000] =	vst v63  }
0x23c: {  	_ =	swait.ge [sflag:s24], $0x1000  }
0x23d: {  	[sflag:s24] =	ssyncset.done $0x0  }
0x23e: {  	[sflag:s24] =	ssyncadd.s32 $0xFFFFF000  }
0x23f: {  	_ =	swait.ge [sflag:s24], $0xD000  }
0x240: {  	[sflag:s24] =	ssyncset.done $0x0  }
0x241: {  	s0 =	simm.s32 $0x1A080;
	[sflag:s24] =	ssyncadd.s32 $0xFFFF3000  }
0x242: {  	v0 =	vld [tilespmem:s0+$0xFFFFFF90]  }
0x243: {  	v1 =	vld [tilespmem:s0+$0x0]  }
0x244: {  	v2 =	vld [tilespmem:s0+$0xFFFFFFA0]  }
0x245: {  	v3 =	vld [tilespmem:s0+$0x50]  }
0x246: {  	v5 =	vld [tilespmem:s0+$0xFFFFFF80]  }
0x247: {  	v6 =	vld [tilespmem:s0+$0x20]  }
0x248: {  	v4 =	vld [tilespmem:s0+$0x10]  }
0x249: {  	v10 =	vld [tilespmem:s0+$0x70]  }
0x24a: {  	v12 =	vld [tilespmem:s0+$0xFFFFFFF0]  }
0x24b: {  	v17 =	vld [tilespmem:s0+$0x40];
	v8 =	vand.u32 $0x1000, v0;
	v9 =	vshra.s32 v0, $0x1;
	v7 =	vshra.s32 v2, $0x1  }
0x24c: {  	v11 =	vand.u32 $0xFFF, v2;
	v13 =	vand.u32 $0xFFF, v0;
	v2 =	vand.u32 $0x1000, v2  }
0x24d: {  	v15 =	vshra.s32 v3, $0x1;
	v16 =	vand.u32 $0xFFF, v3;
	v18 =	vshra.s32 v5, $0x1  }
0x24e: {  	v36 =	vld [tilespmem:s0+$0xFFFFFFC0];
	v0 =	vshra.s32 v1, $0x1;
	v19 =	vshra.s32 v6, $0x1;
	v20 =	vand.u32 $0x1000, v5  }
0x24f: {  	v22 =	vand.u32 $0xFFF, v1;
	v23 =	vand.u32 $0xFFF, v4;
	v39 =	vshra.s32 v10, $0x1  }
0x250: {  	v1 =	vand.u32 $0x1000, v1;
	v27 =	vshra.s32 v12, $0x1;
	v29 =	vand.u32 $0xFFF, v17  }
0x251: {  	v3 =	vand.u32 $0x1000, v3;
	v31 =	vand.u32 $0xFFF, v12;
	v32 =	vshra.s32 v17, $0x1  }
0x252: {  	v24 =	vld [tilespmem:s0+$0xFFFFFFB0];
	v17 =	vand.u32 $0x1000, v17;
	v33 =	vshra.s32 v4, $0x1;
	v12 =	vand.u32 $0x1000, v12  }
0x253: {  	v5 =	vand.u32 $0xFFF, v5;
	v37 =	vand.u32 $0xFFF, v6;
	v43 =	vand.u32 $0xFFF, v36  }
0x254: {  	s30 =	simm.s32 $0x1C080;
	v4 =	vand.u32 $0x1000, v4;
	v14 =	vand.u32 $0xFFFFF000, v7;
	v9 =	vand.u32 $0xFFFFF000, v9  }
0x255: {  	v38 =	vld [tilespmem:s30+$0x0];
	v21 =	vand.u32 $0xFFFFF000, v0;
	v15 =	vand.u32 $0xFFFFF000, v15;
	v32 =	vand.u32 $0xFFFFF000, v32  }
0x256: {  	v7 =	vld [tilespmem:s0+$0xFFFFFFD0];
	v19 =	vand.u32 $0xFFFFF000, v19;
	v18 =	vand.u32 $0xFFFFF000, v18;
	vm0 =	veq.s32 v8, $0x0  }
0x257: {  	v0 =	vld [tilespmem:s0+$0x30];
	v8 =	vshra.s32 v24, $0x1;
	vm2 =	veq.s32 v2, $0x0;
	v9 =	vor.u32 v13, v9  }
0x258: {  	v2 =	vand.u32 $0xFFF, v24;
	vm1 =	veq.s32 v3, $0x0;
	v13 =	vld [tilespmem:s0+$0xFFFFFFE0];
	v21 =	vor.u32 v22, v21  }
0x259: {  	v41 =	vand.u32 $0xFFFFF000, v33;
	v46 =	vand.u32 $0xFFFFF000, v27;
	v15 =	vor.u32 v16, v15;
	v16 =	vld [tilespmem:s0+$0x60]  }
0x25a: {  	v42 =	vld [tilespmem:s30+$0x50];
	vm5 =	veq.s32 v20, $0x0;
	v22 =	vand.u32 $0xFFFFF000, v39;
	v11 =	vor.u32 v11, v14  }
0x25b: {  	v49 =	vld [tilespmem:s30+$0xFFFFFF80];
	v14 =	vand.u32 $0x1000, v24;
	v8 =	vand.u32 $0xFFFFF000, v8;
	v19 =	vor.u32 v37, v19  }
0x25c: {  	v5 =	vor.u32 v5, v18;
	v8 =	vor.u32 v2, v8;
	vm3 =	veq.s32 v14, $0x0;
	v9 =	vld.idx.msk [tilespmem:v9+s2+$0x0], $0xffff  }
0x25d: {  	v25 =	vand.u32 $0xFFF, v7;
	v26 =	vshra.s32 v7, $0x1;
	v28 =	vshra.s32 v0, $0x1;
	v21 =	vld.idx.msk [tilespmem:v21+s2+$0x0], $0xffff  }
0x25e: {  	v47 =	vand.u32 $0xFFF, v0;
	v30 =	vand.u32 $0x1000, v13;
	v34 =	vshra.s32 v16, $0x1;
	v15 =	vld.idx.msk [tilespmem:v15+s2+$0x0], $0xffff  }
0x25f: {  	v35 =	vand.u32 $0xFFF, v16;
	v39 =	vshra.s32 v13, $0x1;
	v11 =	vld.idx.msk [tilespmem:v11+s2+$0x0], $0xffff;
	v13 =	vand.u32 $0xFFF, v13  }
0x260: {  	v19 =	vld.idx.msk [tilespmem:v19+s2+$0x0], $0xffff;
	v16 =	vand.u32 $0x1000, v16;
	v59 =	vand.u32 $0xFFFFF000, v28;
	v20 =	vand.u32 $0xFFFFF000, v39  }
0x261: {  	v8 =	vld.idx.msk [tilespmem:v8+s2+$0x0], $0xffff;
	v13 =	vor.u32 v13, v20;
	v20 =	vor.u32 v29, v32;
	v18 =	vand.u32 $0xFFFF0000, v9  }
0x262: {  	v50 =	vld [tilespmem:s30+$0x20];
	v9 =	vshll.u32 v9, $0x10;
	v40 =	vand.u32 $0xFFFF0000, v21;
	v3 =	vshll.u32 v21, $0x10  }
0x263: {  	v45 =	vand.u32 $0xFFFF0000, v15;
	v15 =	vshll.u32 v15, $0x10;
	v9 =	vsel vm0, v9, v18;
	v18 =	vld [tilespmem:s30+$0xFFFFFF90]  }
0x264: {  	v53 =	vld [tilespmem:s30+$0xFFFFFFD0];
	v48 =	vand.u32 $0xFFFF0000, v11;
	v11 =	vshll.u32 v11, $0x10;
	v21 =	vor.u32 v23, v41  }
0x265: {  	v54 =	vld [tilespmem:s30+$0xFFFFFFB0];
	v55 =	vand.u32 $0xFFFF0000, v19;
	v19 =	vshll.u32 v19, $0x10;
	vm0 =	veq.s32 v1, $0x0  }
0x266: {  	v14 =	vsel vm1, v15, v45;
	v15 =	vld.idx.msk [tilespmem:v5+s2+$0x0], $0xffff;
	v5 =	vand.u32 $0xFFFFF000, v26;
	v52 =	vand.u32 $0xFFFF0000, v8  }
0x267: {  	v60 =	vld [tilespmem:s30+$0xFFFFFFE0];
	v8 =	vshll.u32 v8, $0x10;
	v2 =	vsel vm0, v3, v40;
	vm0 =	veq.s32 v17, $0x0  }
0x268: {  	v63 =	vld [tilespmem:s30+$0x10];
	v17 =	vand.u32 $0xFFFFF000, v34;
	v9 =	vadd.f32 v9, v18;
	v18 =	vor.u32 v25, v5  }
0x269: {  	v1 =	vld [tilespmem:s30+$0xFFFFFFC0];
	v56 =	vsel vm3, v8, v52;
	v8 =	vshra.s32 v36, $0x1;
	v17 =	vor.u32 v35, v17  }
0x26a: {  	v14 =	vadd.f32 v14, v42;
	v57 =	vld.idx.msk [tilespmem:v13+s2+$0x0], $0xffff;
	v13 =	vand.u32 $0x1000, v7;
	v8 =	vand.u32 $0xFFFFF000, v8  }
0x26b: {  	v7 =	vld.idx.msk [tilespmem:v20+s2+$0x0], $0xffff;
	v44 =	vadd.f32 v2, v38;
	vm3 =	veq.s32 v13, $0x0;
	v20 =	vor.u32 v43, v8  }
0x26c: {  	v21 =	vld.idx.msk [tilespmem:v21+s2+$0x0], $0xffff;
	v5 =	vand.u32 $0x1000, v6;
	v6 =	vand.u32 $0x1000, v10;
	v10 =	vand.u32 $0xFFF, v10  }
0x26d: {  	v51 =	vand.u32 $0xFFFF0000, v15;
	v15 =	vshll.u32 v15, $0x10;
	v10 =	vor.u32 v10, v22;
	v18 =	vld.idx.msk [tilespmem:v18+s2+$0x0], $0xffff  }
0x26e: {  	v25 =	vor.u32 v31, v46;
	vm4 =	veq.s32 v5, $0x0;
	vm1 =	veq.s32 v6, $0x0;
	v17 =	vld.idx.msk [tilespmem:v17+s2+$0x0], $0xffff  }
0x26f: {  	v3 =	vld [tilespmem:s30+$0x40];
	v6 =	vand.u32 $0x1000, v36;
	v15 =	vsel vm5, v15, v51;
	v22 =	vor.u32 v47, v59  }
0x270: {  	v2 =	vld [tilespmem:s30+$0x30];
	vm5 =	veq.s32 v16, $0x0;
	v15 =	vadd.f32 v15, v49;
	v19 =	vsel vm4, v19, v55  }
0x271: {  	v5 =	vld [tilespmem:s30+$0xFFFFFFA0];
	vm4 =	veq.s32 v30, $0x0;
	[tilespmem:s30+$0xFFFFFF90] =	vst v9;
	v9 =	vshll.u32 v57, $0x10;
	v19 =	vadd.f32 v19, v50  }
0x272: {  	v61 =	vand.u32 $0xFFFF0000, v21;
	v8 =	vld.idx.msk [tilespmem:v10+s2+$0x0], $0xffff;
	v58 =	vshll.u32 v18, $0x10;
	v13 =	vand.u32 $0xFFFF0000, v18  }
0x273: {  	[tilespmem:s30+$0x50] =	vst v14;
	v10 =	vadd.f32 v56, v54;
	v16 =	vand.u32 $0xFFFF0000, v17;
	v18 =	vld.idx.msk [tilespmem:v25+s2+$0x0], $0xffff;
	v13 =	vsel vm3, v58, v13  }
0x274: {  	[tilespmem:s30+$0x0] =	vst v44;
	v17 =	vshll.u32 v17, $0x10;
	vm3 =	veq.s32 v12, $0x0;
	v62 =	vadd.f32 v13, v53;
	v13 =	vld [tilespmem:s30+$0x60]  }
0x275: {  	[tilespmem:s30+$0xFFFFFF80] =	vst v15;
	v15 =	vld [tilespmem:s30+$0x70];
	v12 =	vsel vm2, v11, v48;
	vm2 =	veq.s32 v4, $0x0;
	v4 =	vand.u32 $0xFFFF0000, v57  }
0x276: {  	v21 =	vshll.u32 v21, $0x10;
	[tilespmem:s30+$0x20] =	vst v19;
	v19 =	vsel vm5, v17, v16;
	v11 =	vld.idx.msk [tilespmem:v20+s2+$0x0], $0xffff;
	v4 =	vsel vm4, v9, v4  }
0x277: {  	[tilespmem:s30+$0xFFFFFFB0] =	vst v10;
	v16 =	vld [tilespmem:s30+$0xFFFFFFF0];
	v10 =	vand.u32 $0xFFFF0000, v7;
	v20 =	vsel vm2, v21, v61;
	v4 =	vadd.f32 v4, v60  }
0x278: {  	s1 =	simm.s32 $0x0;
	s31 =	simm.s32 $0x1C080;
	s0 =	simm.s32 $0x1A180;
	v9 =	vld.idx.msk [tilespmem:v22+s2+$0x0], $0xffff;
	[tilespmem:s30+$0xFFFFFFD0] =	vst v62;
	v14 =	vand.u32 $0xFFFF0000, v18;
	v17 =	vshll.u32 v18, $0x10;
	v18 =	vadd.f32 v20, v63  }
.LBB2_10:
0x279: {  	v20 =	vld [tilespmem:s0+$0xFFFFFF90];
	s1 =	sadd.s32 $0x100, s1;
	v13 =	vadd.f32 v19, v13;
	v19 =	vand.u32 $0xFFFF0000, v8;
	v8 =	vshll.u32 v8, $0x10;
	s30 =	sadd.s32 $0x100, s30  }
0x27a: {  	v12 =	vadd.f32 v12, v5;
	vm2 =	veq.s32 v6, $0x0;
	v21 =	vld [tilespmem:s0+$0x0];
	p1 =	slt.u32 s1, $0xF00;
	v5 =	vsel vm1, v8, v19  }
0x27b: {  	v8 =	vand.u32 $0xFFFF0000, v11;
	v11 =	vshll.u32 v11, $0x10;
	v6 =	vld [tilespmem:s0+$0x50];
	[tilespmem:s31+$0x10] =	vst v18;
	v5 =	vadd.f32 v5, v15  }
0x27c: {  	v0 =	vand.u32 $0x1000, v0;
	v8 =	vsel vm2, v11, v8;
	v11 =	vsel vm3, v17, v14;
	v15 =	vld [tilespmem:s0+$0xFFFFFFA0];
	[tilespmem:s31+$0x60] =	vst v13  }
0x27d: {  	vm1 =	veq.s32 v0, $0x0;
	v0 =	vand.u32 $0xFFFF0000, v9;
	v13 =	vld [tilespmem:s0+$0xFFFFFF80];
	v11 =	vadd.f32 v11, v16;
	[tilespmem:s31+$0x70] =	vst v5  }
0x27e: {  	v1 =	vadd.f32 v8, v1;
	v14 =	vand.u32 $0x1000, v20;
	v16 =	vshra.s32 v20, $0x1;
	v5 =	vld [tilespmem:s0+$0x20];
	[tilespmem:s31+$0xFFFFFFE0] =	vst v4  }
0x27f: {  	v7 =	vshll.u32 v7, $0x10;
	v8 =	vshll.u32 v9, $0x10;
	v4 =	vld [tilespmem:s0+$0x10];
	[tilespmem:s31+$0xFFFFFFF0] =	vst v11  }
0x280: {  	v0 =	vsel vm1, v8, v0;
	v9 =	vld [tilespmem:s0+$0x70];
	[tilespmem:s31+$0xFFFFFFC0] =	vst v1;
	v1 =	vsel vm0, v7, v10  }
0x281: {  	v7 =	vshra.s32 v15, $0x1;
	v11 =	vand.u32 $0xFFF, v15;
	v17 =	vld [tilespmem:s0+$0xFFFFFFF0];
	[tilespmem:s31+$0xFFFFFFA0] =	vst v12;
	v1 =	vadd.f32 v1, v3  }
0x282: {  	v3 =	vand.u32 $0xFFF, v20;
	v15 =	vand.u32 $0x1000, v15;
	v18 =	vand.u32 $0xFFFFF000, v7;
	v7 =	vld [tilespmem:s0+$0xFFFFFFD0]  }
0x283: {  	v2 =	vadd.f32 v0, v2;
	v10 =	vshra.s32 v6, $0x1;
	v12 =	vand.u32 $0xFFF, v6;
	v19 =	vld [tilespmem:s0+$0x40];
	[tilespmem:s31+$0x40] =	vst v1  }
0x284: {  	v0 =	vshra.s32 v21, $0x1;
	v20 =	vshra.s32 v13, $0x1;
	v22 =	vshra.s32 v5, $0x1;
	v8 =	vld [tilespmem:s0+$0xFFFFFFC0]  }
0x285: {  	v23 =	vand.u32 $0x1000, v13;
	v1 =	vand.u32 $0xFFFFF000, v16;
	v16 =	vand.u32 $0xFFFFF000, v0;
	v0 =	vld [tilespmem:s0+$0x30];
	[tilespmem:s31+$0x30] =	vst v2;
	s31 =	smov.u32 s30  }
0x286: {  	v24 =	vand.u32 $0xFFF, v4;
	v2 =	vor.u32 v3, v1;
	v1 =	vand.u32 $0xFFF, v21;
	v3 =	vld [tilespmem:s0+$0xFFFFFFE0]  }
0x287: {  	v16 =	vor.u32 v1, v16;
	v1 =	vand.u32 $0xFFFFF000, v10;
	v10 =	vshra.s32 v9, $0x1;
	v25 =	vld [tilespmem:s0+$0xFFFFFFB0]  }
0x288: {  	v21 =	vand.u32 $0x1000, v21;
	v26 =	vand.u32 $0xFFF, v7;
	v27 =	vor.u32 v12, v1;
	v12 =	vld [tilespmem:s0+$0x60]  }
0x289: {  	v29 =	vshra.s32 v17, $0x1;
	v28 =	vshra.s32 v7, $0x1;
	v30 =	vand.u32 $0xFFFFF000, v10;
	v1 =	vld [tilespmem:s30+$0xFFFFFFC0]  }
0x28a: {  	v6 =	vand.u32 $0x1000, v6;
	v31 =	vand.u32 $0xFFF, v19;
	v10 =	vshra.s32 v0, $0x1  }
0x28b: {  	v33 =	vand.u32 $0xFFF, v17;
	v34 =	vshra.s32 v19, $0x1;
	v2 =	vld.idx.msk [tilespmem:v2+s2+$0x0], $0xffff;
	v32 =	vand.u32 $0x1000, v3  }
0x28c: {  	v18 =	vor.u32 v11, v18;
	v19 =	vand.u32 $0x1000, v19;
	v35 =	vand.u32 $0x1000, v25;
	v16 =	vld.idx.msk [tilespmem:v16+s2+$0x0], $0xffff  }
0x28d: {  	v36 =	vshra.s32 v4, $0x1;
	v34 =	vand.u32 $0xFFFFF000, v34;
	v37 =	vshra.s32 v12, $0x1  }
0x28e: {  	v11 =	vand.u32 $0x1000, v17;
	v17 =	vand.u32 $0xFFFFF000, v22;
	v22 =	vand.u32 $0xFFF, v12  }
0x28f: {  	v13 =	vand.u32 $0xFFF, v13;
	v20 =	vand.u32 $0xFFFFF000, v20;
	v39 =	vand.u32 $0xFFF, v5;
	v38 =	vld [tilespmem:s30+$0x0]  }
0x290: {  	vm0 =	veq.s32 v14, $0x0;
	v13 =	vor.u32 v13, v20;
	v14 =	vshra.s32 v25, $0x1;
	v20 =	vld.idx.msk [tilespmem:v27+s2+$0x0], $0xffff  }
0x291: {  	v40 =	vshra.s32 v3, $0x1;
	v27 =	vand.u32 $0xFFFF0000, v2;
	v2 =	vshll.u32 v2, $0x10;
	v18 =	vld.idx.msk [tilespmem:v18+s2+$0x0], $0xffff  }
0x292: {  	vm2 =	veq.s32 v15, $0x0;
	v15 =	vand.u32 $0xFFF, v25;
	v2 =	vsel vm0, v2, v27;
	v27 =	vld [tilespmem:s30+$0xFFFFFF90]  }
0x293: {  	vm1 =	veq.s32 v6, $0x0;
	v14 =	vand.u32 $0xFFFFF000, v14;
	v25 =	vand.u32 $0xFFFF0000, v16  }
0x294: {  	vm0 =	veq.s32 v21, $0x0;
	v6 =	vshll.u32 v16, $0x10;
	v16 =	vand.u32 $0xFFFFF000, v36;
	v21 =	vld [tilespmem:s30+$0x50]  }
0x295: {  	v14 =	vor.u32 v15, v14;
	v15 =	vor.u32 v39, v17;
	v6 =	vsel vm0, v6, v25  }
0x296: {  	v17 =	vand.u32 $0xFFF, v8;
	v6 =	vadd.f32 v6, v38;
	v25 =	vand.u32 $0xFFFF0000, v20  }
0x297: {  	v36 =	vand.u32 $0xFFF, v3;
	v20 =	vshll.u32 v20, $0x10;
	v27 =	vadd.f32 v2, v27;
	v2 =	vld [tilespmem:s30+$0x30]  }
0x298: {  	vm3 =	veq.s32 v35, $0x0;
	vm0 =	veq.s32 v19, $0x0;
	[tilespmem:s30+$0x0] =	vst v6;
	v3 =	vld [tilespmem:s30+$0x40];
	v6 =	vsel vm1, v20, v25  }
0x299: {  	v19 =	vand.u32 $0xFFFFF000, v28;
	v20 =	vand.u32 $0xFFFFF000, v37;
	v13 =	vld.idx.msk [tilespmem:v13+s2+$0x0], $0xffff;
	[tilespmem:s30+$0xFFFFFF90] =	vst v27;
	v6 =	vadd.f32 v6, v21  }
0x29a: {  	v5 =	vand.u32 $0x1000, v5;
	v19 =	vor.u32 v26, v19;
	v21 =	vand.u32 $0xFFFFF000, v29;
	v14 =	vld.idx.msk [tilespmem:v14+s2+$0x0], $0xffff  }
0x29b: {  	vm4 =	veq.s32 v5, $0x0;
	v25 =	vand.u32 $0xFFF, v0;
	v15 =	vld.idx.msk [tilespmem:v15+s2+$0x0], $0xffff;
	[tilespmem:s30+$0x50] =	vst v6;
	v6 =	vand.u32 $0x1000, v9  }
0x29c: {  	v26 =	vand.u32 $0xFFFF0000, v18;
	v20 =	vor.u32 v22, v20;
	v5 =	vld [tilespmem:s30+$0xFFFFFFA0];
	vm1 =	veq.s32 v6, $0x0  }
0x29d: {  	v16 =	vor.u32 v24, v16;
	v18 =	vshll.u32 v18, $0x10;
	v6 =	vand.u32 $0x1000, v8;
	v22 =	vld [tilespmem:s30+$0xFFFFFF80]  }
0x29e: {  	vm5 =	veq.s32 v23, $0x0;
	v23 =	vand.u32 $0xFFFFF000, v40;
	v9 =	vand.u32 $0xFFF, v9;
	v24 =	vld [tilespmem:s30+$0x20]  }
0x29f: {  	v23 =	vor.u32 v36, v23;
	v27 =	vor.u32 v31, v34;
	v9 =	vor.u32 v9, v30;
	v19 =	vld.idx.msk [tilespmem:v19+s2+$0x0], $0xffff  }
0x2a0: {  	v28 =	vand.u32 $0xFFFF0000, v13;
	v13 =	vshll.u32 v13, $0x10;
	v29 =	vand.u32 $0xFFFF0000, v14;
	v30 =	vld [tilespmem:s30+$0xFFFFFFD0]  }
0x2a1: {  	v13 =	vsel vm5, v13, v28;
	v31 =	vand.u32 $0xFFFF0000, v15;
	v15 =	vshll.u32 v15, $0x10;
	v28 =	vld [tilespmem:s30+$0xFFFFFFB0]  }
0x2a2: {  	v21 =	vor.u32 v33, v21;
	v15 =	vsel vm4, v15, v31;
	v13 =	vadd.f32 v13, v22;
	v16 =	vld.idx.msk [tilespmem:v16+s2+$0x0], $0xffff  }
0x2a3: {  	v14 =	vshll.u32 v14, $0x10;
	v22 =	vand.u32 $0x1000, v12;
	v15 =	vadd.f32 v15, v24;
	v20 =	vld.idx.msk [tilespmem:v20+s2+$0x0], $0xffff  }
0x2a4: {  	v8 =	vshra.s32 v8, $0x1;
	vm4 =	veq.s32 v32, $0x0;
	v12 =	vsel vm3, v14, v29;
	[tilespmem:s30+$0xFFFFFF80] =	vst v13;
	v14 =	vld.idx.msk [tilespmem:v23+s2+$0x0], $0xffff  }
0x2a5: {  	v8 =	vand.u32 $0xFFFFF000, v8;
	v13 =	vand.u32 $0x1000, v7;
	v23 =	vshll.u32 v19, $0x10;
	[tilespmem:s30+$0x20] =	vst v15;
	v7 =	vld.idx.msk [tilespmem:v27+s2+$0x0], $0xffff  }
0x2a6: {  	v15 =	vor.u32 v17, v8;
	vm3 =	veq.s32 v13, $0x0;
	v13 =	vand.u32 $0xFFFF0000, v19;
	v8 =	vld.idx.msk [tilespmem:v9+s2+$0x0], $0xffff  }
0x2a7: {  	v10 =	vand.u32 $0xFFFFF000, v10;
	v9 =	vadd.f32 v12, v28;
	v12 =	vsel vm3, v23, v13;
	v17 =	vld.idx.msk [tilespmem:v21+s2+$0x0], $0xffff  }
0x2a8: {  	v10 =	vor.u32 v25, v10;
	v21 =	vand.u32 $0xFFFF0000, v16;
	v16 =	vshll.u32 v16, $0x10;
	v19 =	vld [tilespmem:s30+$0xFFFFFFE0]  }
0x2a9: {  	v4 =	vand.u32 $0x1000, v4;
	vm3 =	veq.s32 v11, $0x0;
	[tilespmem:s30+$0xFFFFFFB0] =	vst v9;
	v9 =	vadd.f32 v12, v30;
	v23 =	vld [tilespmem:s30+$0x10]  }
.Ltmp6:
0x2aa: {  	vm5 =	veq.s32 v22, $0x0;
	v12 =	vsel vm2, v18, v26;
	vm2 =	veq.s32 v4, $0x0;
	v13 =	vld [tilespmem:s30+$0x60];
	(pc) =	sbr.rel @p1 .LBB2_10-.Ltmp6, $4  }
0x2ab: {  	v4 =	vand.u32 $0xFFFF0000, v14;
	v18 =	vsel vm2, v16, v21;
	v11 =	vld.idx.msk [tilespmem:v15+s2+$0x0], $0xffff;
	[tilespmem:s30+$0xFFFFFFD0] =	vst v9;
	v9 =	vshll.u32 v14, $0x10  }
0x2ac: {  	v16 =	vand.u32 $0xFFFF0000, v20;
	v20 =	vshll.u32 v20, $0x10;
	v4 =	vsel vm4, v9, v4;
	v15 =	vld [tilespmem:s30+$0x70]  }
0x2ad: {  	v14 =	vand.u32 $0xFFFF0000, v17;
	v4 =	vadd.f32 v4, v19;
	v9 =	vld.idx.msk [tilespmem:v10+s2+$0x0], $0xffff;
	v19 =	vsel vm5, v20, v16  }
0x2ae: {  	s0 =	sadd.s32 $0x100, s0;
	v17 =	vshll.u32 v17, $0x10;
	v10 =	vand.u32 $0xFFFF0000, v7;
	v16 =	vld [tilespmem:s30+$0xFFFFFFF0];
	v18 =	vadd.f32 v18, v23  }
0x2af: {  	v20 =	vand.u32 $0xFFFF0000, v8  }
0x2b0: {  	v8 =	vshll.u32 v8, $0x10;
	v13 =	vadd.f32 v19, v13;
	v5 =	vadd.f32 v12, v5  }
0x2b1: {  	v0 =	vand.u32 $0x1000, v0;
	[tilespmem:s31+$0xFFFFFFE0] =	vst v4;
	v8 =	vsel vm1, v8, v20;
	vm1 =	veq.s32 v6, $0x0  }
0x2b2: {  	[tilespmem:s31+$0x10] =	vst v18;
	v6 =	vadd.f32 v8, v15;
	v8 =	vand.u32 $0xFFFF0000, v11;
	v11 =	vshll.u32 v11, $0x10  }
0x2b3: {  	v12 =	vsel vm3, v17, v14;
	[tilespmem:s31+$0x60] =	vst v13;
	v8 =	vsel vm1, v11, v8;
	vm1 =	veq.s32 v0, $0x0  }
0x2b4: {  	[tilespmem:s31+$0xFFFFFFA0] =	vst v5;
	v4 =	vand.u32 $0xFFFF0000, v9;
	v0 =	vadd.f32 v8, v1;
	v1 =	vshll.u32 v7, $0x10  }
0x2b5: {  	v11 =	vadd.f32 v12, v16;
	[tilespmem:s31+$0x70] =	vst v6;
	v6 =	vshll.u32 v9, $0x10;
	v1 =	vsel vm0, v1, v10  }
0x2b6: {  	[tilespmem:s31+$0xFFFFFFC0] =	vst v0;
	v0 =	vsel vm1, v6, v4;
	v1 =	vadd.f32 v1, v3  }
0x2b7: {  	[tilespmem:s31+$0xFFFFFFF0] =	vst v11;
	v0 =	vadd.f32 v0, v2  }
0x2b8: {  	[tilespmem:s31+$0x40] =	vst v1  }
0x2b9: {  	s0 =	simm.s32 @!p0 $0x80;
	s1 =	simm.s32 @!p0 $0x400;
	s30 =	simm.s32 @!p0 $0x1A000;
	[tilespmem:s31+$0x30] =	vst v0  }
0x2ba: {  	[tilespmem:s30], [sflag:$0x1] =	stream.strided.gather @!p0 [hbm4b:s15+s0], $0x1000, s1, s0, $0x38;
	[tilespmem:$0x1D000] =	vst v63  }
0x2bb: {  	s30 =	simm.s32 @!p0 $0x0  }
0x2bc: {  	[tilespmem:s30], [sflag:$0x1] =	stream.strided.gather @!p0 [hbm4b:s16+s0], $0xD000, s1, s0, $0x38;
	[tilespmem:$0x1D000] =	vst v63  }
0x2bd: {  	_ =	swait.ge [sflag:s25], $0x1000  }
0x2be: {  	[sflag:s25] =	ssyncset.done $0x0  }
0x2bf: {  	[sflag:s25] =	ssyncadd.s32 $0xFFFFF000  }
0x2c0: {  	_ =	swait.ge [sflag:s25], $0xD000  }
0x2c1: {  	[sflag:s25] =	ssyncset.done $0x0  }
0x2c2: {  	s1 =	simm.s32 $0x1B080;
	[sflag:s25] =	ssyncadd.s32 $0xFFFF3000  }
0x2c3: {  	v0 =	vld [tilespmem:s1+$0xFFFFFF90]  }
0x2c4: {  	v1 =	vld [tilespmem:s1+$0x0]  }
0x2c5: {  	v2 =	vld [tilespmem:s1+$0xFFFFFFA0]  }
0x2c6: {  	v3 =	vld [tilespmem:s1+$0x50]  }
0x2c7: {  	v5 =	vld [tilespmem:s1+$0xFFFFFF80]  }
0x2c8: {  	v6 =	vld [tilespmem:s1+$0x20]  }
0x2c9: {  	v4 =	vld [tilespmem:s1+$0x10]  }
0x2ca: {  	v10 =	vld [tilespmem:s1+$0x70]  }
0x2cb: {  	v12 =	vld [tilespmem:s1+$0xFFFFFFF0]  }
0x2cc: {  	v17 =	vld [tilespmem:s1+$0x40];
	v8 =	vand.u32 $0x1000, v0;
	v9 =	vshra.s32 v0, $0x1;
	v7 =	vshra.s32 v2, $0x1  }
0x2cd: {  	v11 =	vand.u32 $0xFFF, v2;
	v13 =	vand.u32 $0xFFF, v0;
	v2 =	vand.u32 $0x1000, v2  }
0x2ce: {  	v15 =	vshra.s32 v3, $0x1;
	v16 =	vand.u32 $0xFFF, v3;
	v18 =	vshra.s32 v5, $0x1  }
0x2cf: {  	v36 =	vld [tilespmem:s1+$0xFFFFFFC0];
	v0 =	vshra.s32 v1, $0x1;
	v19 =	vshra.s32 v6, $0x1;
	v20 =	vand.u32 $0x1000, v5  }
0x2d0: {  	v22 =	vand.u32 $0xFFF, v1;
	v23 =	vand.u32 $0xFFF, v4;
	v39 =	vshra.s32 v10, $0x1  }
0x2d1: {  	v1 =	vand.u32 $0x1000, v1;
	v27 =	vshra.s32 v12, $0x1;
	v29 =	vand.u32 $0xFFF, v17  }
0x2d2: {  	v3 =	vand.u32 $0x1000, v3;
	v31 =	vand.u32 $0xFFF, v12;
	v32 =	vshra.s32 v17, $0x1  }
0x2d3: {  	v24 =	vld [tilespmem:s1+$0xFFFFFFB0];
	v17 =	vand.u32 $0x1000, v17;
	v33 =	vshra.s32 v4, $0x1;
	v12 =	vand.u32 $0x1000, v12  }
0x2d4: {  	v5 =	vand.u32 $0xFFF, v5;
	v37 =	vand.u32 $0xFFF, v6;
	v43 =	vand.u32 $0xFFF, v36  }
0x2d5: {  	s30 =	simm.s32 $0x1C080;
	v4 =	vand.u32 $0x1000, v4;
	v14 =	vand.u32 $0xFFFFF000, v7;
	v9 =	vand.u32 $0xFFFFF000, v9  }
0x2d6: {  	v38 =	vld [tilespmem:s30+$0x0];
	v21 =	vand.u32 $0xFFFFF000, v0;
	v15 =	vand.u32 $0xFFFFF000, v15;
	v32 =	vand.u32 $0xFFFFF000, v32  }
0x2d7: {  	v7 =	vld [tilespmem:s1+$0xFFFFFFD0];
	v19 =	vand.u32 $0xFFFFF000, v19;
	v18 =	vand.u32 $0xFFFFF000, v18;
	vm0 =	veq.s32 v8, $0x0  }
0x2d8: {  	v0 =	vld [tilespmem:s1+$0x30];
	v8 =	vshra.s32 v24, $0x1;
	vm2 =	veq.s32 v2, $0x0;
	v9 =	vor.u32 v13, v9  }
0x2d9: {  	v2 =	vand.u32 $0xFFF, v24;
	vm1 =	veq.s32 v3, $0x0;
	v13 =	vld [tilespmem:s1+$0xFFFFFFE0];
	v21 =	vor.u32 v22, v21  }
0x2da: {  	v41 =	vand.u32 $0xFFFFF000, v33;
	v46 =	vand.u32 $0xFFFFF000, v27;
	v15 =	vor.u32 v16, v15;
	v16 =	vld [tilespmem:s1+$0x60]  }
0x2db: {  	v42 =	vld [tilespmem:s30+$0x50];
	vm5 =	veq.s32 v20, $0x0;
	v22 =	vand.u32 $0xFFFFF000, v39;
	v11 =	vor.u32 v11, v14  }
0x2dc: {  	v49 =	vld [tilespmem:s30+$0xFFFFFF80];
	v14 =	vand.u32 $0x1000, v24;
	v8 =	vand.u32 $0xFFFFF000, v8;
	v19 =	vor.u32 v37, v19  }
0x2dd: {  	v5 =	vor.u32 v5, v18;
	v8 =	vor.u32 v2, v8;
	vm3 =	veq.s32 v14, $0x0;
	v9 =	vld.idx.msk [tilespmem:v9+s23+$0x0], $0xffff  }
0x2de: {  	v25 =	vand.u32 $0xFFF, v7;
	v26 =	vshra.s32 v7, $0x1;
	v28 =	vshra.s32 v0, $0x1;
	v21 =	vld.idx.msk [tilespmem:v21+s23+$0x0], $0xffff  }
0x2df: {  	v47 =	vand.u32 $0xFFF, v0;
	v30 =	vand.u32 $0x1000, v13;
	v34 =	vshra.s32 v16, $0x1;
	v15 =	vld.idx.msk [tilespmem:v15+s23+$0x0], $0xffff  }
0x2e0: {  	v35 =	vand.u32 $0xFFF, v16;
	v39 =	vshra.s32 v13, $0x1;
	v11 =	vld.idx.msk [tilespmem:v11+s23+$0x0], $0xffff;
	v13 =	vand.u32 $0xFFF, v13  }
0x2e1: {  	v19 =	vld.idx.msk [tilespmem:v19+s23+$0x0], $0xffff;
	v16 =	vand.u32 $0x1000, v16;
	v59 =	vand.u32 $0xFFFFF000, v28;
	v20 =	vand.u32 $0xFFFFF000, v39  }
0x2e2: {  	v8 =	vld.idx.msk [tilespmem:v8+s23+$0x0], $0xffff;
	v13 =	vor.u32 v13, v20;
	v20 =	vor.u32 v29, v32;
	v18 =	vand.u32 $0xFFFF0000, v9  }
0x2e3: {  	v50 =	vld [tilespmem:s30+$0x20];
	v9 =	vshll.u32 v9, $0x10;
	v40 =	vand.u32 $0xFFFF0000, v21;
	v3 =	vshll.u32 v21, $0x10  }
0x2e4: {  	v45 =	vand.u32 $0xFFFF0000, v15;
	v15 =	vshll.u32 v15, $0x10;
	v9 =	vsel vm0, v9, v18;
	v18 =	vld [tilespmem:s30+$0xFFFFFF90]  }
0x2e5: {  	v53 =	vld [tilespmem:s30+$0xFFFFFFD0];
	v48 =	vand.u32 $0xFFFF0000, v11;
	v11 =	vshll.u32 v11, $0x10;
	v21 =	vor.u32 v23, v41  }
0x2e6: {  	v54 =	vld [tilespmem:s30+$0xFFFFFFB0];
	v55 =	vand.u32 $0xFFFF0000, v19;
	v19 =	vshll.u32 v19, $0x10;
	vm0 =	veq.s32 v1, $0x0  }
0x2e7: {  	v14 =	vsel vm1, v15, v45;
	v15 =	vld.idx.msk [tilespmem:v5+s23+$0x0], $0xffff;
	v5 =	vand.u32 $0xFFFFF000, v26;
	v52 =	vand.u32 $0xFFFF0000, v8  }
0x2e8: {  	v60 =	vld [tilespmem:s30+$0xFFFFFFE0];
	v8 =	vshll.u32 v8, $0x10;
	v2 =	vsel vm0, v3, v40;
	vm0 =	veq.s32 v17, $0x0  }
0x2e9: {  	v63 =	vld [tilespmem:s30+$0x10];
	v17 =	vand.u32 $0xFFFFF000, v34;
	v9 =	vadd.f32 v9, v18;
	v18 =	vor.u32 v25, v5  }
0x2ea: {  	v1 =	vld [tilespmem:s30+$0xFFFFFFC0];
	v56 =	vsel vm3, v8, v52;
	v8 =	vshra.s32 v36, $0x1;
	v17 =	vor.u32 v35, v17  }
0x2eb: {  	v14 =	vadd.f32 v14, v42;
	v57 =	vld.idx.msk [tilespmem:v13+s23+$0x0], $0xffff;
	v13 =	vand.u32 $0x1000, v7;
	v8 =	vand.u32 $0xFFFFF000, v8  }
0x2ec: {  	v7 =	vld.idx.msk [tilespmem:v20+s23+$0x0], $0xffff;
	v44 =	vadd.f32 v2, v38;
	vm3 =	veq.s32 v13, $0x0;
	v20 =	vor.u32 v43, v8  }
0x2ed: {  	v21 =	vld.idx.msk [tilespmem:v21+s23+$0x0], $0xffff;
	v5 =	vand.u32 $0x1000, v6;
	v6 =	vand.u32 $0x1000, v10;
	v10 =	vand.u32 $0xFFF, v10  }
0x2ee: {  	v51 =	vand.u32 $0xFFFF0000, v15;
	v15 =	vshll.u32 v15, $0x10;
	v10 =	vor.u32 v10, v22;
	v18 =	vld.idx.msk [tilespmem:v18+s23+$0x0], $0xffff  }
0x2ef: {  	v25 =	vor.u32 v31, v46;
	vm4 =	veq.s32 v5, $0x0;
	vm1 =	veq.s32 v6, $0x0;
	v17 =	vld.idx.msk [tilespmem:v17+s23+$0x0], $0xffff  }
0x2f0: {  	v3 =	vld [tilespmem:s30+$0x40];
	v6 =	vand.u32 $0x1000, v36;
	v15 =	vsel vm5, v15, v51;
	v22 =	vor.u32 v47, v59  }
0x2f1: {  	v2 =	vld [tilespmem:s30+$0x30];
	vm5 =	veq.s32 v16, $0x0;
	v15 =	vadd.f32 v15, v49;
	v19 =	vsel vm4, v19, v55  }
0x2f2: {  	v5 =	vld [tilespmem:s30+$0xFFFFFFA0];
	vm4 =	veq.s32 v30, $0x0;
	[tilespmem:s30+$0xFFFFFF90] =	vst v9;
	v9 =	vshll.u32 v57, $0x10;
	v19 =	vadd.f32 v19, v50  }
0x2f3: {  	v61 =	vand.u32 $0xFFFF0000, v21;
	v8 =	vld.idx.msk [tilespmem:v10+s23+$0x0], $0xffff;
	v58 =	vshll.u32 v18, $0x10;
	v13 =	vand.u32 $0xFFFF0000, v18  }
0x2f4: {  	[tilespmem:s30+$0x50] =	vst v14;
	v10 =	vadd.f32 v56, v54;
	v16 =	vand.u32 $0xFFFF0000, v17;
	v18 =	vld.idx.msk [tilespmem:v25+s23+$0x0], $0xffff;
	v13 =	vsel vm3, v58, v13  }
0x2f5: {  	[tilespmem:s30+$0x0] =	vst v44;
	v17 =	vshll.u32 v17, $0x10;
	vm3 =	veq.s32 v12, $0x0;
	v62 =	vadd.f32 v13, v53;
	v13 =	vld [tilespmem:s30+$0x60]  }
0x2f6: {  	[tilespmem:s30+$0xFFFFFF80] =	vst v15;
	v15 =	vld [tilespmem:s30+$0x70];
	v12 =	vsel vm2, v11, v48;
	vm2 =	veq.s32 v4, $0x0;
	v4 =	vand.u32 $0xFFFF0000, v57  }
0x2f7: {  	v21 =	vshll.u32 v21, $0x10;
	[tilespmem:s30+$0x20] =	vst v19;
	v19 =	vsel vm5, v17, v16;
	v11 =	vld.idx.msk [tilespmem:v20+s23+$0x0], $0xffff;
	v4 =	vsel vm4, v9, v4  }
0x2f8: {  	[tilespmem:s30+$0xFFFFFFB0] =	vst v10;
	v16 =	vld [tilespmem:s30+$0xFFFFFFF0];
	v10 =	vand.u32 $0xFFFF0000, v7;
	v20 =	vsel vm2, v21, v61;
	v4 =	vadd.f32 v4, v60  }
0x2f9: {  	s31 =	simm.s32 $0x1C080;
	s0 =	simm.s32 $0x1B180;
	s1 =	simm.s32 $0x0;
	v9 =	vld.idx.msk [tilespmem:v22+s23+$0x0], $0xffff;
	[tilespmem:s30+$0xFFFFFFD0] =	vst v62;
	v14 =	vand.u32 $0xFFFF0000, v18;
	v17 =	vshll.u32 v18, $0x10;
	v18 =	vadd.f32 v20, v63  }
.LBB2_12:
0x2fa: {  	v20 =	vld [tilespmem:s0+$0xFFFFFF90];
	s1 =	sadd.s32 $0x100, s1;
	v13 =	vadd.f32 v19, v13;
	v19 =	vand.u32 $0xFFFF0000, v8;
	v8 =	vshll.u32 v8, $0x10;
	s30 =	sadd.s32 $0x100, s30  }
0x2fb: {  	v12 =	vadd.f32 v12, v5;
	vm2 =	veq.s32 v6, $0x0;
	v21 =	vld [tilespmem:s0+$0x0];
	p1 =	slt.u32 s1, $0xF00;
	v5 =	vsel vm1, v8, v19  }
0x2fc: {  	v8 =	vand.u32 $0xFFFF0000, v11;
	v11 =	vshll.u32 v11, $0x10;
	v6 =	vld [tilespmem:s0+$0x50];
	[tilespmem:s31+$0x10] =	vst v18;
	v5 =	vadd.f32 v5, v15  }
0x2fd: {  	v0 =	vand.u32 $0x1000, v0;
	v8 =	vsel vm2, v11, v8;
	v11 =	vsel vm3, v17, v14;
	v15 =	vld [tilespmem:s0+$0xFFFFFFA0];
	[tilespmem:s31+$0x60] =	vst v13  }
0x2fe: {  	vm1 =	veq.s32 v0, $0x0;
	v0 =	vand.u32 $0xFFFF0000, v9;
	v13 =	vld [tilespmem:s0+$0xFFFFFF80];
	v11 =	vadd.f32 v11, v16;
	[tilespmem:s31+$0x70] =	vst v5  }
0x2ff: {  	v1 =	vadd.f32 v8, v1;
	v14 =	vand.u32 $0x1000, v20;
	v16 =	vshra.s32 v20, $0x1;
	v5 =	vld [tilespmem:s0+$0x20];
	[tilespmem:s31+$0xFFFFFFE0] =	vst v4  }
0x300: {  	v7 =	vshll.u32 v7, $0x10;
	v8 =	vshll.u32 v9, $0x10;
	v4 =	vld [tilespmem:s0+$0x10];
	[tilespmem:s31+$0xFFFFFFF0] =	vst v11  }
0x301: {  	v0 =	vsel vm1, v8, v0;
	v9 =	vld [tilespmem:s0+$0x70];
	[tilespmem:s31+$0xFFFFFFC0] =	vst v1;
	v1 =	vsel vm0, v7, v10  }
0x302: {  	v7 =	vshra.s32 v15, $0x1;
	v11 =	vand.u32 $0xFFF, v15;
	v17 =	vld [tilespmem:s0+$0xFFFFFFF0];
	[tilespmem:s31+$0xFFFFFFA0] =	vst v12;
	v1 =	vadd.f32 v1, v3  }
0x303: {  	v3 =	vand.u32 $0xFFF, v20;
	v15 =	vand.u32 $0x1000, v15;
	v18 =	vand.u32 $0xFFFFF000, v7;
	v7 =	vld [tilespmem:s0+$0xFFFFFFD0]  }
0x304: {  	v2 =	vadd.f32 v0, v2;
	v10 =	vshra.s32 v6, $0x1;
	v12 =	vand.u32 $0xFFF, v6;
	v19 =	vld [tilespmem:s0+$0x40];
	[tilespmem:s31+$0x40] =	vst v1  }
0x305: {  	v0 =	vshra.s32 v21, $0x1;
	v20 =	vshra.s32 v13, $0x1;
	v22 =	vshra.s32 v5, $0x1;
	v8 =	vld [tilespmem:s0+$0xFFFFFFC0]  }
0x306: {  	v23 =	vand.u32 $0x1000, v13;
	v1 =	vand.u32 $0xFFFFF000, v16;
	v16 =	vand.u32 $0xFFFFF000, v0;
	v0 =	vld [tilespmem:s0+$0x30];
	[tilespmem:s31+$0x30] =	vst v2;
	s31 =	smov.u32 s30  }
0x307: {  	v24 =	vand.u32 $0xFFF, v4;
	v2 =	vor.u32 v3, v1;
	v1 =	vand.u32 $0xFFF, v21;
	v3 =	vld [tilespmem:s0+$0xFFFFFFE0]  }
0x308: {  	v16 =	vor.u32 v1, v16;
	v1 =	vand.u32 $0xFFFFF000, v10;
	v10 =	vshra.s32 v9, $0x1;
	v25 =	vld [tilespmem:s0+$0xFFFFFFB0]  }
0x309: {  	v21 =	vand.u32 $0x1000, v21;
	v26 =	vand.u32 $0xFFF, v7;
	v27 =	vor.u32 v12, v1;
	v12 =	vld [tilespmem:s0+$0x60]  }
0x30a: {  	v29 =	vshra.s32 v17, $0x1;
	v28 =	vshra.s32 v7, $0x1;
	v30 =	vand.u32 $0xFFFFF000, v10;
	v1 =	vld [tilespmem:s30+$0xFFFFFFC0]  }
0x30b: {  	v6 =	vand.u32 $0x1000, v6;
	v31 =	vand.u32 $0xFFF, v19;
	v10 =	vshra.s32 v0, $0x1  }
0x30c: {  	v33 =	vand.u32 $0xFFF, v17;
	v34 =	vshra.s32 v19, $0x1;
	v2 =	vld.idx.msk [tilespmem:v2+s23+$0x0], $0xffff;
	v32 =	vand.u32 $0x1000, v3  }
0x30d: {  	v18 =	vor.u32 v11, v18;
	v19 =	vand.u32 $0x1000, v19;
	v35 =	vand.u32 $0x1000, v25;
	v16 =	vld.idx.msk [tilespmem:v16+s23+$0x0], $0xffff  }
0x30e: {  	v36 =	vshra.s32 v4, $0x1;
	v34 =	vand.u32 $0xFFFFF000, v34;
	v37 =	vshra.s32 v12, $0x1  }
0x30f: {  	v11 =	vand.u32 $0x1000, v17;
	v17 =	vand.u32 $0xFFFFF000, v22;
	v22 =	vand.u32 $0xFFF, v12  }
0x310: {  	v13 =	vand.u32 $0xFFF, v13;
	v20 =	vand.u32 $0xFFFFF000, v20;
	v39 =	vand.u32 $0xFFF, v5;
	v38 =	vld [tilespmem:s30+$0x0]  }
0x311: {  	vm0 =	veq.s32 v14, $0x0;
	v13 =	vor.u32 v13, v20;
	v14 =	vshra.s32 v25, $0x1;
	v20 =	vld.idx.msk [tilespmem:v27+s23+$0x0], $0xffff  }
0x312: {  	v40 =	vshra.s32 v3, $0x1;
	v27 =	vand.u32 $0xFFFF0000, v2;
	v2 =	vshll.u32 v2, $0x10;
	v18 =	vld.idx.msk [tilespmem:v18+s23+$0x0], $0xffff  }
0x313: {  	vm2 =	veq.s32 v15, $0x0;
	v15 =	vand.u32 $0xFFF, v25;
	v2 =	vsel vm0, v2, v27;
	v27 =	vld [tilespmem:s30+$0xFFFFFF90]  }
0x314: {  	vm1 =	veq.s32 v6, $0x0;
	v14 =	vand.u32 $0xFFFFF000, v14;
	v25 =	vand.u32 $0xFFFF0000, v16  }
0x315: {  	vm0 =	veq.s32 v21, $0x0;
	v6 =	vshll.u32 v16, $0x10;
	v16 =	vand.u32 $0xFFFFF000, v36;
	v21 =	vld [tilespmem:s30+$0x50]  }
0x316: {  	v14 =	vor.u32 v15, v14;
	v15 =	vor.u32 v39, v17;
	v6 =	vsel vm0, v6, v25  }
0x317: {  	v17 =	vand.u32 $0xFFF, v8;
	v6 =	vadd.f32 v6, v38;
	v25 =	vand.u32 $0xFFFF0000, v20  }
0x318: {  	v36 =	vand.u32 $0xFFF, v3;
	v20 =	vshll.u32 v20, $0x10;
	v27 =	vadd.f32 v2, v27;
	v2 =	vld [tilespmem:s30+$0x30]  }
0x319: {  	vm3 =	veq.s32 v35, $0x0;
	vm0 =	veq.s32 v19, $0x0;
	[tilespmem:s30+$0x0] =	vst v6;
	v3 =	vld [tilespmem:s30+$0x40];
	v6 =	vsel vm1, v20, v25  }
0x31a: {  	v19 =	vand.u32 $0xFFFFF000, v28;
	v20 =	vand.u32 $0xFFFFF000, v37;
	v13 =	vld.idx.msk [tilespmem:v13+s23+$0x0], $0xffff;
	[tilespmem:s30+$0xFFFFFF90] =	vst v27;
	v6 =	vadd.f32 v6, v21  }
0x31b: {  	v5 =	vand.u32 $0x1000, v5;
	v19 =	vor.u32 v26, v19;
	v21 =	vand.u32 $0xFFFFF000, v29;
	v14 =	vld.idx.msk [tilespmem:v14+s23+$0x0], $0xffff  }
0x31c: {  	vm4 =	veq.s32 v5, $0x0;
	v25 =	vand.u32 $0xFFF, v0;
	v15 =	vld.idx.msk [tilespmem:v15+s23+$0x0], $0xffff;
	[tilespmem:s30+$0x50] =	vst v6;
	v6 =	vand.u32 $0x1000, v9  }
0x31d: {  	v26 =	vand.u32 $0xFFFF0000, v18;
	v20 =	vor.u32 v22, v20;
	v5 =	vld [tilespmem:s30+$0xFFFFFFA0];
	vm1 =	veq.s32 v6, $0x0  }
0x31e: {  	v16 =	vor.u32 v24, v16;
	v18 =	vshll.u32 v18, $0x10;
	v6 =	vand.u32 $0x1000, v8;
	v22 =	vld [tilespmem:s30+$0xFFFFFF80]  }
0x31f: {  	vm5 =	veq.s32 v23, $0x0;
	v23 =	vand.u32 $0xFFFFF000, v40;
	v9 =	vand.u32 $0xFFF, v9;
	v24 =	vld [tilespmem:s30+$0x20]  }
0x320: {  	v23 =	vor.u32 v36, v23;
	v27 =	vor.u32 v31, v34;
	v9 =	vor.u32 v9, v30;
	v19 =	vld.idx.msk [tilespmem:v19+s23+$0x0], $0xffff  }
0x321: {  	v28 =	vand.u32 $0xFFFF0000, v13;
	v13 =	vshll.u32 v13, $0x10;
	v29 =	vand.u32 $0xFFFF0000, v14;
	v30 =	vld [tilespmem:s30+$0xFFFFFFD0]  }
0x322: {  	v13 =	vsel vm5, v13, v28;
	v31 =	vand.u32 $0xFFFF0000, v15;
	v15 =	vshll.u32 v15, $0x10;
	v28 =	vld [tilespmem:s30+$0xFFFFFFB0]  }
0x323: {  	v21 =	vor.u32 v33, v21;
	v15 =	vsel vm4, v15, v31;
	v13 =	vadd.f32 v13, v22;
	v16 =	vld.idx.msk [tilespmem:v16+s23+$0x0], $0xffff  }
0x324: {  	v14 =	vshll.u32 v14, $0x10;
	v22 =	vand.u32 $0x1000, v12;
	v15 =	vadd.f32 v15, v24;
	v20 =	vld.idx.msk [tilespmem:v20+s23+$0x0], $0xffff  }
0x325: {  	v8 =	vshra.s32 v8, $0x1;
	vm4 =	veq.s32 v32, $0x0;
	v12 =	vsel vm3, v14, v29;
	[tilespmem:s30+$0xFFFFFF80] =	vst v13;
	v14 =	vld.idx.msk [tilespmem:v23+s23+$0x0], $0xffff  }
0x326: {  	v8 =	vand.u32 $0xFFFFF000, v8;
	v13 =	vand.u32 $0x1000, v7;
	v23 =	vshll.u32 v19, $0x10;
	[tilespmem:s30+$0x20] =	vst v15;
	v7 =	vld.idx.msk [tilespmem:v27+s23+$0x0], $0xffff  }
0x327: {  	v15 =	vor.u32 v17, v8;
	vm3 =	veq.s32 v13, $0x0;
	v13 =	vand.u32 $0xFFFF0000, v19;
	v8 =	vld.idx.msk [tilespmem:v9+s23+$0x0], $0xffff  }
0x328: {  	v10 =	vand.u32 $0xFFFFF000, v10;
	v9 =	vadd.f32 v12, v28;
	v12 =	vsel vm3, v23, v13;
	v17 =	vld.idx.msk [tilespmem:v21+s23+$0x0], $0xffff  }
0x329: {  	v10 =	vor.u32 v25, v10;
	v21 =	vand.u32 $0xFFFF0000, v16;
	v16 =	vshll.u32 v16, $0x10;
	v19 =	vld [tilespmem:s30+$0xFFFFFFE0]  }
0x32a: {  	v4 =	vand.u32 $0x1000, v4;
	vm3 =	veq.s32 v11, $0x0;
	[tilespmem:s30+$0xFFFFFFB0] =	vst v9;
	v9 =	vadd.f32 v12, v30;
	v23 =	vld [tilespmem:s30+$0x10]  }
.Ltmp7:
0x32b: {  	vm5 =	veq.s32 v22, $0x0;
	v12 =	vsel vm2, v18, v26;
	vm2 =	veq.s32 v4, $0x0;
	v13 =	vld [tilespmem:s30+$0x60];
	(pc) =	sbr.rel @p1 .LBB2_12-.Ltmp7, $4  }
0x32c: {  	v4 =	vand.u32 $0xFFFF0000, v14;
	v18 =	vsel vm2, v16, v21;
	v11 =	vld.idx.msk [tilespmem:v15+s23+$0x0], $0xffff;
	[tilespmem:s30+$0xFFFFFFD0] =	vst v9;
	v9 =	vshll.u32 v14, $0x10  }
0x32d: {  	v16 =	vand.u32 $0xFFFF0000, v20;
	v20 =	vshll.u32 v20, $0x10;
	v4 =	vsel vm4, v9, v4;
	v15 =	vld [tilespmem:s30+$0x70]  }
0x32e: {  	v14 =	vand.u32 $0xFFFF0000, v17;
	v4 =	vadd.f32 v4, v19;
	v9 =	vld.idx.msk [tilespmem:v10+s23+$0x0], $0xffff;
	v19 =	vsel vm5, v20, v16  }
0x32f: {  	s0 =	sadd.s32 $0x100, s0;
	v17 =	vshll.u32 v17, $0x10;
	v10 =	vand.u32 $0xFFFF0000, v7;
	v16 =	vld [tilespmem:s30+$0xFFFFFFF0];
	v18 =	vadd.f32 v18, v23  }
0x330: {  	v20 =	vand.u32 $0xFFFF0000, v8  }
0x331: {  	v53 =	vshll.u32 v8, $0x10;
	v13 =	vadd.f32 v19, v13;
	v5 =	vadd.f32 v12, v5  }
0x332: {  	vm14 =	veq.s32 v6, $0x0;
	v57 =	vsel vm3, v17, v14;
	v0 =	vand.u32 $0x1000, v0;
	[tilespmem:s31+$0xFFFFFFE0] =	vst v4  }
0x333: {  	v8 =	vsel vm1, v53, v20;
	[tilespmem:s31+$0x10] =	vst v18;
	v55 =	vand.u32 $0xFFFF0000, v11;
	v56 =	vshll.u32 v11, $0x10  }
0x334: {  	v60 =	vshll.u32 v7, $0x10;
	v54 =	vadd.f32 v8, v15;
	[tilespmem:s31+$0x60] =	vst v13;
	v8 =	vsel vm14, v56, v55  }
0x335: {  	vm15 =	veq.s32 v0, $0x0;
	[tilespmem:s31+$0xFFFFFFA0] =	vst v5;
	v59 =	vadd.f32 v8, v1;
	v61 =	vand.u32 $0xFFFF0000, v9  }
.Ltmp8:
0x336: {  	v62 =	vshll.u32 v9, $0x10;
	v1 =	vsel vm0, v60, v10;
	v58 =	vadd.f32 v57, v16;
	[tilespmem:s31+$0x70] =	vst v54;
	(pc) =	sbr.rel @p0 .LBB2_17-.Ltmp8, $4  }
0x337: {  	v63 =	vsel vm15, v62, v61;
	v1 =	vadd.f32 v1, v3;
	[tilespmem:s31+$0xFFFFFFC0] =	vst v59  }
0x338: {  	v0 =	vadd.f32 v63, v2;
	[tilespmem:s31+$0xFFFFFFF0] =	vst v58  }
0x339: {  	[tilespmem:s31+$0x40] =	vst v1  }
0x33a: {  	[tilespmem:s31+$0x30] =	vst v0  }
0x33b: {  	_ =	swait.ge [sflag:s24], $0x1000  }
0x33c: {  	[sflag:s24] =	ssyncset.done $0x0  }
0x33d: {  	[sflag:s24] =	ssyncadd.s32 $0xFFFFF000  }
0x33e: {  	_ =	swait.ge [sflag:s24], $0xD000  }
0x33f: {  	[sflag:s24] =	ssyncset.done $0x0  }
0x340: {  	s0 =	simm.s32 $0x1A080;
	[sflag:s24] =	ssyncadd.s32 $0xFFFF3000  }
0x341: {  	v0 =	vld [tilespmem:s0+$0xFFFFFF90]  }
0x342: {  	v1 =	vld [tilespmem:s0+$0x0]  }
0x343: {  	v2 =	vld [tilespmem:s0+$0xFFFFFFA0]  }
0x344: {  	v3 =	vld [tilespmem:s0+$0x50]  }
0x345: {  	v5 =	vld [tilespmem:s0+$0xFFFFFF80]  }
0x346: {  	v6 =	vld [tilespmem:s0+$0x20]  }
0x347: {  	v4 =	vld [tilespmem:s0+$0x10]  }
0x348: {  	v10 =	vld [tilespmem:s0+$0x70]  }
0x349: {  	v12 =	vld [tilespmem:s0+$0xFFFFFFF0]  }
0x34a: {  	v17 =	vld [tilespmem:s0+$0x40];
	v8 =	vand.u32 $0x1000, v0;
	v9 =	vshra.s32 v0, $0x1;
	v7 =	vshra.s32 v2, $0x1  }
0x34b: {  	v11 =	vand.u32 $0xFFF, v2;
	v13 =	vand.u32 $0xFFF, v0;
	v2 =	vand.u32 $0x1000, v2  }
0x34c: {  	v15 =	vshra.s32 v3, $0x1;
	v16 =	vand.u32 $0xFFF, v3;
	v18 =	vshra.s32 v5, $0x1  }
0x34d: {  	v36 =	vld [tilespmem:s0+$0xFFFFFFC0];
	v0 =	vshra.s32 v1, $0x1;
	v19 =	vshra.s32 v6, $0x1;
	v20 =	vand.u32 $0x1000, v5  }
0x34e: {  	v22 =	vand.u32 $0xFFF, v1;
	v23 =	vand.u32 $0xFFF, v4;
	v39 =	vshra.s32 v10, $0x1  }
0x34f: {  	v1 =	vand.u32 $0x1000, v1;
	v27 =	vshra.s32 v12, $0x1;
	v29 =	vand.u32 $0xFFF, v17  }
0x350: {  	v3 =	vand.u32 $0x1000, v3;
	v31 =	vand.u32 $0xFFF, v12;
	v32 =	vshra.s32 v17, $0x1  }
0x351: {  	v24 =	vld [tilespmem:s0+$0xFFFFFFB0];
	v17 =	vand.u32 $0x1000, v17;
	v33 =	vshra.s32 v4, $0x1;
	v12 =	vand.u32 $0x1000, v12  }
0x352: {  	v5 =	vand.u32 $0xFFF, v5;
	v37 =	vand.u32 $0xFFF, v6;
	v43 =	vand.u32 $0xFFF, v36  }
0x353: {  	s30 =	simm.s32 $0x1C080;
	v4 =	vand.u32 $0x1000, v4;
	v14 =	vand.u32 $0xFFFFF000, v7;
	v9 =	vand.u32 $0xFFFFF000, v9  }
0x354: {  	v38 =	vld [tilespmem:s30+$0x0];
	v21 =	vand.u32 $0xFFFFF000, v0;
	v15 =	vand.u32 $0xFFFFF000, v15;
	v32 =	vand.u32 $0xFFFFF000, v32  }
0x355: {  	v7 =	vld [tilespmem:s0+$0xFFFFFFD0];
	v19 =	vand.u32 $0xFFFFF000, v19;
	v18 =	vand.u32 $0xFFFFF000, v18;
	vm0 =	veq.s32 v8, $0x0  }
0x356: {  	v0 =	vld [tilespmem:s0+$0x30];
	v8 =	vshra.s32 v24, $0x1;
	vm2 =	veq.s32 v2, $0x0;
	v9 =	vor.u32 v13, v9  }
0x357: {  	v2 =	vand.u32 $0xFFF, v24;
	vm1 =	veq.s32 v3, $0x0;
	v13 =	vld [tilespmem:s0+$0xFFFFFFE0];
	v21 =	vor.u32 v22, v21  }
0x358: {  	v41 =	vand.u32 $0xFFFFF000, v33;
	v46 =	vand.u32 $0xFFFFF000, v27;
	v15 =	vor.u32 v16, v15;
	v16 =	vld [tilespmem:s0+$0x60]  }
0x359: {  	v42 =	vld [tilespmem:s30+$0x50];
	vm5 =	veq.s32 v20, $0x0;
	v22 =	vand.u32 $0xFFFFF000, v39;
	v11 =	vor.u32 v11, v14  }
0x35a: {  	v49 =	vld [tilespmem:s30+$0xFFFFFF80];
	v14 =	vand.u32 $0x1000, v24;
	v8 =	vand.u32 $0xFFFFF000, v8;
	v19 =	vor.u32 v37, v19  }
0x35b: {  	v5 =	vor.u32 v5, v18;
	v8 =	vor.u32 v2, v8;
	vm3 =	veq.s32 v14, $0x0;
	v9 =	vld.idx.msk [tilespmem:v9+s2+$0x0], $0xffff  }
0x35c: {  	v25 =	vand.u32 $0xFFF, v7;
	v26 =	vshra.s32 v7, $0x1;
	v28 =	vshra.s32 v0, $0x1;
	v21 =	vld.idx.msk [tilespmem:v21+s2+$0x0], $0xffff  }
0x35d: {  	v47 =	vand.u32 $0xFFF, v0;
	v30 =	vand.u32 $0x1000, v13;
	v34 =	vshra.s32 v16, $0x1;
	v15 =	vld.idx.msk [tilespmem:v15+s2+$0x0], $0xffff  }
0x35e: {  	v35 =	vand.u32 $0xFFF, v16;
	v39 =	vshra.s32 v13, $0x1;
	v11 =	vld.idx.msk [tilespmem:v11+s2+$0x0], $0xffff;
	v13 =	vand.u32 $0xFFF, v13  }
0x35f: {  	v19 =	vld.idx.msk [tilespmem:v19+s2+$0x0], $0xffff;
	v16 =	vand.u32 $0x1000, v16;
	v59 =	vand.u32 $0xFFFFF000, v28;
	v20 =	vand.u32 $0xFFFFF000, v39  }
0x360: {  	v8 =	vld.idx.msk [tilespmem:v8+s2+$0x0], $0xffff;
	v13 =	vor.u32 v13, v20;
	v20 =	vor.u32 v29, v32;
	v18 =	vand.u32 $0xFFFF0000, v9  }
0x361: {  	v50 =	vld [tilespmem:s30+$0x20];
	v9 =	vshll.u32 v9, $0x10;
	v40 =	vand.u32 $0xFFFF0000, v21;
	v3 =	vshll.u32 v21, $0x10  }
0x362: {  	v45 =	vand.u32 $0xFFFF0000, v15;
	v15 =	vshll.u32 v15, $0x10;
	v9 =	vsel vm0, v9, v18;
	v18 =	vld [tilespmem:s30+$0xFFFFFF90]  }
0x363: {  	v53 =	vld [tilespmem:s30+$0xFFFFFFD0];
	v48 =	vand.u32 $0xFFFF0000, v11;
	v11 =	vshll.u32 v11, $0x10;
	v21 =	vor.u32 v23, v41  }
0x364: {  	v54 =	vld [tilespmem:s30+$0xFFFFFFB0];
	v55 =	vand.u32 $0xFFFF0000, v19;
	v19 =	vshll.u32 v19, $0x10;
	vm0 =	veq.s32 v1, $0x0  }
0x365: {  	v14 =	vsel vm1, v15, v45;
	v15 =	vld.idx.msk [tilespmem:v5+s2+$0x0], $0xffff;
	v5 =	vand.u32 $0xFFFFF000, v26;
	v52 =	vand.u32 $0xFFFF0000, v8  }
0x366: {  	v60 =	vld [tilespmem:s30+$0xFFFFFFE0];
	v8 =	vshll.u32 v8, $0x10;
	v2 =	vsel vm0, v3, v40;
	vm0 =	veq.s32 v17, $0x0  }
0x367: {  	v63 =	vld [tilespmem:s30+$0x10];
	v17 =	vand.u32 $0xFFFFF000, v34;
	v9 =	vadd.f32 v9, v18;
	v18 =	vor.u32 v25, v5  }
0x368: {  	v1 =	vld [tilespmem:s30+$0xFFFFFFC0];
	v56 =	vsel vm3, v8, v52;
	v8 =	vshra.s32 v36, $0x1;
	v17 =	vor.u32 v35, v17  }
0x369: {  	v14 =	vadd.f32 v14, v42;
	v57 =	vld.idx.msk [tilespmem:v13+s2+$0x0], $0xffff;
	v13 =	vand.u32 $0x1000, v7;
	v8 =	vand.u32 $0xFFFFF000, v8  }
0x36a: {  	v7 =	vld.idx.msk [tilespmem:v20+s2+$0x0], $0xffff;
	v44 =	vadd.f32 v2, v38;
	vm3 =	veq.s32 v13, $0x0;
	v20 =	vor.u32 v43, v8  }
0x36b: {  	v21 =	vld.idx.msk [tilespmem:v21+s2+$0x0], $0xffff;
	v5 =	vand.u32 $0x1000, v6;
	v6 =	vand.u32 $0x1000, v10;
	v10 =	vand.u32 $0xFFF, v10  }
0x36c: {  	v51 =	vand.u32 $0xFFFF0000, v15;
	v15 =	vshll.u32 v15, $0x10;
	v10 =	vor.u32 v10, v22;
	v18 =	vld.idx.msk [tilespmem:v18+s2+$0x0], $0xffff  }
0x36d: {  	v25 =	vor.u32 v31, v46;
	vm4 =	veq.s32 v5, $0x0;
	vm1 =	veq.s32 v6, $0x0;
	v17 =	vld.idx.msk [tilespmem:v17+s2+$0x0], $0xffff  }
0x36e: {  	v3 =	vld [tilespmem:s30+$0x40];
	v6 =	vand.u32 $0x1000, v36;
	v15 =	vsel vm5, v15, v51;
	v22 =	vor.u32 v47, v59  }
0x36f: {  	v2 =	vld [tilespmem:s30+$0x30];
	vm5 =	veq.s32 v16, $0x0;
	v15 =	vadd.f32 v15, v49;
	v19 =	vsel vm4, v19, v55  }
0x370: {  	v5 =	vld [tilespmem:s30+$0xFFFFFFA0];
	vm4 =	veq.s32 v30, $0x0;
	[tilespmem:s30+$0xFFFFFF90] =	vst v9;
	v9 =	vshll.u32 v57, $0x10;
	v19 =	vadd.f32 v19, v50  }
0x371: {  	v61 =	vand.u32 $0xFFFF0000, v21;
	v8 =	vld.idx.msk [tilespmem:v10+s2+$0x0], $0xffff;
	v58 =	vshll.u32 v18, $0x10;
	v13 =	vand.u32 $0xFFFF0000, v18  }
0x372: {  	[tilespmem:s30+$0x50] =	vst v14;
	v10 =	vadd.f32 v56, v54;
	v16 =	vand.u32 $0xFFFF0000, v17;
	v18 =	vld.idx.msk [tilespmem:v25+s2+$0x0], $0xffff;
	v13 =	vsel vm3, v58, v13  }
0x373: {  	[tilespmem:s30+$0x0] =	vst v44;
	v17 =	vshll.u32 v17, $0x10;
	vm3 =	veq.s32 v12, $0x0;
	v62 =	vadd.f32 v13, v53;
	v13 =	vld [tilespmem:s30+$0x60]  }
0x374: {  	[tilespmem:s30+$0xFFFFFF80] =	vst v15;
	v15 =	vld [tilespmem:s30+$0x70];
	v12 =	vsel vm2, v11, v48;
	vm2 =	veq.s32 v4, $0x0;
	v4 =	vand.u32 $0xFFFF0000, v57  }
0x375: {  	v21 =	vshll.u32 v21, $0x10;
	[tilespmem:s30+$0x20] =	vst v19;
	v19 =	vsel vm5, v17, v16;
	v11 =	vld.idx.msk [tilespmem:v20+s2+$0x0], $0xffff;
	v4 =	vsel vm4, v9, v4  }
0x376: {  	[tilespmem:s30+$0xFFFFFFB0] =	vst v10;
	v16 =	vld [tilespmem:s30+$0xFFFFFFF0];
	v10 =	vand.u32 $0xFFFF0000, v7;
	v20 =	vsel vm2, v21, v61;
	v4 =	vadd.f32 v4, v60  }
0x377: {  	s1 =	simm.s32 $0x0;
	s31 =	simm.s32 $0x1C080;
	s0 =	simm.s32 $0x1A180;
	v9 =	vld.idx.msk [tilespmem:v22+s2+$0x0], $0xffff;
	[tilespmem:s30+$0xFFFFFFD0] =	vst v62;
	v14 =	vand.u32 $0xFFFF0000, v18;
	v17 =	vshll.u32 v18, $0x10;
	v18 =	vadd.f32 v20, v63  }
.LBB2_15:
0x378: {  	v20 =	vld [tilespmem:s0+$0xFFFFFF90];
	s1 =	sadd.s32 $0x100, s1;
	v13 =	vadd.f32 v19, v13;
	v19 =	vand.u32 $0xFFFF0000, v8;
	v8 =	vshll.u32 v8, $0x10;
	s30 =	sadd.s32 $0x100, s30  }
0x379: {  	v12 =	vadd.f32 v12, v5;
	vm2 =	veq.s32 v6, $0x0;
	v21 =	vld [tilespmem:s0+$0x0];
	p1 =	slt.u32 s1, $0xF00;
	v5 =	vsel vm1, v8, v19  }
0x37a: {  	v8 =	vand.u32 $0xFFFF0000, v11;
	v11 =	vshll.u32 v11, $0x10;
	v6 =	vld [tilespmem:s0+$0x50];
	[tilespmem:s31+$0x10] =	vst v18;
	v5 =	vadd.f32 v5, v15  }
0x37b: {  	v0 =	vand.u32 $0x1000, v0;
	v8 =	vsel vm2, v11, v8;
	v11 =	vsel vm3, v17, v14;
	v15 =	vld [tilespmem:s0+$0xFFFFFFA0];
	[tilespmem:s31+$0x60] =	vst v13  }
0x37c: {  	vm1 =	veq.s32 v0, $0x0;
	v0 =	vand.u32 $0xFFFF0000, v9;
	v11 =	vadd.f32 v11, v16;
	v13 =	vld [tilespmem:s0+$0xFFFFFF80];
	[tilespmem:s31+$0x70] =	vst v5  }
0x37d: {  	v1 =	vadd.f32 v8, v1;
	v14 =	vand.u32 $0x1000, v20;
	v16 =	vshra.s32 v20, $0x1;
	v5 =	vld [tilespmem:s0+$0x20];
	[tilespmem:s31+$0xFFFFFFE0] =	vst v4  }
0x37e: {  	v7 =	vshll.u32 v7, $0x10;
	v8 =	vshll.u32 v9, $0x10;
	v4 =	vld [tilespmem:s0+$0x10];
	[tilespmem:s31+$0xFFFFFFF0] =	vst v11  }
0x37f: {  	v0 =	vsel vm1, v8, v0;
	v9 =	vld [tilespmem:s0+$0x70];
	[tilespmem:s31+$0xFFFFFFC0] =	vst v1;
	v1 =	vsel vm0, v7, v10  }
0x380: {  	v7 =	vshra.s32 v15, $0x1;
	v11 =	vand.u32 $0xFFF, v15;
	v17 =	vld [tilespmem:s0+$0xFFFFFFF0];
	[tilespmem:s31+$0xFFFFFFA0] =	vst v12;
	v1 =	vadd.f32 v1, v3  }
0x381: {  	v3 =	vand.u32 $0xFFF, v20;
	v15 =	vand.u32 $0x1000, v15;
	v18 =	vand.u32 $0xFFFFF000, v7;
	v7 =	vld [tilespmem:s0+$0xFFFFFFD0]  }
0x382: {  	v2 =	vadd.f32 v0, v2;
	v10 =	vshra.s32 v6, $0x1;
	v12 =	vand.u32 $0xFFF, v6;
	v19 =	vld [tilespmem:s0+$0x40];
	[tilespmem:s31+$0x40] =	vst v1  }
0x383: {  	v0 =	vshra.s32 v21, $0x1;
	v20 =	vshra.s32 v13, $0x1;
	v22 =	vshra.s32 v5, $0x1;
	v8 =	vld [tilespmem:s0+$0xFFFFFFC0]  }
0x384: {  	v23 =	vand.u32 $0x1000, v13;
	v1 =	vand.u32 $0xFFFFF000, v16;
	v16 =	vand.u32 $0xFFFFF000, v0;
	v0 =	vld [tilespmem:s0+$0x30];
	[tilespmem:s31+$0x30] =	vst v2;
	s31 =	smov.u32 s30  }
0x385: {  	v24 =	vand.u32 $0xFFF, v4;
	v2 =	vor.u32 v3, v1;
	v1 =	vand.u32 $0xFFF, v21;
	v3 =	vld [tilespmem:s0+$0xFFFFFFE0]  }
0x386: {  	v16 =	vor.u32 v1, v16;
	v1 =	vand.u32 $0xFFFFF000, v10;
	v10 =	vshra.s32 v9, $0x1;
	v25 =	vld [tilespmem:s0+$0xFFFFFFB0]  }
0x387: {  	v21 =	vand.u32 $0x1000, v21;
	v26 =	vand.u32 $0xFFF, v7;
	v27 =	vor.u32 v12, v1;
	v12 =	vld [tilespmem:s0+$0x60]  }
0x388: {  	v29 =	vshra.s32 v17, $0x1;
	v28 =	vshra.s32 v7, $0x1;
	v30 =	vand.u32 $0xFFFFF000, v10;
	v1 =	vld [tilespmem:s30+$0xFFFFFFC0]  }
0x389: {  	v6 =	vand.u32 $0x1000, v6;
	v31 =	vand.u32 $0xFFF, v19;
	v10 =	vshra.s32 v0, $0x1  }
0x38a: {  	v33 =	vand.u32 $0xFFF, v17;
	v34 =	vshra.s32 v19, $0x1;
	v2 =	vld.idx.msk [tilespmem:v2+s2+$0x0], $0xffff;
	v32 =	vand.u32 $0x1000, v3  }
0x38b: {  	v18 =	vor.u32 v11, v18;
	v19 =	vand.u32 $0x1000, v19;
	v35 =	vand.u32 $0x1000, v25;
	v16 =	vld.idx.msk [tilespmem:v16+s2+$0x0], $0xffff  }
0x38c: {  	v36 =	vshra.s32 v4, $0x1;
	v34 =	vand.u32 $0xFFFFF000, v34;
	v37 =	vshra.s32 v12, $0x1  }
0x38d: {  	v11 =	vand.u32 $0x1000, v17;
	v17 =	vand.u32 $0xFFFFF000, v22;
	v22 =	vand.u32 $0xFFF, v12  }
0x38e: {  	v13 =	vand.u32 $0xFFF, v13;
	v20 =	vand.u32 $0xFFFFF000, v20;
	v39 =	vand.u32 $0xFFF, v5;
	v38 =	vld [tilespmem:s30+$0x0]  }
0x38f: {  	vm0 =	veq.s32 v14, $0x0;
	v13 =	vor.u32 v13, v20;
	v14 =	vshra.s32 v25, $0x1;
	v20 =	vld.idx.msk [tilespmem:v27+s2+$0x0], $0xffff  }
0x390: {  	v40 =	vshra.s32 v3, $0x1;
	v27 =	vand.u32 $0xFFFF0000, v2;
	v2 =	vshll.u32 v2, $0x10;
	v18 =	vld.idx.msk [tilespmem:v18+s2+$0x0], $0xffff  }
0x391: {  	vm2 =	veq.s32 v15, $0x0;
	v15 =	vand.u32 $0xFFF, v25;
	v2 =	vsel vm0, v2, v27;
	v27 =	vld [tilespmem:s30+$0xFFFFFF90]  }
0x392: {  	vm1 =	veq.s32 v6, $0x0;
	v14 =	vand.u32 $0xFFFFF000, v14;
	v25 =	vand.u32 $0xFFFF0000, v16  }
0x393: {  	vm0 =	veq.s32 v21, $0x0;
	v6 =	vshll.u32 v16, $0x10;
	v16 =	vand.u32 $0xFFFFF000, v36;
	v21 =	vld [tilespmem:s30+$0x50]  }
0x394: {  	v14 =	vor.u32 v15, v14;
	v15 =	vor.u32 v39, v17;
	v6 =	vsel vm0, v6, v25  }
0x395: {  	v17 =	vand.u32 $0xFFF, v8;
	v6 =	vadd.f32 v6, v38;
	v25 =	vand.u32 $0xFFFF0000, v20  }
0x396: {  	v36 =	vand.u32 $0xFFF, v3;
	v20 =	vshll.u32 v20, $0x10;
	v27 =	vadd.f32 v2, v27;
	v2 =	vld [tilespmem:s30+$0x30]  }
0x397: {  	vm3 =	veq.s32 v35, $0x0;
	vm0 =	veq.s32 v19, $0x0;
	[tilespmem:s30+$0x0] =	vst v6;
	v3 =	vld [tilespmem:s30+$0x40];
	v6 =	vsel vm1, v20, v25  }
0x398: {  	v19 =	vand.u32 $0xFFFFF000, v28;
	v20 =	vand.u32 $0xFFFFF000, v37;
	v13 =	vld.idx.msk [tilespmem:v13+s2+$0x0], $0xffff;
	[tilespmem:s30+$0xFFFFFF90] =	vst v27;
	v6 =	vadd.f32 v6, v21  }
0x399: {  	v5 =	vand.u32 $0x1000, v5;
	v19 =	vor.u32 v26, v19;
	v21 =	vand.u32 $0xFFFFF000, v29;
	v14 =	vld.idx.msk [tilespmem:v14+s2+$0x0], $0xffff  }
0x39a: {  	vm4 =	veq.s32 v5, $0x0;
	v25 =	vand.u32 $0xFFF, v0;
	v15 =	vld.idx.msk [tilespmem:v15+s2+$0x0], $0xffff;
	[tilespmem:s30+$0x50] =	vst v6;
	v6 =	vand.u32 $0x1000, v9  }
0x39b: {  	v26 =	vand.u32 $0xFFFF0000, v18;
	v20 =	vor.u32 v22, v20;
	v5 =	vld [tilespmem:s30+$0xFFFFFFA0];
	vm1 =	veq.s32 v6, $0x0  }
0x39c: {  	v16 =	vor.u32 v24, v16;
	v18 =	vshll.u32 v18, $0x10;
	v6 =	vand.u32 $0x1000, v8;
	v22 =	vld [tilespmem:s30+$0xFFFFFF80]  }
0x39d: {  	vm5 =	veq.s32 v23, $0x0;
	v23 =	vand.u32 $0xFFFFF000, v40;
	v9 =	vand.u32 $0xFFF, v9;
	v24 =	vld [tilespmem:s30+$0x20]  }
0x39e: {  	v23 =	vor.u32 v36, v23;
	v27 =	vor.u32 v31, v34;
	v9 =	vor.u32 v9, v30;
	v19 =	vld.idx.msk [tilespmem:v19+s2+$0x0], $0xffff  }
0x39f: {  	v28 =	vand.u32 $0xFFFF0000, v13;
	v13 =	vshll.u32 v13, $0x10;
	v29 =	vand.u32 $0xFFFF0000, v14;
	v30 =	vld [tilespmem:s30+$0xFFFFFFD0]  }
0x3a0: {  	v13 =	vsel vm5, v13, v28;
	v31 =	vand.u32 $0xFFFF0000, v15;
	v15 =	vshll.u32 v15, $0x10;
	v28 =	vld [tilespmem:s30+$0xFFFFFFB0]  }
0x3a1: {  	v21 =	vor.u32 v33, v21;
	v15 =	vsel vm4, v15, v31;
	v13 =	vadd.f32 v13, v22;
	v16 =	vld.idx.msk [tilespmem:v16+s2+$0x0], $0xffff  }
0x3a2: {  	v14 =	vshll.u32 v14, $0x10;
	v22 =	vand.u32 $0x1000, v12;
	v15 =	vadd.f32 v15, v24;
	v20 =	vld.idx.msk [tilespmem:v20+s2+$0x0], $0xffff  }
0x3a3: {  	v8 =	vshra.s32 v8, $0x1;
	vm4 =	veq.s32 v32, $0x0;
	v12 =	vsel vm3, v14, v29;
	[tilespmem:s30+$0xFFFFFF80] =	vst v13;
	v14 =	vld.idx.msk [tilespmem:v23+s2+$0x0], $0xffff  }
0x3a4: {  	v8 =	vand.u32 $0xFFFFF000, v8;
	v13 =	vand.u32 $0x1000, v7;
	v23 =	vshll.u32 v19, $0x10;
	[tilespmem:s30+$0x20] =	vst v15;
	v7 =	vld.idx.msk [tilespmem:v27+s2+$0x0], $0xffff  }
0x3a5: {  	v15 =	vor.u32 v17, v8;
	vm3 =	veq.s32 v13, $0x0;
	v13 =	vand.u32 $0xFFFF0000, v19;
	v8 =	vld.idx.msk [tilespmem:v9+s2+$0x0], $0xffff  }
0x3a6: {  	v10 =	vand.u32 $0xFFFFF000, v10;
	v9 =	vadd.f32 v12, v28;
	v12 =	vsel vm3, v23, v13;
	v17 =	vld.idx.msk [tilespmem:v21+s2+$0x0], $0xffff  }
0x3a7: {  	v10 =	vor.u32 v25, v10;
	v21 =	vand.u32 $0xFFFF0000, v16;
	v16 =	vshll.u32 v16, $0x10;
	v19 =	vld [tilespmem:s30+$0xFFFFFFE0]  }
0x3a8: {  	v4 =	vand.u32 $0x1000, v4;
	vm3 =	veq.s32 v11, $0x0;
	[tilespmem:s30+$0xFFFFFFB0] =	vst v9;
	v9 =	vadd.f32 v12, v30;
	v23 =	vld [tilespmem:s30+$0x10]  }
.Ltmp9:
0x3a9: {  	vm5 =	veq.s32 v22, $0x0;
	v12 =	vsel vm2, v18, v26;
	vm2 =	veq.s32 v4, $0x0;
	v13 =	vld [tilespmem:s30+$0x60];
	(pc) =	sbr.rel @p1 .LBB2_15-.Ltmp9, $4  }
0x3aa: {  	v4 =	vand.u32 $0xFFFF0000, v14;
	v18 =	vsel vm2, v16, v21;
	v11 =	vld.idx.msk [tilespmem:v15+s2+$0x0], $0xffff;
	[tilespmem:s30+$0xFFFFFFD0] =	vst v9;
	v9 =	vshll.u32 v14, $0x10  }
0x3ab: {  	v16 =	vand.u32 $0xFFFF0000, v20;
	v20 =	vshll.u32 v20, $0x10;
	v4 =	vsel vm4, v9, v4;
	v15 =	vld [tilespmem:s30+$0x70]  }
0x3ac: {  	v14 =	vand.u32 $0xFFFF0000, v17;
	v4 =	vadd.f32 v4, v19;
	v9 =	vld.idx.msk [tilespmem:v10+s2+$0x0], $0xffff;
	v19 =	vsel vm5, v20, v16  }
0x3ad: {  	s0 =	sadd.s32 $0x100, s0;
	v17 =	vshll.u32 v17, $0x10;
	v10 =	vand.u32 $0xFFFF0000, v7;
	v16 =	vld [tilespmem:s30+$0xFFFFFFF0];
	v18 =	vadd.f32 v18, v23  }
.Ltmp10:
0x3ae: {  	_ = 	snop;
	(pc) =	sbr.rel .LBB2_16-.Ltmp10, $1  }
0x3af: {  	_ =	sdelay $0x3  }
.LBB2_18:
0x3b0: {  	_ =	sfence.sel $0x180000  }
0x3b1: {  	[bflag:$0x0] =	sbarrier.arrive $0xFFFF  }
0x3b2: {  	_ =	strace $0x90000047  }
0x3b3: {  	s0 =	stileid.u32;
	[bflag:$0x2] =	sbarrier.arrive $0xFFFF  }
0x3b4: {  	p0 =	sne.s32 s0, $0x0;
	s0 =	rddreg [dreg:$0x1]  }
0x3b5: {  	s0 =	sadd.s32 @!p0 $0x100000, s0  }
0x3b6: {  	[sflag:s0] =	ssyncadd.tile.s32 @!p0 $0x1;
	_ =	shalt  }
.Lfunc_end2:
_tile_overlayer_lowered:
.L_overlay_start_2:
0x3b7: {  	(tag) =	ssettag $0x2  }
0x3b8: {  	s0 =	rddreg [dreg:$0x0];
	s2 =	stileid.u32  }
0x3b9: {  	s1 =	rddreg [dreg:$0x1];
	p0 =	sne.s32 s2, $0x0  }
0x3ba: {  	s3 =	rddreg [dreg:$0x2];
	[bflag:$0x3] =	sbarrier.arrive $0xFFFF;
	s2 =	simm.s32 @!p0 $0x1C03  }
0x3bb: {  	[timem:s3], [sflag:s2] =	dma.local @!p0 [hbm:s0], s1  }
0x3bc: {  	s0 =	simm.s32 @!p0 $0x3  }
0x3bd: {  	_ =	swait.ge @!p0 [sflag:s0], s1  }
0x3be: {  	s1 =	ssub.s32 @!p0 $0x0, s1;
	[sflag:s0] =	ssyncset.done @!p0 $0x0  }
0x3bf: {  	[sflag:s0] =	ssyncadd.s32 @!p0 s1  }
0x3c0: {  	[bflag:$0x3] =	sbarrier.arrive $0xFFFF  }
0x3c1: {  	_ =	shalt  }

</sc_bundles>
